<compile_context>
chip_gen: v7x
topology: tpu7x:2x2x1
jax: 0.10.2.dev20260603
libtpu: 0.0.44.dev20260713+nightly
codegen_flags: <defaults>
</compile_context>

<pallas_src>
import functools

import jax
import jax.numpy as jnp
from jax import lax
from jax.experimental import pallas as pl
from jax.experimental.pallas import tpu as pltpu
from jax.experimental.pallas import tpu_sc as plsc

N_NODES = 100000
N_EDGES = 3200000
NF = 6
NC, NS = 2, 16
NW = NC * NS
EPW = N_EDGES // NW
CHUNK = 800
NCHUNK = EPW // CHUNK
GRP = CHUNK // 16
NPAD = 100096
RPT = NPAD // NS

_PB = 4000
_PG = N_NODES // _PB


def _prep_body(ucw_ref, up_ref, uo_ref, t_ref, t2_ref):
    x = up_ref[...]
    m = jnp.max(x, axis=1, keepdims=True)
    e = jnp.exp(x - m)
    sm = e / jnp.sum(e, axis=1, keepdims=True)
    u = x + sm * ucw_ref[0]
    uo_ref[...] = u
    col = lax.broadcasted_iota(jnp.int32, u.shape, 1)
    valid = col < NF
    uc = jnp.where(valid, u, 0.0)
    t_ref[...] = jnp.where(valid, jnp.exp(-uc), 0.0)
    t2_ref[...] = jnp.where(valid, jnp.exp(uc), 0.0)


_prep = pl.pallas_call(
    _prep_body,
    grid=(_PG,),
    in_specs=[
        pl.BlockSpec(memory_space=pltpu.SMEM),
        pl.BlockSpec((_PB, 8), lambda i: (i, 0)),
    ],
    out_specs=[
        pl.BlockSpec((_PB, 8), lambda i: (i, 0)),
        pl.BlockSpec((_PB, 8), lambda i: (i, 0)),
        pl.BlockSpec((_PB, 8), lambda i: (i, 0)),
    ],
    out_shape=[
        jax.ShapeDtypeStruct((N_NODES, 8), jnp.float32),
        jax.ShapeDtypeStruct((N_NODES, 8), jnp.float32),
        jax.ShapeDtypeStruct((N_NODES, 8), jnp.float32),
    ],
)


def _combine_body(u_ref, a_ref, b_ref, o_ref):
    o_ref[...] = u_ref[...] + a_ref[...] + b_ref[...]


_combine = pl.pallas_call(
    _combine_body,
    grid=(_PG,),
    in_specs=[pl.BlockSpec((_PB, 8), lambda i: (i, 0))] * 3,
    out_specs=pl.BlockSpec((_PB, 8), lambda i: (i, 0)),
    out_shape=jax.ShapeDtypeStruct((N_NODES, 8), jnp.float32),
)


def _edge_body(t1_hbm, t2_hbm, bin_hbm, i1_hbm, i2_hbm, w_hbm, z_hbm,
               bp_hbm, acc_hbm,
               idx1_v, idx2_v, bin_v, g1_v, g2_v, s1_v, s2_v, bp_v, w_v,
               acc_sh, sem1a, sem1b, sem2a, sem2b, sem_lin):
    c = lax.axis_index("c")
    s = lax.axis_index("s")
    wid = s * NC + c
    gsems = ((sem1a, sem2a), (sem1b, sem2b))

    row0 = pl.multiple_of(s * RPT, 8)
    pltpu.sync_copy(z_hbm.at[pl.ds(row0, RPT)], acc_sh.at[pl.ds(row0, RPT)])
    pltpu.sync_copy(z_hbm.at[pl.ds(0, CHUNK)], s1_v)
    pltpu.sync_copy(z_hbm.at[pl.ds(0, CHUNK)], s2_v)
    pltpu.sync_copy(w_hbm, w_v)
    plsc.subcore_barrier()

    def lin_load(k, p):
        off = pl.multiple_of(wid * EPW + k * CHUNK, 8)
        lin = [pltpu.async_copy(i1_hbm.at[pl.ds(off, CHUNK)], idx1_v.at[p], sem_lin),
               pltpu.async_copy(i2_hbm.at[pl.ds(off, CHUNK)], idx2_v.at[p], sem_lin),
               pltpu.async_copy(bin_hbm.at[pl.ds(off, CHUNK)], bin_v.at[p], sem_lin)]
        for d in lin:
            d.wait()

    def fire_gathers(p):
        pltpu.async_copy(t1_hbm.at[idx1_v.at[p]], g1_v.at[p], gsems[p][0])
        pltpu.async_copy(t2_hbm.at[idx2_v.at[p]], g2_v.at[p], gsems[p][1])

    def wait_gathers(p):
        pltpu.make_async_copy(t1_hbm.at[idx1_v.at[p]], g1_v.at[p],
                              gsems[p][0]).wait()
        pltpu.make_async_copy(t2_hbm.at[idx2_v.at[p]], g2_v.at[p],
                              gsems[p][1]).wait()

    def process(k, p, q):
        kn = jnp.minimum(k + 1, NCHUNK - 1)
        lin_load(kn, q)
        fire_gathers(q)
        wait_gathers(p)

        def grp_body(g, carry2):
            rows = g * 16 + lax.iota(jnp.int32, 16)
            b = bin_v[p, pl.ds(g * 16, 16)]
            cexp = jnp.exp(-b)
            ssum = jnp.zeros((16,), jnp.float32)
            for i in range(NF):
                ci = jnp.full((16,), i, jnp.int32)
                a = plsc.load_gather(g1_v.at[p], [rows, ci])
                dp = plsc.load_gather(g2_v.at[p], [rows, ci])
                r = w_v[i] / (a + cexp + dp)
                plsc.store_scatter(s1_v, [rows, ci], -a * r)
                plsc.store_scatter(s2_v, [rows, ci], dp * r)
                ssum = ssum + r
            bp_v[pl.ds(g * 16, 16)] = b - cexp * ssum
            return carry2

        lax.fori_loop(0, GRP, grp_body, 0)

        off = pl.multiple_of(wid * EPW + k * CHUNK, 8)
        pltpu.sync_copy(s1_v, acc_sh.at[idx1_v.at[p]], add=True)
        pltpu.sync_copy(s2_v, acc_sh.at[idx2_v.at[p]], add=True)
        pltpu.sync_copy(bp_v, bp_hbm.at[pl.ds(off, CHUNK)])

    lin_load(0, 0)
    fire_gathers(0)
    process(0, 0, 1)

    def pair_body(t, carry):
        process(1 + 2 * t, 1, 0)
        process(2 + 2 * t, 0, 1)
        return carry

    lax.fori_loop(0, (NCHUNK - 1) // 2, pair_body, 0)
    wait_gathers(1)

    plsc.subcore_barrier()
    pltpu.sync_copy(acc_sh.at[pl.ds(row0, RPT)],
                    acc_hbm.at[c].at[pl.ds(row0, RPT)])


_edge = functools.partial(
    pl.kernel,
    out_type=[
        jax.ShapeDtypeStruct((N_EDGES,), jnp.float32),
        jax.ShapeDtypeStruct((NC, NPAD, 8), jnp.float32),
    ],
    mesh=plsc.VectorSubcoreMesh(core_axis_name="c", subcore_axis_name="s",
                                num_cores=NC, num_subcores=NS),
    compiler_params=pltpu.CompilerParams(needs_layout_passes=False,
                                         use_tc_tiling_on_sc=False),
    scratch_types=[
        pltpu.VMEM((2, CHUNK), jnp.int32),
        pltpu.VMEM((2, CHUNK), jnp.int32),
        pltpu.VMEM((2, CHUNK), jnp.float32),
        pltpu.VMEM((2, CHUNK, 8), jnp.float32),
        pltpu.VMEM((2, CHUNK, 8), jnp.float32),
        pltpu.VMEM((CHUNK, 8), jnp.float32),
        pltpu.VMEM((CHUNK, 8), jnp.float32),
        pltpu.VMEM((CHUNK,), jnp.float32),
        pltpu.VMEM((8, 16), jnp.float32),
        pltpu.VMEM_SHARED((NPAD, 8), jnp.float32),
        pltpu.SemaphoreType.DMA,
        pltpu.SemaphoreType.DMA,
        pltpu.SemaphoreType.DMA,
        pltpu.SemaphoreType.DMA,
        pltpu.SemaphoreType.DMA,
    ],
)(_edge_body)


@jax.jit
def kernel(unary, binary, index1, index2, unary_cw, binary_cw):
    pad = jnp.full((N_NODES, 2), -1e30, jnp.float32)
    unary_p = jnp.concatenate([unary, pad], axis=1)
    u_p, t1, t2 = _prep(unary_cw, unary_p)

    w_t = jnp.zeros((8, 16), jnp.float32).at[:NF].set(
        jnp.broadcast_to(binary_cw[:, None], (NF, 16)))
    zeros = jnp.zeros((NPAD, 8), jnp.float32)
    bp_r, acc = _edge(t1, t2, binary.reshape(N_EDGES), index1, index2,
                      w_t, zeros)

    up_p = _combine(u_p, acc[0, :N_NODES], acc[1, :N_NODES])
    return up_p[:, :NF], bp_r.reshape(N_EDGES, 1)

# --- scband reference (transcript-rebuilt; emitter-appended) ---
"""Pipeline reference for scband-relational-kenn-13271448944865 (READ-ONLY COPY).

The authoritative reference and input builder live on the scoring server;
editing this copy changes nothing except your own understanding.
"""

import jax, jax.numpy as jnp
import numpy as np

N_NODES = 100000
N_EDGES = 3200000
UNARY_PREDS = ["P0", "P1", "P2", "P3", "P4", "P5"]
BINARY_PREDS = [p + "x" for p in UNARY_PREDS] + [p + "y" for p in UNARY_PREDS] + ["Cite"]
UNARY_CLAUSES = ["_:P0,P1,P2,P3,P4,P5"]
BINARY_CLAUSES = ["_:nP%dx,nCite,P%dy" % (i, i) for i in range(6)]
N_UNARY = len(UNARY_PREDS)
INITIAL_CLAUSE_WEIGHT = 0.5


def parse_clauses(clauses, predicates):
    # KENN clause format: 'weight:lit1,lit2,...' ; literal 'nP' = negated predicate P.
    pred_idx = {p: i for i, p in enumerate(predicates)}
    parsed = []
    for c in clauses:
        _, body = c.split(":")
        idx, signs = [], []
        for lit in body.split(","):
            if lit.startswith("n"):
                signs.append(-1.0)
                idx.append(pred_idx[lit[1:]])
            else:
                signs.append(1.0)
                idx.append(pred_idx[lit])
        parsed.append((np.asarray(idx, np.int32), np.asarray(signs, np.float32)))
    return parsed


UNARY_PARSED = parse_clauses(UNARY_CLAUSES, UNARY_PREDS)
BINARY_PARSED = parse_clauses(BINARY_CLAUSES, BINARY_PREDS)


def knowledge_enhancer(ground_atoms, parsed, clause_weights):
    # KENN KnowledgeEnhancer: per clause, delta = sign * softmax(sign * z_selected) * w,
    # scattered back to full predicate width and summed over clauses.
    delta_total = jnp.zeros_like(ground_atoms)
    for i, (idx, signs) in enumerate(parsed):
        selected = jnp.take(ground_atoms, idx, axis=1) * signs
        delta = signs * jax.nn.softmax(selected, axis=1) * clause_weights[i]
        delta_total = delta_total.at[:, idx].add(delta)
    return delta_total


def setup_inputs(seed: int = 0) -> dict:
    key = jax.random.key(seed)
    k1, k2, k3, k4 = jax.random.split(key, 4)
    unary = jax.random.normal(k1, (N_NODES, N_UNARY), dtype=jnp.float32)
    binary = jax.random.normal(k2, (N_EDGES, 1), dtype=jnp.float32)
    index1 = jax.random.randint(k3, (N_EDGES,), 0, N_NODES, dtype=jnp.int32)
    index2 = jax.random.randint(k4, (N_EDGES,), 0, N_NODES, dtype=jnp.int32)
    # learned clause weights (init '_' -> trainable, initial value 0.5)
    unary_cw = jnp.full((len(UNARY_CLAUSES),), INITIAL_CLAUSE_WEIGHT, dtype=jnp.float32)
    binary_cw = jnp.full((len(BINARY_CLAUSES),), INITIAL_CLAUSE_WEIGHT, dtype=jnp.float32)
    return {"unary": unary, "binary": binary, "index1": index1, "index2": index2,
            "unary_cw": unary_cw, "binary_cw": binary_cw}


def reference(unary, binary, index1, index2, unary_cw, binary_cw):
    # unary KE
    u = unary + knowledge_enhancer(unary, UNARY_PARSED, unary_cw)
    # Join: gather both endpoints, concat with binary preactivations
    u1 = jnp.take(u, index1, axis=0)
    u2 = jnp.take(u, index2, axis=0)
    joined = jnp.concatenate([u1, u2, binary], axis=1)
    # binary KE on joined matrix
    deltas = knowledge_enhancer(joined, BINARY_PARSED, binary_cw)
    # GroupBy: split deltas and scatter-add unary parts back to nodes
    d_ux = deltas[:, :N_UNARY]
    d_uy = deltas[:, N_UNARY:2 * N_UNARY]
    d_b = deltas[:, 2 * N_UNARY:]
    up = u + jnp.zeros_like(u).at[index1].add(d_ux) + jnp.zeros_like(u).at[index2].add(d_uy)
    bp = binary + d_b
    # activation = identity (default)
    return up, bp

if __name__ == "__main__":
    import jax
    _d = setup_inputs()
    print(jax.jit(kernel)(*tuple(_d.values())))

</pallas_src>

<mosaic_0001>
#map = affine_map<(d0, d1) -> (0, 0)>
#map1 = affine_map<(d0, d1) -> (0)>
#map2 = affine_map<(d0, d1) -> (0, 0, 0)>
module attributes {stable_mosaic.version = 14 : i64} {
  func.func @_edge_body(%arg0: i32, %arg1: i32, %arg2: memref<100000x8xf32, #tpu.memory_space<hbm>>, %arg3: memref<100000x8xf32, #tpu.memory_space<hbm>>, %arg4: memref<3200000xf32, #tpu.memory_space<hbm>>, %arg5: memref<3200000xi32, #tpu.memory_space<hbm>>, %arg6: memref<3200000xi32, #tpu.memory_space<hbm>>, %arg7: memref<8x16xf32, #tpu.memory_space<hbm>>, %arg8: memref<100096x8xf32, #tpu.memory_space<hbm>>, %arg9: memref<3200000xf32, #tpu.memory_space<hbm>>, %arg10: memref<2x100096x8xf32, #tpu.memory_space<hbm>>, %arg11: memref<2x800xi32, #tpu.memory_space<vmem>>, %arg12: memref<2x800xi32, #tpu.memory_space<vmem>>, %arg13: memref<2x800xf32, #tpu.memory_space<vmem>>, %arg14: memref<2x800x8xf32, #tpu.memory_space<vmem>>, %arg15: memref<2x800x8xf32, #tpu.memory_space<vmem>>, %arg16: memref<800x8xf32, #tpu.memory_space<vmem>>, %arg17: memref<800x8xf32, #tpu.memory_space<vmem>>, %arg18: memref<800xf32, #tpu.memory_space<vmem>>, %arg19: memref<8x16xf32, #tpu.memory_space<vmem>>, %arg20: memref<100096x8xf32, #tpu.memory_space<vmem_shared>>, %arg21: memref<!tpu.dma_semaphore, #tpu.memory_space<semaphore_mem>>, %arg22: memref<!tpu.dma_semaphore, #tpu.memory_space<semaphore_mem>>, %arg23: memref<!tpu.dma_semaphore, #tpu.memory_space<semaphore_mem>>, %arg24: memref<!tpu.dma_semaphore, #tpu.memory_space<semaphore_mem>>, %arg25: memref<!tpu.dma_semaphore, #tpu.memory_space<semaphore_mem>>) attributes {dimension_semantics = [#tpu.dimension_semantics<core_parallel>, #tpu.dimension_semantics<subcore_parallel>], iteration_bounds = array<i64: 2, 16>, scalar_prefetch = 0 : i64, scratch_operands = 15 : i64, tpu.core_type = #tpu.core_type<sc_vector_subcore>, window_params = [{transform_indices = #map}, {transform_indices = #map}, {transform_indices = #map1}, {transform_indices = #map1}, {transform_indices = #map1}, {transform_indices = #map}, {transform_indices = #map}, {transform_indices = #map1}, {transform_indices = #map2}]} {
    %mul3A = arith.constant 2 : i32
    %mul3A_0 = arith.muli %arg1, %mul3A : i32
    %add3A = arith.addi %mul3A_0, %arg0 : i32
    %mul3A_1 = arith.constant 6256 : i32
    %mul3A_2 = arith.muli %arg1, %mul3A_1 : i32
    %multiple_of3A = tpu.assume_multiple %mul3A_2, 8 : i32
    "tpu.region"() ({
      %run_scoped3A_236 = tpu.sem_alloc : memref<!tpu.dma_semaphore, #tpu.memory_space<semaphore_mem>>
      %dma_start3A_237 = arith.constant 0 : i32
      %dma_start3A_238 = tpu.memref_slice %arg20[%multiple_of3A, %dma_start3A_237] : memref<100096x8xf32, #tpu.memory_space<vmem_shared>> -> memref<6256x8xf32, #tpu.memory_space<vmem_shared>>
      %dma_start3A_239 = arith.constant 0 : i32
      %dma_start3A_240 = tpu.memref_slice %arg8[%multiple_of3A, %dma_start3A_239] : memref<100096x8xf32, #tpu.memory_space<hbm>> -> memref<6256x8xf32, #tpu.memory_space<hbm>>
      tpu.enqueue_dma source(%dma_start3A_240 : memref<6256x8xf32, #tpu.memory_space<hbm>>) target(%dma_start3A_238 : memref<6256x8xf32, #tpu.memory_space<vmem_shared>>) target_semaphore(%run_scoped3A_236 : memref<!tpu.dma_semaphore, #tpu.memory_space<semaphore_mem>>)
      %dma_wait3A_241 = arith.constant 0 : i32
      %dma_wait3A_242 = tpu.memref_slice %arg20[%multiple_of3A, %dma_wait3A_241] : memref<100096x8xf32, #tpu.memory_space<vmem_shared>> -> memref<6256x8xf32, #tpu.memory_space<vmem_shared>>
      %dma_wait3A_243 = arith.constant 0 : i32
      %dma_wait3A_244 = tpu.memref_slice %arg8[%multiple_of3A, %dma_wait3A_243] : memref<100096x8xf32, #tpu.memory_space<hbm>> -> memref<6256x8xf32, #tpu.memory_space<hbm>>
      tpu.wait_dma2 semaphore(%run_scoped3A_236 : memref<!tpu.dma_semaphore, #tpu.memory_space<semaphore_mem>>) src(%dma_wait3A_244 : memref<6256x8xf32, #tpu.memory_space<hbm>>) dst(%dma_wait3A_242 : memref<6256x8xf32, #tpu.memory_space<vmem_shared>>)
      tpu.yield
    }) : () -> ()
    "tpu.region"() ({
      %run_scoped3A_236 = tpu.sem_alloc : memref<!tpu.dma_semaphore, #tpu.memory_space<semaphore_mem>>
      %dma_start3A_237 = arith.constant 0 : i32
      %dma_start3A_238 = arith.constant 0 : i32
      %dma_start3A_239 = tpu.memref_slice %arg8[%dma_start3A_237, %dma_start3A_238] : memref<100096x8xf32, #tpu.memory_space<hbm>> -> memref<800x8xf32, #tpu.memory_space<hbm>>
      %dma_start3A_240 = arith.constant 0 : i32
      %dma_start3A_241 = arith.constant 0 : i32
      %dma_start3A_242 = tpu.memref_slice %arg8[%dma_start3A_240, %dma_start3A_241] : memref<100096x8xf32, #tpu.memory_space<hbm>> -> memref<800x8xf32, #tpu.memory_space<hbm>>
      tpu.enqueue_dma source(%dma_start3A_242 : memref<800x8xf32, #tpu.memory_space<hbm>>) target(%arg16 : memref<800x8xf32, #tpu.memory_space<vmem>>) target_semaphore(%run_scoped3A_236 : memref<!tpu.dma_semaphore, #tpu.memory_space<semaphore_mem>>)
      %dma_wait3A_243 = arith.constant 0 : i32
      %dma_wait3A_244 = arith.constant 0 : i32
      %dma_wait3A_245 = tpu.memref_slice %arg8[%dma_wait3A_243, %dma_wait3A_244] : memref<100096x8xf32, #tpu.memory_space<hbm>> -> memref<800x8xf32, #tpu.memory_space<hbm>>
      %dma_wait3A_246 = arith.constant 0 : i32
      %dma_wait3A_247 = arith.constant 0 : i32
      %dma_wait3A_248 = tpu.memref_slice %arg8[%dma_wait3A_246, %dma_wait3A_247] : memref<100096x8xf32, #tpu.memory_space<hbm>> -> memref<800x8xf32, #tpu.memory_space<hbm>>
      tpu.wait_dma2 semaphore(%run_scoped3A_236 : memref<!tpu.dma_semaphore, #tpu.memory_space<semaphore_mem>>) src(%dma_wait3A_248 : memref<800x8xf32, #tpu.memory_space<hbm>>) dst(%arg16 : memref<800x8xf32, #tpu.memory_space<vmem>>)
      tpu.yield
    }) : () -> ()
    "tpu.region"() ({
      %run_scoped3A_236 = tpu.sem_alloc : memref<!tpu.dma_semaphore, #tpu.memory_space<semaphore_mem>>
      %dma_start3A_237 = arith.constant 0 : i32
      %dma_start3A_238 = arith.constant 0 : i32
      %dma_start3A_239 = tpu.memref_slice %arg8[%dma_start3A_237, %dma_start3A_238] : memref<100096x8xf32, #tpu.memory_space<hbm>> -> memref<800x8xf32, #tpu.memory_space<hbm>>
      %dma_start3A_240 = arith.constant 0 : i32
      %dma_start3A_241 = arith.constant 0 : i32
      %dma_start3A_242 = tpu.memref_slice %arg8[%dma_start3A_240, %dma_start3A_241] : memref<100096x8xf32, #tpu.memory_space<hbm>> -> memref<800x8xf32, #tpu.memory_space<hbm>>
      tpu.enqueue_dma source(%dma_start3A_242 : memref<800x8xf32, #tpu.memory_space<hbm>>) target(%arg17 : memref<800x8xf32, #tpu.memory_space<vmem>>) target_semaphore(%run_scoped3A_236 : memref<!tpu.dma_semaphore, #tpu.memory_space<semaphore_mem>>)
      %dma_wait3A_243 = arith.constant 0 : i32
      %dma_wait3A_244 = arith.constant 0 : i32
      %dma_wait3A_245 = tpu.memref_slice %arg8[%dma_wait3A_243, %dma_wait3A_244] : memref<100096x8xf32, #tpu.memory_space<hbm>> -> memref<800x8xf32, #tpu.memory_space<hbm>>
      %dma_wait3A_246 = arith.constant 0 : i32
      %dma_wait3A_247 = arith.constant 0 : i32
      %dma_wait3A_248 = tpu.memref_slice %arg8[%dma_wait3A_246, %dma_wait3A_247] : memref<100096x8xf32, #tpu.memory_space<hbm>> -> memref<800x8xf32, #tpu.memory_space<hbm>>
      tpu.wait_dma2 semaphore(%run_scoped3A_236 : memref<!tpu.dma_semaphore, #tpu.memory_space<semaphore_mem>>) src(%dma_wait3A_248 : memref<800x8xf32, #tpu.memory_space<hbm>>) dst(%arg17 : memref<800x8xf32, #tpu.memory_space<vmem>>)
      tpu.yield
    }) : () -> ()
    "tpu.region"() ({
      %run_scoped3A_236 = tpu.sem_alloc : memref<!tpu.dma_semaphore, #tpu.memory_space<semaphore_mem>>
      tpu.enqueue_dma source(%arg7 : memref<8x16xf32, #tpu.memory_space<hbm>>) target(%arg19 : memref<8x16xf32, #tpu.memory_space<vmem>>) target_semaphore(%run_scoped3A_236 : memref<!tpu.dma_semaphore, #tpu.memory_space<semaphore_mem>>)
      tpu.wait_dma2 semaphore(%run_scoped3A_236 : memref<!tpu.dma_semaphore, #tpu.memory_space<semaphore_mem>>) src(%arg7 : memref<8x16xf32, #tpu.memory_space<hbm>>) dst(%arg19 : memref<8x16xf32, #tpu.memory_space<vmem>>)
      tpu.yield
    }) : () -> ()
    %barrier3A = arith.constant 0 : index
    tpu.barrier barrier_id(%barrier3A)
    %mul3A_3 = arith.constant 100000 : i32
    %mul3A_4 = arith.muli %add3A, %mul3A_3 : i32
    %add3A_5 = arith.constant 0 : i32
    %add3A_6 = arith.addi %mul3A_4, %add3A_5 : i32
    %multiple_of3A_7 = tpu.assume_multiple %add3A_6, 8 : i32
    %dma_start3A = arith.constant 0 : i32
    %dma_start3A_8 = arith.constant 0 : i32
    %dma_start3A_9 = tpu.memref_slice %arg11[%dma_start3A, %dma_start3A_8] : memref<2x800xi32, #tpu.memory_space<vmem>> -> memref<1x800xi32, #tpu.memory_space<vmem>>
    %dma_start3A_10 = tpu.memref_squeeze %dma_start3A_9 : memref<1x800xi32, #tpu.memory_space<vmem>> -> memref<800xi32, #tpu.memory_space<vmem>>
    %dma_start3A_11 = tpu.memref_slice %arg5[%multiple_of3A_7] : memref<3200000xi32, #tpu.memory_space<hbm>> -> memref<800xi32, #tpu.memory_space<hbm>>
    %dma_start3A_12 = arith.constant 0 : i32
    %dma_start3A_13 = tpu.memref_slice %arg11[%dma_start3A, %dma_start3A_12] : memref<2x800xi32, #tpu.memory_space<vmem>> -> memref<1x800xi32, #tpu.memory_space<vmem>>
    %dma_start3A_14 = tpu.memref_squeeze %dma_start3A_13 : memref<1x800xi32, #tpu.memory_space<vmem>> -> memref<800xi32, #tpu.memory_space<vmem>>
    %dma_start3A_15 = tpu.memref_slice %arg5[%multiple_of3A_7] : memref<3200000xi32, #tpu.memory_space<hbm>> -> memref<800xi32, #tpu.memory_space<hbm>>
    tpu.enqueue_dma source(%dma_start3A_15 : memref<800xi32, #tpu.memory_space<hbm>>) target(%dma_start3A_14 : memref<800xi32, #tpu.memory_space<vmem>>) target_semaphore(%arg25 : memref<!tpu.dma_semaphore, #tpu.memory_space<semaphore_mem>>)
    %dma_start3A_16 = arith.constant 0 : i32
    %dma_start3A_17 = arith.constant 0 : i32
    %dma_start3A_18 = tpu.memref_slice %arg12[%dma_start3A_16, %dma_start3A_17] : memref<2x800xi32, #tpu.memory_space<vmem>> -> memref<1x800xi32, #tpu.memory_space<vmem>>
    %dma_start3A_19 = tpu.memref_squeeze %dma_start3A_18 : memref<1x800xi32, #tpu.memory_space<vmem>> -> memref<800xi32, #tpu.memory_space<vmem>>
    %dma_start3A_20 = tpu.memref_slice %arg6[%multiple_of3A_7] : memref<3200000xi32, #tpu.memory_space<hbm>> -> memref<800xi32, #tpu.memory_space<hbm>>
    %dma_start3A_21 = arith.constant 0 : i32
    %dma_start3A_22 = tpu.memref_slice %arg12[%dma_start3A_16, %dma_start3A_21] : memref<2x800xi32, #tpu.memory_space<vmem>> -> memref<1x800xi32, #tpu.memory_space<vmem>>
    %dma_start3A_23 = tpu.memref_squeeze %dma_start3A_22 : memref<1x800xi32, #tpu.memory_space<vmem>> -> memref<800xi32, #tpu.memory_space<vmem>>
    %dma_start3A_24 = tpu.memref_slice %arg6[%multiple_of3A_7] : memref<3200000xi32, #tpu.memory_space<hbm>> -> memref<800xi32, #tpu.memory_space<hbm>>
    tpu.enqueue_dma source(%dma_start3A_24 : memref<800xi32, #tpu.memory_space<hbm>>) target(%dma_start3A_23 : memref<800xi32, #tpu.memory_space<vmem>>) target_semaphore(%arg25 : memref<!tpu.dma_semaphore, #tpu.memory_space<semaphore_mem>>)
    %dma_start3A_25 = arith.constant 0 : i32
    %dma_start3A_26 = arith.constant 0 : i32
    %dma_start3A_27 = tpu.memref_slice %arg13[%dma_start3A_25, %dma_start3A_26] : memref<2x800xf32, #tpu.memory_space<vmem>> -> memref<1x800xf32, #tpu.memory_space<vmem>>
    %dma_start3A_28 = tpu.memref_squeeze %dma_start3A_27 : memref<1x800xf32, #tpu.memory_space<vmem>> -> memref<800xf32, #tpu.memory_space<vmem>>
    %dma_start3A_29 = tpu.memref_slice %arg4[%multiple_of3A_7] : memref<3200000xf32, #tpu.memory_space<hbm>> -> memref<800xf32, #tpu.memory_space<hbm>>
    %dma_start3A_30 = arith.constant 0 : i32
    %dma_start3A_31 = tpu.memref_slice %arg13[%dma_start3A_25, %dma_start3A_30] : memref<2x800xf32, #tpu.memory_space<vmem>> -> memref<1x800xf32, #tpu.memory_space<vmem>>
    %dma_start3A_32 = tpu.memref_squeeze %dma_start3A_31 : memref<1x800xf32, #tpu.memory_space<vmem>> -> memref<800xf32, #tpu.memory_space<vmem>>
    %dma_start3A_33 = tpu.memref_slice %arg4[%multiple_of3A_7] : memref<3200000xf32, #tpu.memory_space<hbm>> -> memref<800xf32, #tpu.memory_space<hbm>>
    tpu.enqueue_dma source(%dma_start3A_33 : memref<800xf32, #tpu.memory_space<hbm>>) target(%dma_start3A_32 : memref<800xf32, #tpu.memory_space<vmem>>) target_semaphore(%arg25 : memref<!tpu.dma_semaphore, #tpu.memory_space<semaphore_mem>>)
    %dma_wait3A = arith.constant 0 : i32
    %dma_wait3A_34 = arith.constant 0 : i32
    %dma_wait3A_35 = tpu.memref_slice %arg11[%dma_wait3A, %dma_wait3A_34] : memref<2x800xi32, #tpu.memory_space<vmem>> -> memref<1x800xi32, #tpu.memory_space<vmem>>
    %dma_wait3A_36 = tpu.memref_squeeze %dma_wait3A_35 : memref<1x800xi32, #tpu.memory_space<vmem>> -> memref<800xi32, #tpu.memory_space<vmem>>
    %dma_wait3A_37 = tpu.memref_slice %arg5[%multiple_of3A_7] : memref<3200000xi32, #tpu.memory_space<hbm>> -> memref<800xi32, #tpu.memory_space<hbm>>
    %dma_wait3A_38 = arith.constant 0 : i32
    %dma_wait3A_39 = tpu.memref_slice %arg11[%dma_wait3A, %dma_wait3A_38] : memref<2x800xi32, #tpu.memory_space<vmem>> -> memref<1x800xi32, #tpu.memory_space<vmem>>
    %dma_wait3A_40 = tpu.memref_squeeze %dma_wait3A_39 : memref<1x800xi32, #tpu.memory_space<vmem>> -> memref<800xi32, #tpu.memory_space<vmem>>
    %dma_wait3A_41 = tpu.memref_slice %arg5[%multiple_of3A_7] : memref<3200000xi32, #tpu.memory_space<hbm>> -> memref<800xi32, #tpu.memory_space<hbm>>
    tpu.wait_dma2 semaphore(%arg25 : memref<!tpu.dma_semaphore, #tpu.memory_space<semaphore_mem>>) src(%dma_wait3A_41 : memref<800xi32, #tpu.memory_space<hbm>>) dst(%dma_wait3A_40 : memref<800xi32, #tpu.memory_space<vmem>>)
    %dma_wait3A_42 = arith.constant 0 : i32
    %dma_wait3A_43 = arith.constant 0 : i32
    %dma_wait3A_44 = tpu.memref_slice %arg12[%dma_wait3A_42, %dma_wait3A_43] : memref<2x800xi32, #tpu.memory_space<vmem>> -> memref<1x800xi32, #tpu.memory_space<vmem>>
    %dma_wait3A_45 = tpu.memref_squeeze %dma_wait3A_44 : memref<1x800xi32, #tpu.memory_space<vmem>> -> memref<800xi32, #tpu.memory_space<vmem>>
    %dma_wait3A_46 = tpu.memref_slice %arg6[%multiple_of3A_7] : memref<3200000xi32, #tpu.memory_space<hbm>> -> memref<800xi32, #tpu.memory_space<hbm>>
    %dma_wait3A_47 = arith.constant 0 : i32
    %dma_wait3A_48 = tpu.memref_slice %arg12[%dma_wait3A_42, %dma_wait3A_47] : memref<2x800xi32, #tpu.memory_space<vmem>> -> memref<1x800xi32, #tpu.memory_space<vmem>>
    %dma_wait3A_49 = tpu.memref_squeeze %dma_wait3A_48 : memref<1x800xi32, #tpu.memory_space<vmem>> -> memref<800xi32, #tpu.memory_space<vmem>>
    %dma_wait3A_50 = tpu.memref_slice %arg6[%multiple_of3A_7] : memref<3200000xi32, #tpu.memory_space<hbm>> -> memref<800xi32, #tpu.memory_space<hbm>>
    tpu.wait_dma2 semaphore(%arg25 : memref<!tpu.dma_semaphore, #tpu.memory_space<semaphore_mem>>) src(%dma_wait3A_50 : memref<800xi32, #tpu.memory_space<hbm>>) dst(%dma_wait3A_49 : memref<800xi32, #tpu.memory_space<vmem>>)
    %dma_wait3A_51 = arith.constant 0 : i32
    %dma_wait3A_52 = arith.constant 0 : i32
    %dma_wait3A_53 = tpu.memref_slice %arg13[%dma_wait3A_51, %dma_wait3A_52] : memref<2x800xf32, #tpu.memory_space<vmem>> -> memref<1x800xf32, #tpu.memory_space<vmem>>
    %dma_wait3A_54 = tpu.memref_squeeze %dma_wait3A_53 : memref<1x800xf32, #tpu.memory_space<vmem>> -> memref<800xf32, #tpu.memory_space<vmem>>
    %dma_wait3A_55 = tpu.memref_slice %arg4[%multiple_of3A_7] : memref<3200000xf32, #tpu.memory_space<hbm>> -> memref<800xf32, #tpu.memory_space<hbm>>
    %dma_wait3A_56 = arith.constant 0 : i32
    %dma_wait3A_57 = tpu.memref_slice %arg13[%dma_wait3A_51, %dma_wait3A_56] : memref<2x800xf32, #tpu.memory_space<vmem>> -> memref<1x800xf32, #tpu.memory_space<vmem>>
    %dma_wait3A_58 = tpu.memref_squeeze %dma_wait3A_57 : memref<1x800xf32, #tpu.memory_space<vmem>> -> memref<800xf32, #tpu.memory_space<vmem>>
    %dma_wait3A_59 = tpu.memref_slice %arg4[%multiple_of3A_7] : memref<3200000xf32, #tpu.memory_space<hbm>> -> memref<800xf32, #tpu.memory_space<hbm>>
    tpu.wait_dma2 semaphore(%arg25 : memref<!tpu.dma_semaphore, #tpu.memory_space<semaphore_mem>>) src(%dma_wait3A_59 : memref<800xf32, #tpu.memory_space<hbm>>) dst(%dma_wait3A_58 : memref<800xf32, #tpu.memory_space<vmem>>)
    %dma_start3A_60 = arith.constant 0 : i32
    %dma_start3A_61 = arith.constant 0 : i32
    %dma_start3A_62 = arith.constant 0 : i32
    %dma_start3A_63 = arith.constant 0 : i32
    %dma_start3A_64 = tpu.memref_slice %arg14[%dma_start3A_61, %dma_start3A_62, %dma_start3A_63] : memref<2x800x8xf32, #tpu.memory_space<vmem>> -> memref<1x800x8xf32, #tpu.memory_space<vmem>>
    %dma_start3A_65 = tpu.memref_squeeze %dma_start3A_64 : memref<1x800x8xf32, #tpu.memory_space<vmem>> -> memref<800x8xf32, #tpu.memory_space<vmem>>
    %dma_start3A_66 = arith.constant 0 : i32
    %dma_start3A_67 = tpu.memref_slice %arg11[%dma_start3A_60, %dma_start3A_66] : memref<2x800xi32, #tpu.memory_space<vmem>> -> memref<1x800xi32, #tpu.memory_space<vmem>>
    %dma_start3A_68 = tpu.memref_squeeze %dma_start3A_67 : memref<1x800xi32, #tpu.memory_space<vmem>> -> memref<800xi32, #tpu.memory_space<vmem>>
    %dma_start3A_69 = arith.constant 0 : i32
    %dma_start3A_70 = arith.constant 0 : i32
    %dma_start3A_71 = tpu.memref_slice %arg2[%dma_start3A_69, %dma_start3A_70] : memref<100000x8xf32, #tpu.memory_space<hbm>> -> memref<100000x8xf32, #tpu.memory_space<hbm>>
    tpu.enqueue_indirect_dma source(%dma_start3A_71 : memref<100000x8xf32, #tpu.memory_space<hbm>>) target(%dma_start3A_65 : memref<800x8xf32, #tpu.memory_space<vmem>>) offsets(%dma_start3A_68 : memref<800xi32, #tpu.memory_space<vmem>>) semaphore(%arg21 : memref<!tpu.dma_semaphore, #tpu.memory_space<semaphore_mem>>)
    %dma_start3A_72 = arith.constant 0 : i32
    %dma_start3A_73 = arith.constant 0 : i32
    %dma_start3A_74 = arith.constant 0 : i32
    %dma_start3A_75 = arith.constant 0 : i32
    %dma_start3A_76 = tpu.memref_slice %arg15[%dma_start3A_73, %dma_start3A_74, %dma_start3A_75] : memref<2x800x8xf32, #tpu.memory_space<vmem>> -> memref<1x800x8xf32, #tpu.memory_space<vmem>>
    %dma_start3A_77 = tpu.memref_squeeze %dma_start3A_76 : memref<1x800x8xf32, #tpu.memory_space<vmem>> -> memref<800x8xf32, #tpu.memory_space<vmem>>
    %dma_start3A_78 = arith.constant 0 : i32
    %dma_start3A_79 = tpu.memref_slice %arg12[%dma_start3A_72, %dma_start3A_78] : memref<2x800xi32, #tpu.memory_space<vmem>> -> memref<1x800xi32, #tpu.memory_space<vmem>>
    %dma_start3A_80 = tpu.memref_squeeze %dma_start3A_79 : memref<1x800xi32, #tpu.memory_space<vmem>> -> memref<800xi32, #tpu.memory_space<vmem>>
    %dma_start3A_81 = arith.constant 0 : i32
    %dma_start3A_82 = arith.constant 0 : i32
    %dma_start3A_83 = tpu.memref_slice %arg3[%dma_start3A_81, %dma_start3A_82] : memref<100000x8xf32, #tpu.memory_space<hbm>> -> memref<100000x8xf32, #tpu.memory_space<hbm>>
    tpu.enqueue_indirect_dma source(%dma_start3A_83 : memref<100000x8xf32, #tpu.memory_space<hbm>>) target(%dma_start3A_77 : memref<800x8xf32, #tpu.memory_space<vmem>>) offsets(%dma_start3A_80 : memref<800xi32, #tpu.memory_space<vmem>>) semaphore(%arg23 : memref<!tpu.dma_semaphore, #tpu.memory_space<semaphore_mem>>)
    %min3A = arith.constant 1 : i32
    %min3A_84 = arith.constant 124 : i32
    %min3A_85 = arith.minsi %min3A, %min3A_84 : i32
    %mul3A_86 = arith.constant 100000 : i32
    %mul3A_87 = arith.muli %add3A, %mul3A_86 : i32
    %mul3A_88 = arith.constant 800 : i32
    %mul3A_89 = arith.muli %min3A_85, %mul3A_88 : i32
    %add3A_90 = arith.addi %mul3A_87, %mul3A_89 : i32
    %multiple_of3A_91 = tpu.assume_multiple %add3A_90, 8 : i32
    %dma_start3A_92 = arith.constant 1 : i32
    %dma_start3A_93 = arith.constant 0 : i32
    %dma_start3A_94 = tpu.memref_slice %arg11[%dma_start3A_92, %dma_start3A_93] : memref<2x800xi32, #tpu.memory_space<vmem>> -> memref<1x800xi32, #tpu.memory_space<vmem>>
    %dma_start3A_95 = tpu.memref_squeeze %dma_start3A_94 : memref<1x800xi32, #tpu.memory_space<vmem>> -> memref<800xi32, #tpu.memory_space<vmem>>
    %dma_start3A_96 = tpu.memref_slice %arg5[%multiple_of3A_91] : memref<3200000xi32, #tpu.memory_space<hbm>> -> memref<800xi32, #tpu.memory_space<hbm>>
    %dma_start3A_97 = arith.constant 0 : i32
    %dma_start3A_98 = tpu.memref_slice %arg11[%dma_start3A_92, %dma_start3A_97] : memref<2x800xi32, #tpu.memory_space<vmem>> -> memref<1x800xi32, #tpu.memory_space<vmem>>
    %dma_start3A_99 = tpu.memref_squeeze %dma_start3A_98 : memref<1x800xi32, #tpu.memory_space<vmem>> -> memref<800xi32, #tpu.memory_space<vmem>>
    %dma_start3A_100 = tpu.memref_slice %arg5[%multiple_of3A_91] : memref<3200000xi32, #tpu.memory_space<hbm>> -> memref<800xi32, #tpu.memory_space<hbm>>
    tpu.enqueue_dma source(%dma_start3A_100 : memref<800xi32, #tpu.memory_space<hbm>>) target(%dma_start3A_99 : memref<800xi32, #tpu.memory_space<vmem>>) target_semaphore(%arg25 : memref<!tpu.dma_semaphore, #tpu.memory_space<semaphore_mem>>)
    %dma_start3A_101 = arith.constant 1 : i32
    %dma_start3A_102 = arith.constant 0 : i32
    %dma_start3A_103 = tpu.memref_slice %arg12[%dma_start3A_101, %dma_start3A_102] : memref<2x800xi32, #tpu.memory_space<vmem>> -> memref<1x800xi32, #tpu.memory_space<vmem>>
    %dma_start3A_104 = tpu.memref_squeeze %dma_start3A_103 : memref<1x800xi32, #tpu.memory_space<vmem>> -> memref<800xi32, #tpu.memory_space<vmem>>
    %dma_start3A_105 = tpu.memref_slice %arg6[%multiple_of3A_91] : memref<3200000xi32, #tpu.memory_space<hbm>> -> memref<800xi32, #tpu.memory_space<hbm>>
    %dma_start3A_106 = arith.constant 0 : i32
    %dma_start3A_107 = tpu.memref_slice %arg12[%dma_start3A_101, %dma_start3A_106] : memref<2x800xi32, #tpu.memory_space<vmem>> -> memref<1x800xi32, #tpu.memory_space<vmem>>
    %dma_start3A_108 = tpu.memref_squeeze %dma_start3A_107 : memref<1x800xi32, #tpu.memory_space<vmem>> -> memref<800xi32, #tpu.memory_space<vmem>>
    %dma_start3A_109 = tpu.memref_slice %arg6[%multiple_of3A_91] : memref<3200000xi32, #tpu.memory_space<hbm>> -> memref<800xi32, #tpu.memory_space<hbm>>
    tpu.enqueue_dma source(%dma_start3A_109 : memref<800xi32, #tpu.memory_space<hbm>>) target(%dma_start3A_108 : memref<800xi32, #tpu.memory_space<vmem>>) target_semaphore(%arg25 : memref<!tpu.dma_semaphore, #tpu.memory_space<semaphore_mem>>)
    %dma_start3A_110 = arith.constant 1 : i32
    %dma_start3A_111 = arith.constant 0 : i32
    %dma_start3A_112 = tpu.memref_slice %arg13[%dma_start3A_110, %dma_start3A_111] : memref<2x800xf32, #tpu.memory_space<vmem>> -> memref<1x800xf32, #tpu.memory_space<vmem>>
    %dma_start3A_113 = tpu.memref_squeeze %dma_start3A_112 : memref<1x800xf32, #tpu.memory_space<vmem>> -> memref<800xf32, #tpu.memory_space<vmem>>
    %dma_start3A_114 = tpu.memref_slice %arg4[%multiple_of3A_91] : memref<3200000xf32, #tpu.memory_space<hbm>> -> memref<800xf32, #tpu.memory_space<hbm>>
    %dma_start3A_115 = arith.constant 0 : i32
    %dma_start3A_116 = tpu.memref_slice %arg13[%dma_start3A_110, %dma_start3A_115] : memref<2x800xf32, #tpu.memory_space<vmem>> -> memref<1x800xf32, #tpu.memory_space<vmem>>
    %dma_start3A_117 = tpu.memref_squeeze %dma_start3A_116 : memref<1x800xf32, #tpu.memory_space<vmem>> -> memref<800xf32, #tpu.memory_space<vmem>>
    %dma_start3A_118 = tpu.memref_slice %arg4[%multiple_of3A_91] : memref<3200000xf32, #tpu.memory_space<hbm>> -> memref<800xf32, #tpu.memory_space<hbm>>
    tpu.enqueue_dma source(%dma_start3A_118 : memref<800xf32, #tpu.memory_space<hbm>>) target(%dma_start3A_117 : memref<800xf32, #tpu.memory_space<vmem>>) target_semaphore(%arg25 : memref<!tpu.dma_semaphore, #tpu.memory_space<semaphore_mem>>)
    %dma_wait3A_119 = arith.constant 1 : i32
    %dma_wait3A_120 = arith.constant 0 : i32
    %dma_wait3A_121 = tpu.memref_slice %arg11[%dma_wait3A_119, %dma_wait3A_120] : memref<2x800xi32, #tpu.memory_space<vmem>> -> memref<1x800xi32, #tpu.memory_space<vmem>>
    %dma_wait3A_122 = tpu.memref_squeeze %dma_wait3A_121 : memref<1x800xi32, #tpu.memory_space<vmem>> -> memref<800xi32, #tpu.memory_space<vmem>>
    %dma_wait3A_123 = tpu.memref_slice %arg5[%multiple_of3A_91] : memref<3200000xi32, #tpu.memory_space<hbm>> -> memref<800xi32, #tpu.memory_space<hbm>>
    %dma_wait3A_124 = arith.constant 0 : i32
    %dma_wait3A_125 = tpu.memref_slice %arg11[%dma_wait3A_119, %dma_wait3A_124] : memref<2x800xi32, #tpu.memory_space<vmem>> -> memref<1x800xi32, #tpu.memory_space<vmem>>
    %dma_wait3A_126 = tpu.memref_squeeze %dma_wait3A_125 : memref<1x800xi32, #tpu.memory_space<vmem>> -> memref<800xi32, #tpu.memory_space<vmem>>
    %dma_wait3A_127 = tpu.memref_slice %arg5[%multiple_of3A_91] : memref<3200000xi32, #tpu.memory_space<hbm>> -> memref<800xi32, #tpu.memory_space<hbm>>
    tpu.wait_dma2 semaphore(%arg25 : memref<!tpu.dma_semaphore, #tpu.memory_space<semaphore_mem>>) src(%dma_wait3A_127 : memref<800xi32, #tpu.memory_space<hbm>>) dst(%dma_wait3A_126 : memref<800xi32, #tpu.memory_space<vmem>>)
    %dma_wait3A_128 = arith.constant 1 : i32
    %dma_wait3A_129 = arith.constant 0 : i32
    %dma_wait3A_130 = tpu.memref_slice %arg12[%dma_wait3A_128, %dma_wait3A_129] : memref<2x800xi32, #tpu.memory_space<vmem>> -> memref<1x800xi32, #tpu.memory_space<vmem>>
    %dma_wait3A_131 = tpu.memref_squeeze %dma_wait3A_130 : memref<1x800xi32, #tpu.memory_space<vmem>> -> memref<800xi32, #tpu.memory_space<vmem>>
    %dma_wait3A_132 = tpu.memref_slice %arg6[%multiple_of3A_91] : memref<3200000xi32, #tpu.memory_space<hbm>> -> memref<800xi32, #tpu.memory_space<hbm>>
    %dma_wait3A_133 = arith.constant 0 : i32
    %dma_wait3A_134 = tpu.memref_slice %arg12[%dma_wait3A_128, %dma_wait3A_133] : memref<2x800xi32, #tpu.memory_space<vmem>> -> memref<1x800xi32, #tpu.memory_space<vmem>>
    %dma_wait3A_135 = tpu.memref_squeeze %dma_wait3A_134 : memref<1x800xi32, #tpu.memory_space<vmem>> -> memref<800xi32, #tpu.memory_space<vmem>>
    %dma_wait3A_136 = tpu.memref_slice %arg6[%multiple_of3A_91] : memref<3200000xi32, #tpu.memory_space<hbm>> -> memref<800xi32, #tpu.memory_space<hbm>>
    tpu.wait_dma2 semaphore(%arg25 : memref<!tpu.dma_semaphore, #tpu.memory_space<semaphore_mem>>) src(%dma_wait3A_136 : memref<800xi32, #tpu.memory_space<hbm>>) dst(%dma_wait3A_135 : memref<800xi32, #tpu.memory_space<vmem>>)
    %dma_wait3A_137 = arith.constant 1 : i32
    %dma_wait3A_138 = arith.constant 0 : i32
    %dma_wait3A_139 = tpu.memref_slice %arg13[%dma_wait3A_137, %dma_wait3A_138] : memref<2x800xf32, #tpu.memory_space<vmem>> -> memref<1x800xf32, #tpu.memory_space<vmem>>
    %dma_wait3A_140 = tpu.memref_squeeze %dma_wait3A_139 : memref<1x800xf32, #tpu.memory_space<vmem>> -> memref<800xf32, #tpu.memory_space<vmem>>
    %dma_wait3A_141 = tpu.memref_slice %arg4[%multiple_of3A_91] : memref<3200000xf32, #tpu.memory_space<hbm>> -> memref<800xf32, #tpu.memory_space<hbm>>
    %dma_wait3A_142 = arith.constant 0 : i32
    %dma_wait3A_143 = tpu.memref_slice %arg13[%dma_wait3A_137, %dma_wait3A_142] : memref<2x800xf32, #tpu.memory_space<vmem>> -> memref<1x800xf32, #tpu.memory_space<vmem>>
    %dma_wait3A_144 = tpu.memref_squeeze %dma_wait3A_143 : memref<1x800xf32, #tpu.memory_space<vmem>> -> memref<800xf32, #tpu.memory_space<vmem>>
    %dma_wait3A_145 = tpu.memref_slice %arg4[%multiple_of3A_91] : memref<3200000xf32, #tpu.memory_space<hbm>> -> memref<800xf32, #tpu.memory_space<hbm>>
    tpu.wait_dma2 semaphore(%arg25 : memref<!tpu.dma_semaphore, #tpu.memory_space<semaphore_mem>>) src(%dma_wait3A_145 : memref<800xf32, #tpu.memory_space<hbm>>) dst(%dma_wait3A_144 : memref<800xf32, #tpu.memory_space<vmem>>)
    %dma_start3A_146 = arith.constant 1 : i32
    %dma_start3A_147 = arith.constant 1 : i32
    %dma_start3A_148 = arith.constant 0 : i32
    %dma_start3A_149 = arith.constant 0 : i32
    %dma_start3A_150 = tpu.memref_slice %arg14[%dma_start3A_147, %dma_start3A_148, %dma_start3A_149] : memref<2x800x8xf32, #tpu.memory_space<vmem>> -> memref<1x800x8xf32, #tpu.memory_space<vmem>>
    %dma_start3A_151 = tpu.memref_squeeze %dma_start3A_150 : memref<1x800x8xf32, #tpu.memory_space<vmem>> -> memref<800x8xf32, #tpu.memory_space<vmem>>
    %dma_start3A_152 = arith.constant 0 : i32
    %dma_start3A_153 = tpu.memref_slice %arg11[%dma_start3A_146, %dma_start3A_152] : memref<2x800xi32, #tpu.memory_space<vmem>> -> memref<1x800xi32, #tpu.memory_space<vmem>>
    %dma_start3A_154 = tpu.memref_squeeze %dma_start3A_153 : memref<1x800xi32, #tpu.memory_space<vmem>> -> memref<800xi32, #tpu.memory_space<vmem>>
    %dma_start3A_155 = arith.constant 0 : i32
    %dma_start3A_156 = arith.constant 0 : i32
    %dma_start3A_157 = tpu.memref_slice %arg2[%dma_start3A_155, %dma_start3A_156] : memref<100000x8xf32, #tpu.memory_space<hbm>> -> memref<100000x8xf32, #tpu.memory_space<hbm>>
    tpu.enqueue_indirect_dma source(%dma_start3A_157 : memref<100000x8xf32, #tpu.memory_space<hbm>>) target(%dma_start3A_151 : memref<800x8xf32, #tpu.memory_space<vmem>>) offsets(%dma_start3A_154 : memref<800xi32, #tpu.memory_space<vmem>>) semaphore(%arg22 : memref<!tpu.dma_semaphore, #tpu.memory_space<semaphore_mem>>)
    %dma_start3A_158 = arith.constant 1 : i32
    %dma_start3A_159 = arith.constant 1 : i32
    %dma_start3A_160 = arith.constant 0 : i32
    %dma_start3A_161 = arith.constant 0 : i32
    %dma_start3A_162 = tpu.memref_slice %arg15[%dma_start3A_159, %dma_start3A_160, %dma_start3A_161] : memref<2x800x8xf32, #tpu.memory_space<vmem>> -> memref<1x800x8xf32, #tpu.memory_space<vmem>>
    %dma_start3A_163 = tpu.memref_squeeze %dma_start3A_162 : memref<1x800x8xf32, #tpu.memory_space<vmem>> -> memref<800x8xf32, #tpu.memory_space<vmem>>
    %dma_start3A_164 = arith.constant 0 : i32
    %dma_start3A_165 = tpu.memref_slice %arg12[%dma_start3A_158, %dma_start3A_164] : memref<2x800xi32, #tpu.memory_space<vmem>> -> memref<1x800xi32, #tpu.memory_space<vmem>>
    %dma_start3A_166 = tpu.memref_squeeze %dma_start3A_165 : memref<1x800xi32, #tpu.memory_space<vmem>> -> memref<800xi32, #tpu.memory_space<vmem>>
    %dma_start3A_167 = arith.constant 0 : i32
    %dma_start3A_168 = arith.constant 0 : i32
    %dma_start3A_169 = tpu.memref_slice %arg3[%dma_start3A_167, %dma_start3A_168] : memref<100000x8xf32, #tpu.memory_space<hbm>> -> memref<100000x8xf32, #tpu.memory_space<hbm>>
    tpu.enqueue_indirect_dma source(%dma_start3A_169 : memref<100000x8xf32, #tpu.memory_space<hbm>>) target(%dma_start3A_163 : memref<800x8xf32, #tpu.memory_space<vmem>>) offsets(%dma_start3A_166 : memref<800xi32, #tpu.memory_space<vmem>>) semaphore(%arg24 : memref<!tpu.dma_semaphore, #tpu.memory_space<semaphore_mem>>)
    %dma_wait3A_170 = arith.constant 0 : i32
    %dma_wait3A_171 = arith.constant 0 : i32
    %dma_wait3A_172 = arith.constant 0 : i32
    %dma_wait3A_173 = arith.constant 0 : i32
    %dma_wait3A_174 = tpu.memref_slice %arg14[%dma_wait3A_171, %dma_wait3A_172, %dma_wait3A_173] : memref<2x800x8xf32, #tpu.memory_space<vmem>> -> memref<1x800x8xf32, #tpu.memory_space<vmem>>
    %dma_wait3A_175 = tpu.memref_squeeze %dma_wait3A_174 : memref<1x800x8xf32, #tpu.memory_space<vmem>> -> memref<800x8xf32, #tpu.memory_space<vmem>>
    %dma_wait3A_176 = arith.constant 0 : i32
    %dma_wait3A_177 = tpu.memref_slice %arg11[%dma_wait3A_170, %dma_wait3A_176] : memref<2x800xi32, #tpu.memory_space<vmem>> -> memref<1x800xi32, #tpu.memory_space<vmem>>
    %dma_wait3A_178 = tpu.memref_squeeze %dma_wait3A_177 : memref<1x800xi32, #tpu.memory_space<vmem>> -> memref<800xi32, #tpu.memory_space<vmem>>
    %dma_wait3A_179 = arith.constant 0 : i32
    %dma_wait3A_180 = arith.constant 0 : i32
    %dma_wait3A_181 = tpu.memref_slice %arg2[%dma_wait3A_179, %dma_wait3A_180] : memref<100000x8xf32, #tpu.memory_space<hbm>> -> memref<100000x8xf32, #tpu.memory_space<hbm>>
    tpu.wait_indirect_dma semaphore(%arg21 : memref<!tpu.dma_semaphore, #tpu.memory_space<semaphore_mem>>) src(%dma_wait3A_181 : memref<100000x8xf32, #tpu.memory_space<hbm>>) dst(%dma_wait3A_175 : memref<800x8xf32, #tpu.memory_space<vmem>>)
    %dma_wait3A_182 = arith.constant 0 : i32
    %dma_wait3A_183 = arith.constant 0 : i32
    %dma_wait3A_184 = arith.constant 0 : i32
    %dma_wait3A_185 = arith.constant 0 : i32
    %dma_wait3A_186 = tpu.memref_slice %arg15[%dma_wait3A_183, %dma_wait3A_184, %dma_wait3A_185] : memref<2x800x8xf32, #tpu.memory_space<vmem>> -> memref<1x800x8xf32, #tpu.memory_space<vmem>>
    %dma_wait3A_187 = tpu.memref_squeeze %dma_wait3A_186 : memref<1x800x8xf32, #tpu.memory_space<vmem>> -> memref<800x8xf32, #tpu.memory_space<vmem>>
    %dma_wait3A_188 = arith.constant 0 : i32
    %dma_wait3A_189 = tpu.memref_slice %arg12[%dma_wait3A_182, %dma_wait3A_188] : memref<2x800xi32, #tpu.memory_space<vmem>> -> memref<1x800xi32, #tpu.memory_space<vmem>>
    %dma_wait3A_190 = tpu.memref_squeeze %dma_wait3A_189 : memref<1x800xi32, #tpu.memory_space<vmem>> -> memref<800xi32, #tpu.memory_space<vmem>>
    %dma_wait3A_191 = arith.constant 0 : i32
    %dma_wait3A_192 = arith.constant 0 : i32
    %dma_wait3A_193 = tpu.memref_slice %arg3[%dma_wait3A_191, %dma_wait3A_192] : memref<100000x8xf32, #tpu.memory_space<hbm>> -> memref<100000x8xf32, #tpu.memory_space<hbm>>
    tpu.wait_indirect_dma semaphore(%arg23 : memref<!tpu.dma_semaphore, #tpu.memory_space<semaphore_mem>>) src(%dma_wait3A_193 : memref<100000x8xf32, #tpu.memory_space<hbm>>) dst(%dma_wait3A_187 : memref<800x8xf32, #tpu.memory_space<vmem>>)
    %scan3A = arith.constant 0 : i32
    %scan3A_194 = arith.constant 0 : i32
    %scan3A_195 = arith.constant 50 : i32
    %scan3A_196 = arith.addi %scan3A_194, %scan3A_195 : i32
    %scan3A_197 = arith.constant 1 : i32
    scf.for %scan3A_236 = %scan3A_194 to %scan3A_196 step %scan3A_197  : i32 {
      %mul3A_237 = arith.constant 16 : i32
      %mul3A_238 = arith.muli %scan3A_236, %mul3A_237 : i32
      %iota3A = tpu.iota {dimensions = array<i32: 0>} : vector<16xi32>
      %add3A_239 = vector.broadcast %mul3A_238 : i32 to vector<16xi32>
      %add3A_240 = arith.addi %add3A_239, %iota3A : vector<16xi32>
      %mul3A_241 = arith.constant 16 : i32
      %mul3A_242 = arith.muli %scan3A_236, %mul3A_241 : i32
      %get3A = arith.constant 0 : i32
      %get3A_243 = arith.index_cast %get3A : i32 to index
      %get3A_244 = arith.index_cast %mul3A_242 : i32 to index
      %get3A_245 = tpu.vector_load %arg13[%get3A_243, %get3A_244] {strides = array<i32>} : memref<2x800xf32, #tpu.memory_space<vmem>>, vector<16xf32>,
      %neg3A = arith.constant 0.000000e+00 : f32
      %neg3A_246 = vector.broadcast %neg3A : f32 to vector<16xf32>
      %neg3A_247 = arith.subf %neg3A_246, %get3A_245 : vector<16xf32>
      %exp3A = math.exp %neg3A_247 : vector<16xf32>
      %broadcast_in_dim3A = arith.constant 0.000000e+00 : f32
      %broadcast_in_dim3A_248 = vector.broadcast %broadcast_in_dim3A : f32 to vector<16xf32>
      %broadcast_in_dim3A_249 = arith.constant 0 : i32
      %broadcast_in_dim3A_250 = vector.broadcast %broadcast_in_dim3A_249 : i32 to vector<16xi32>
      %gather3A = arith.constant 0 : i32
      %gather3A_251 = arith.constant 0 : i32
      %gather3A_252 = arith.constant 0 : i32
      %gather3A_253 = tpu.memref_slice %arg14[%gather3A, %gather3A_251, %gather3A_252] : memref<2x800x8xf32, #tpu.memory_space<vmem>> -> memref<1x800x8xf32, #tpu.memory_space<vmem>>
      %gather3A_254 = tpu.memref_squeeze %gather3A_253 : memref<1x800x8xf32, #tpu.memory_space<vmem>> -> memref<800x8xf32, #tpu.memory_space<vmem>>
      %gather3A_255 = tpu.vector_load_idx %gather3A_254[%add3A_240, %broadcast_in_dim3A_250] : memref<800x8xf32, #tpu.memory_space<vmem>>[vector<16xi32>, vector<16xi32>], vector<16xf32>,
      %gather3A_256 = arith.constant 0 : i32
      %gather3A_257 = arith.constant 0 : i32
      %gather3A_258 = arith.constant 0 : i32
      %gather3A_259 = tpu.memref_slice %arg15[%gather3A_256, %gather3A_257, %gather3A_258] : memref<2x800x8xf32, #tpu.memory_space<vmem>> -> memref<1x800x8xf32, #tpu.memory_space<vmem>>
      %gather3A_260 = tpu.memref_squeeze %gather3A_259 : memref<1x800x8xf32, #tpu.memory_space<vmem>> -> memref<800x8xf32, #tpu.memory_space<vmem>>
      %gather3A_261 = tpu.vector_load_idx %gather3A_260[%add3A_240, %broadcast_in_dim3A_250] : memref<800x8xf32, #tpu.memory_space<vmem>>[vector<16xi32>, vector<16xi32>], vector<16xf32>,
      %get3A_262 = arith.constant 0 : i32
      %get3A_263 = arith.index_cast %get3A_262 : i32 to index
      %get3A_264 = arith.constant 0 : index
      %get3A_265 = tpu.vector_load %arg19[%get3A_263, %get3A_264] {strides = array<i32>} : memref<8x16xf32, #tpu.memory_space<vmem>>, vector<16xf32>,
      %add3A_266 = arith.addf %gather3A_255, %exp3A : vector<16xf32>
      %add3A_267 = arith.addf %add3A_266, %gather3A_261 : vector<16xf32>
      %div3A = arith.divf %get3A_265, %add3A_267 : vector<16xf32>
      %neg3A_268 = arith.constant 0.000000e+00 : f32
      %neg3A_269 = vector.broadcast %neg3A_268 : f32 to vector<16xf32>
      %neg3A_270 = arith.subf %neg3A_269, %gather3A_255 : vector<16xf32>
      %mul3A_271 = arith.mulf %neg3A_270, %div3A : vector<16xf32>
      tpu.vector_store_idx %arg16[%add3A_240, %broadcast_in_dim3A_250], %mul3A_271 : memref<800x8xf32, #tpu.memory_space<vmem>>[vector<16xi32>, vector<16xi32>], vector<16xf32>,
      %mul3A_272 = arith.mulf %gather3A_261, %div3A : vector<16xf32>
      tpu.vector_store_idx %arg17[%add3A_240, %broadcast_in_dim3A_250], %mul3A_272 : memref<800x8xf32, #tpu.memory_space<vmem>>[vector<16xi32>, vector<16xi32>], vector<16xf32>,
      %add3A_273 = arith.addf %broadcast_in_dim3A_248, %div3A : vector<16xf32>
      %broadcast_in_dim3A_274 = arith.constant 1 : i32
      %broadcast_in_dim3A_275 = vector.broadcast %broadcast_in_dim3A_274 : i32 to vector<16xi32>
      %gather3A_276 = arith.constant 0 : i32
      %gather3A_277 = arith.constant 0 : i32
      %gather3A_278 = arith.constant 0 : i32
      %gather3A_279 = tpu.memref_slice %arg14[%gather3A_276, %gather3A_277, %gather3A_278] : memref<2x800x8xf32, #tpu.memory_space<vmem>> -> memref<1x800x8xf32, #tpu.memory_space<vmem>>
      %gather3A_280 = tpu.memref_squeeze %gather3A_279 : memref<1x800x8xf32, #tpu.memory_space<vmem>> -> memref<800x8xf32, #tpu.memory_space<vmem>>
      %gather3A_281 = tpu.vector_load_idx %gather3A_280[%add3A_240, %broadcast_in_dim3A_275] : memref<800x8xf32, #tpu.memory_space<vmem>>[vector<16xi32>, vector<16xi32>], vector<16xf32>,
      %gather3A_282 = arith.constant 0 : i32
      %gather3A_283 = arith.constant 0 : i32
      %gather3A_284 = arith.constant 0 : i32
      %gather3A_285 = tpu.memref_slice %arg15[%gather3A_282, %gather3A_283, %gather3A_284] : memref<2x800x8xf32, #tpu.memory_space<vmem>> -> memref<1x800x8xf32, #tpu.memory_space<vmem>>
      %gather3A_286 = tpu.memref_squeeze %gather3A_285 : memref<1x800x8xf32, #tpu.memory_space<vmem>> -> memref<800x8xf32, #tpu.memory_space<vmem>>
      %gather3A_287 = tpu.vector_load_idx %gather3A_286[%add3A_240, %broadcast_in_dim3A_275] : memref<800x8xf32, #tpu.memory_space<vmem>>[vector<16xi32>, vector<16xi32>], vector<16xf32>,
      %get3A_288 = arith.constant 1 : i32
      %get3A_289 = arith.index_cast %get3A_288 : i32 to index
      %get3A_290 = arith.constant 0 : index
      %get3A_291 = tpu.vector_load %arg19[%get3A_289, %get3A_290] {strides = array<i32>} : memref<8x16xf32, #tpu.memory_space<vmem>>, vector<16xf32>,
      %add3A_292 = arith.addf %gather3A_281, %exp3A : vector<16xf32>
      %add3A_293 = arith.addf %add3A_292, %gather3A_287 : vector<16xf32>
      %div3A_294 = arith.divf %get3A_291, %add3A_293 : vector<16xf32>
      %neg3A_295 = arith.constant 0.000000e+00 : f32
      %neg3A_296 = vector.broadcast %neg3A_295 : f32 to vector<16xf32>
      %neg3A_297 = arith.subf %neg3A_296, %gather3A_281 : vector<16xf32>
      %mul3A_298 = arith.mulf %neg3A_297, %div3A_294 : vector<16xf32>
      tpu.vector_store_idx %arg16[%add3A_240, %broadcast_in_dim3A_275], %mul3A_298 : memref<800x8xf32, #tpu.memory_space<vmem>>[vector<16xi32>, vector<16xi32>], vector<16xf32>,
      %mul3A_299 = arith.mulf %gather3A_287, %div3A_294 : vector<16xf32>
      tpu.vector_store_idx %arg17[%add3A_240, %broadcast_in_dim3A_275], %mul3A_299 : memref<800x8xf32, #tpu.memory_space<vmem>>[vector<16xi32>, vector<16xi32>], vector<16xf32>,
      %add3A_300 = arith.addf %add3A_273, %div3A_294 : vector<16xf32>
      %broadcast_in_dim3A_301 = arith.constant 2 : i32
      %broadcast_in_dim3A_302 = vector.broadcast %broadcast_in_dim3A_301 : i32 to vector<16xi32>
      %gather3A_303 = arith.constant 0 : i32
      %gather3A_304 = arith.constant 0 : i32
      %gather3A_305 = arith.constant 0 : i32
      %gather3A_306 = tpu.memref_slice %arg14[%gather3A_303, %gather3A_304, %gather3A_305] : memref<2x800x8xf32, #tpu.memory_space<vmem>> -> memref<1x800x8xf32, #tpu.memory_space<vmem>>
      %gather3A_307 = tpu.memref_squeeze %gather3A_306 : memref<1x800x8xf32, #tpu.memory_space<vmem>> -> memref<800x8xf32, #tpu.memory_space<vmem>>
      %gather3A_308 = tpu.vector_load_idx %gather3A_307[%add3A_240, %broadcast_in_dim3A_302] : memref<800x8xf32, #tpu.memory_space<vmem>>[vector<16xi32>, vector<16xi32>], vector<16xf32>,
      %gather3A_309 = arith.constant 0 : i32
      %gather3A_310 = arith.constant 0 : i32
      %gather3A_311 = arith.constant 0 : i32
      %gather3A_312 = tpu.memref_slice %arg15[%gather3A_309, %gather3A_310, %gather3A_311] : memref<2x800x8xf32, #tpu.memory_space<vmem>> -> memref<1x800x8xf32, #tpu.memory_space<vmem>>
      %gather3A_313 = tpu.memref_squeeze %gather3A_312 : memref<1x800x8xf32, #tpu.memory_space<vmem>> -> memref<800x8xf32, #tpu.memory_space<vmem>>
      %gather3A_314 = tpu.vector_load_idx %gather3A_313[%add3A_240, %broadcast_in_dim3A_302] : memref<800x8xf32, #tpu.memory_space<vmem>>[vector<16xi32>, vector<16xi32>], vector<16xf32>,
      %get3A_315 = arith.constant 2 : i32
      %get3A_316 = arith.index_cast %get3A_315 : i32 to index
      %get3A_317 = arith.constant 0 : index
      %get3A_318 = tpu.vector_load %arg19[%get3A_316, %get3A_317] {strides = array<i32>} : memref<8x16xf32, #tpu.memory_space<vmem>>, vector<16xf32>,
      %add3A_319 = arith.addf %gather3A_308, %exp3A : vector<16xf32>
      %add3A_320 = arith.addf %add3A_319, %gather3A_314 : vector<16xf32>
      %div3A_321 = arith.divf %get3A_318, %add3A_320 : vector<16xf32>
      %neg3A_322 = arith.constant 0.000000e+00 : f32
      %neg3A_323 = vector.broadcast %neg3A_322 : f32 to vector<16xf32>
      %neg3A_324 = arith.subf %neg3A_323, %gather3A_308 : vector<16xf32>
      %mul3A_325 = arith.mulf %neg3A_324, %div3A_321 : vector<16xf32>
      tpu.vector_store_idx %arg16[%add3A_240, %broadcast_in_dim3A_302], %mul3A_325 : memref<800x8xf32, #tpu.memory_space<vmem>>[vector<16xi32>, vector<16xi32>], vector<16xf32>,
      %mul3A_326 = arith.mulf %gather3A_314, %div3A_321 : vector<16xf32>
      tpu.vector_store_idx %arg17[%add3A_240, %broadcast_in_dim3A_302], %mul3A_326 : memref<800x8xf32, #tpu.memory_space<vmem>>[vector<16xi32>, vector<16xi32>], vector<16xf32>,
      %add3A_327 = arith.addf %add3A_300, %div3A_321 : vector<16xf32>
      %broadcast_in_dim3A_328 = arith.constant 3 : i32
      %broadcast_in_dim3A_329 = vector.broadcast %broadcast_in_dim3A_328 : i32 to vector<16xi32>
      %gather3A_330 = arith.constant 0 : i32
      %gather3A_331 = arith.constant 0 : i32
      %gather3A_332 = arith.constant 0 : i32
      %gather3A_333 = tpu.memref_slice %arg14[%gather3A_330, %gather3A_331, %gather3A_332] : memref<2x800x8xf32, #tpu.memory_space<vmem>> -> memref<1x800x8xf32, #tpu.memory_space<vmem>>
      %gather3A_334 = tpu.memref_squeeze %gather3A_333 : memref<1x800x8xf32, #tpu.memory_space<vmem>> -> memref<800x8xf32, #tpu.memory_space<vmem>>
      %gather3A_335 = tpu.vector_load_idx %gather3A_334[%add3A_240, %broadcast_in_dim3A_329] : memref<800x8xf32, #tpu.memory_space<vmem>>[vector<16xi32>, vector<16xi32>], vector<16xf32>,
      %gather3A_336 = arith.constant 0 : i32
      %gather3A_337 = arith.constant 0 : i32
      %gather3A_338 = arith.constant 0 : i32
      %gather3A_339 = tpu.memref_slice %arg15[%gather3A_336, %gather3A_337, %gather3A_338] : memref<2x800x8xf32, #tpu.memory_space<vmem>> -> memref<1x800x8xf32, #tpu.memory_space<vmem>>
      %gather3A_340 = tpu.memref_squeeze %gather3A_339 : memref<1x800x8xf32, #tpu.memory_space<vmem>> -> memref<800x8xf32, #tpu.memory_space<vmem>>
      %gather3A_341 = tpu.vector_load_idx %gather3A_340[%add3A_240, %broadcast_in_dim3A_329] : memref<800x8xf32, #tpu.memory_space<vmem>>[vector<16xi32>, vector<16xi32>], vector<16xf32>,
      %get3A_342 = arith.constant 3 : i32
      %get3A_343 = arith.index_cast %get3A_342 : i32 to index
      %get3A_344 = arith.constant 0 : index
      %get3A_345 = tpu.vector_load %arg19[%get3A_343, %get3A_344] {strides = array<i32>} : memref<8x16xf32, #tpu.memory_space<vmem>>, vector<16xf32>,
      %add3A_346 = arith.addf %gather3A_335, %exp3A : vector<16xf32>
      %add3A_347 = arith.addf %add3A_346, %gather3A_341 : vector<16xf32>
      %div3A_348 = arith.divf %get3A_345, %add3A_347 : vector<16xf32>
      %neg3A_349 = arith.constant 0.000000e+00 : f32
      %neg3A_350 = vector.broadcast %neg3A_349 : f32 to vector<16xf32>
      %neg3A_351 = arith.subf %neg3A_350, %gather3A_335 : vector<16xf32>
      %mul3A_352 = arith.mulf %neg3A_351, %div3A_348 : vector<16xf32>
      tpu.vector_store_idx %arg16[%add3A_240, %broadcast_in_dim3A_329], %mul3A_352 : memref<800x8xf32, #tpu.memory_space<vmem>>[vector<16xi32>, vector<16xi32>], vector<16xf32>,
      %mul3A_353 = arith.mulf %gather3A_341, %div3A_348 : vector<16xf32>
      tpu.vector_store_idx %arg17[%add3A_240, %broadcast_in_dim3A_329], %mul3A_353 : memref<800x8xf32, #tpu.memory_space<vmem>>[vector<16xi32>, vector<16xi32>], vector<16xf32>,
      %add3A_354 = arith.addf %add3A_327, %div3A_348 : vector<16xf32>
      %broadcast_in_dim3A_355 = arith.constant 4 : i32
      %broadcast_in_dim3A_356 = vector.broadcast %broadcast_in_dim3A_355 : i32 to vector<16xi32>
      %gather3A_357 = arith.constant 0 : i32
      %gather3A_358 = arith.constant 0 : i32
      %gather3A_359 = arith.constant 0 : i32
      %gather3A_360 = tpu.memref_slice %arg14[%gather3A_357, %gather3A_358, %gather3A_359] : memref<2x800x8xf32, #tpu.memory_space<vmem>> -> memref<1x800x8xf32, #tpu.memory_space<vmem>>
      %gather3A_361 = tpu.memref_squeeze %gather3A_360 : memref<1x800x8xf32, #tpu.memory_space<vmem>> -> memref<800x8xf32, #tpu.memory_space<vmem>>
      %gather3A_362 = tpu.vector_load_idx %gather3A_361[%add3A_240, %broadcast_in_dim3A_356] : memref<800x8xf32, #tpu.memory_space<vmem>>[vector<16xi32>, vector<16xi32>], vector<16xf32>,
      %gather3A_363 = arith.constant 0 : i32
      %gather3A_364 = arith.constant 0 : i32
      %gather3A_365 = arith.constant 0 : i32
      %gather3A_366 = tpu.memref_slice %arg15[%gather3A_363, %gather3A_364, %gather3A_365] : memref<2x800x8xf32, #tpu.memory_space<vmem>> -> memref<1x800x8xf32, #tpu.memory_space<vmem>>
      %gather3A_367 = tpu.memref_squeeze %gather3A_366 : memref<1x800x8xf32, #tpu.memory_space<vmem>> -> memref<800x8xf32, #tpu.memory_space<vmem>>
      %gather3A_368 = tpu.vector_load_idx %gather3A_367[%add3A_240, %broadcast_in_dim3A_356] : memref<800x8xf32, #tpu.memory_space<vmem>>[vector<16xi32>, vector<16xi32>], vector<16xf32>,
      %get3A_369 = arith.constant 4 : i32
      %get3A_370 = arith.index_cast %get3A_369 : i32 to index
      %get3A_371 = arith.constant 0 : index
      %get3A_372 = tpu.vector_load %arg19[%get3A_370, %get3A_371] {strides = array<i32>} : memref<8x16xf32, #tpu.memory_space<vmem>>, vector<16xf32>,
      %add3A_373 = arith.addf %gather3A_362, %exp3A : vector<16xf32>
      %add3A_374 = arith.addf %add3A_373, %gather3A_368 : vector<16xf32>
      %div3A_375 = arith.divf %get3A_372, %add3A_374 : vector<16xf32>
      %neg3A_376 = arith.constant 0.000000e+00 : f32
      %neg3A_377 = vector.broadcast %neg3A_376 : f32 to vector<16xf32>
      %neg3A_378 = arith.subf %neg3A_377, %gather3A_362 : vector<16xf32>
      %mul3A_379 = arith.mulf %neg3A_378, %div3A_375 : vector<16xf32>
      tpu.vector_store_idx %arg16[%add3A_240, %broadcast_in_dim3A_356], %mul3A_379 : memref<800x8xf32, #tpu.memory_space<vmem>>[vector<16xi32>, vector<16xi32>], vector<16xf32>,
      %mul3A_380 = arith.mulf %gather3A_368, %div3A_375 : vector<16xf32>
      tpu.vector_store_idx %arg17[%add3A_240, %broadcast_in_dim3A_356], %mul3A_380 : memref<800x8xf32, #tpu.memory_space<vmem>>[vector<16xi32>, vector<16xi32>], vector<16xf32>,
      %add3A_381 = arith.addf %add3A_354, %div3A_375 : vector<16xf32>
      %broadcast_in_dim3A_382 = arith.constant 5 : i32
      %broadcast_in_dim3A_383 = vector.broadcast %broadcast_in_dim3A_382 : i32 to vector<16xi32>
      %gather3A_384 = arith.constant 0 : i32
      %gather3A_385 = arith.constant 0 : i32
      %gather3A_386 = arith.constant 0 : i32
      %gather3A_387 = tpu.memref_slice %arg14[%gather3A_384, %gather3A_385, %gather3A_386] : memref<2x800x8xf32, #tpu.memory_space<vmem>> -> memref<1x800x8xf32, #tpu.memory_space<vmem>>
      %gather3A_388 = tpu.memref_squeeze %gather3A_387 : memref<1x800x8xf32, #tpu.memory_space<vmem>> -> memref<800x8xf32, #tpu.memory_space<vmem>>
      %gather3A_389 = tpu.vector_load_idx %gather3A_388[%add3A_240, %broadcast_in_dim3A_383] : memref<800x8xf32, #tpu.memory_space<vmem>>[vector<16xi32>, vector<16xi32>], vector<16xf32>,
      %gather3A_390 = arith.constant 0 : i32
      %gather3A_391 = arith.constant 0 : i32
      %gather3A_392 = arith.constant 0 : i32
      %gather3A_393 = tpu.memref_slice %arg15[%gather3A_390, %gather3A_391, %gather3A_392] : memref<2x800x8xf32, #tpu.memory_space<vmem>> -> memref<1x800x8xf32, #tpu.memory_space<vmem>>
      %gather3A_394 = tpu.memref_squeeze %gather3A_393 : memref<1x800x8xf32, #tpu.memory_space<vmem>> -> memref<800x8xf32, #tpu.memory_space<vmem>>
      %gather3A_395 = tpu.vector_load_idx %gather3A_394[%add3A_240, %broadcast_in_dim3A_383] : memref<800x8xf32, #tpu.memory_space<vmem>>[vector<16xi32>, vector<16xi32>], vector<16xf32>,
      %get3A_396 = arith.constant 5 : i32
      %get3A_397 = arith.index_cast %get3A_396 : i32 to index
      %get3A_398 = arith.constant 0 : index
      %get3A_399 = tpu.vector_load %arg19[%get3A_397, %get3A_398] {strides = array<i32>} : memref<8x16xf32, #tpu.memory_space<vmem>>, vector<16xf32>,
      %add3A_400 = arith.addf %gather3A_389, %exp3A : vector<16xf32>
      %add3A_401 = arith.addf %add3A_400, %gather3A_395 : vector<16xf32>
      %div3A_402 = arith.divf %get3A_399, %add3A_401 : vector<16xf32>
      %neg3A_403 = arith.constant 0.000000e+00 : f32
      %neg3A_404 = vector.broadcast %neg3A_403 : f32 to vector<16xf32>
      %neg3A_405 = arith.subf %neg3A_404, %gather3A_389 : vector<16xf32>
      %mul3A_406 = arith.mulf %neg3A_405, %div3A_402 : vector<16xf32>
      tpu.vector_store_idx %arg16[%add3A_240, %broadcast_in_dim3A_383], %mul3A_406 : memref<800x8xf32, #tpu.memory_space<vmem>>[vector<16xi32>, vector<16xi32>], vector<16xf32>,
      %mul3A_407 = arith.mulf %gather3A_395, %div3A_402 : vector<16xf32>
      tpu.vector_store_idx %arg17[%add3A_240, %broadcast_in_dim3A_383], %mul3A_407 : memref<800x8xf32, #tpu.memory_space<vmem>>[vector<16xi32>, vector<16xi32>], vector<16xf32>,
      %add3A_408 = arith.addf %add3A_381, %div3A_402 : vector<16xf32>
      %mul3A_409 = arith.mulf %exp3A, %add3A_408 : vector<16xf32>
      %sub3A = arith.subf %get3A_245, %mul3A_409 : vector<16xf32>
      %mul3A_410 = arith.constant 16 : i32
      %mul3A_411 = arith.muli %scan3A_236, %mul3A_410 : i32
      %swap3A = arith.index_cast %mul3A_411 : i32 to index
      %swap3A_412 = tpu.vector_load %arg18[%swap3A] {strides = array<i32>} : memref<800xf32, #tpu.memory_space<vmem>>, vector<16xf32>,
      tpu.vector_store %arg18[%swap3A], %sub3A {strides = array<i32>} : memref<800xf32, #tpu.memory_space<vmem>>, vector<16xf32>,
    }
    %scan3A_198 = arith.constant 50 : i32
    %mul3A_199 = arith.constant 100000 : i32
    %mul3A_200 = arith.muli %add3A, %mul3A_199 : i32
    %add3A_201 = arith.constant 0 : i32
    %add3A_202 = arith.addi %mul3A_200, %add3A_201 : i32
    %multiple_of3A_203 = tpu.assume_multiple %add3A_202, 8 : i32
    %run_scoped3A = arith.constant 0 : i32
    "tpu.region"() ({
      %run_scoped3A_236 = tpu.sem_alloc : memref<!tpu.dma_semaphore, #tpu.memory_space<semaphore_mem>>
      %dma_start3A_237 = arith.constant 0 : i32
      %dma_start3A_238 = tpu.memref_slice %arg11[%run_scoped3A, %dma_start3A_237] : memref<2x800xi32, #tpu.memory_space<vmem>> -> memref<1x800xi32, #tpu.memory_space<vmem>>
      %dma_start3A_239 = tpu.memref_squeeze %dma_start3A_238 : memref<1x800xi32, #tpu.memory_space<vmem>> -> memref<800xi32, #tpu.memory_space<vmem>>
      %dma_start3A_240 = arith.constant 0 : i32
      %dma_start3A_241 = arith.constant 0 : i32
      %dma_start3A_242 = tpu.memref_slice %arg20[%dma_start3A_240, %dma_start3A_241] : memref<100096x8xf32, #tpu.memory_space<vmem_shared>> -> memref<100096x8xf32, #tpu.memory_space<vmem_shared>>
      tpu.enqueue_indirect_dma source(%arg16 : memref<800x8xf32, #tpu.memory_space<vmem>>) target(%dma_start3A_242 : memref<100096x8xf32, #tpu.memory_space<vmem_shared>>) offsets(%dma_start3A_239 : memref<800xi32, #tpu.memory_space<vmem>>) semaphore(%run_scoped3A_236 : memref<!tpu.dma_semaphore, #tpu.memory_space<semaphore_mem>>) {add = true}
      %dma_wait3A_243 = arith.constant 0 : i32
      %dma_wait3A_244 = tpu.memref_slice %arg11[%run_scoped3A, %dma_wait3A_243] : memref<2x800xi32, #tpu.memory_space<vmem>> -> memref<1x800xi32, #tpu.memory_space<vmem>>
      %dma_wait3A_245 = tpu.memref_squeeze %dma_wait3A_244 : memref<1x800xi32, #tpu.memory_space<vmem>> -> memref<800xi32, #tpu.memory_space<vmem>>
      %dma_wait3A_246 = arith.constant 0 : i32
      %dma_wait3A_247 = arith.constant 0 : i32
      %dma_wait3A_248 = tpu.memref_slice %arg20[%dma_wait3A_246, %dma_wait3A_247] : memref<100096x8xf32, #tpu.memory_space<vmem_shared>> -> memref<100096x8xf32, #tpu.memory_space<vmem_shared>>
      tpu.wait_indirect_dma semaphore(%run_scoped3A_236 : memref<!tpu.dma_semaphore, #tpu.memory_space<semaphore_mem>>) src(%arg16 : memref<800x8xf32, #tpu.memory_space<vmem>>) dst(%dma_wait3A_248 : memref<100096x8xf32, #tpu.memory_space<vmem_shared>>)
      tpu.yield
    }) : () -> ()
    %run_scoped3A_204 = arith.constant 0 : i32
    "tpu.region"() ({
      %run_scoped3A_236 = tpu.sem_alloc : memref<!tpu.dma_semaphore, #tpu.memory_space<semaphore_mem>>
      %dma_start3A_237 = arith.constant 0 : i32
      %dma_start3A_238 = tpu.memref_slice %arg12[%run_scoped3A_204, %dma_start3A_237] : memref<2x800xi32, #tpu.memory_space<vmem>> -> memref<1x800xi32, #tpu.memory_space<vmem>>
      %dma_start3A_239 = tpu.memref_squeeze %dma_start3A_238 : memref<1x800xi32, #tpu.memory_space<vmem>> -> memref<800xi32, #tpu.memory_space<vmem>>
      %dma_start3A_240 = arith.constant 0 : i32
      %dma_start3A_241 = arith.constant 0 : i32
      %dma_start3A_242 = tpu.memref_slice %arg20[%dma_start3A_240, %dma_start3A_241] : memref<100096x8xf32, #tpu.memory_space<vmem_shared>> -> memref<100096x8xf32, #tpu.memory_space<vmem_shared>>
      tpu.enqueue_indirect_dma source(%arg17 : memref<800x8xf32, #tpu.memory_space<vmem>>) target(%dma_start3A_242 : memref<100096x8xf32, #tpu.memory_space<vmem_shared>>) offsets(%dma_start3A_239 : memref<800xi32, #tpu.memory_space<vmem>>) semaphore(%run_scoped3A_236 : memref<!tpu.dma_semaphore, #tpu.memory_space<semaphore_mem>>) {add = true}
      %dma_wait3A_243 = arith.constant 0 : i32
      %dma_wait3A_244 = tpu.memref_slice %arg12[%run_scoped3A_204, %dma_wait3A_243] : memref<2x800xi32, #tpu.memory_space<vmem>> -> memref<1x800xi32, #tpu.memory_space<vmem>>
      %dma_wait3A_245 = tpu.memref_squeeze %dma_wait3A_244 : memref<1x800xi32, #tpu.memory_space<vmem>> -> memref<800xi32, #tpu.memory_space<vmem>>
      %dma_wait3A_246 = arith.constant 0 : i32
      %dma_wait3A_247 = arith.constant 0 : i32
      %dma_wait3A_248 = tpu.memref_slice %arg20[%dma_wait3A_246, %dma_wait3A_247] : memref<100096x8xf32, #tpu.memory_space<vmem_shared>> -> memref<100096x8xf32, #tpu.memory_space<vmem_shared>>
      tpu.wait_indirect_dma semaphore(%run_scoped3A_236 : memref<!tpu.dma_semaphore, #tpu.memory_space<semaphore_mem>>) src(%arg17 : memref<800x8xf32, #tpu.memory_space<vmem>>) dst(%dma_wait3A_248 : memref<100096x8xf32, #tpu.memory_space<vmem_shared>>)
      tpu.yield
    }) : () -> ()
    "tpu.region"() ({
      %run_scoped3A_236 = tpu.sem_alloc : memref<!tpu.dma_semaphore, #tpu.memory_space<semaphore_mem>>
      %dma_start3A_237 = tpu.memref_slice %arg9[%multiple_of3A_203] : memref<3200000xf32, #tpu.memory_space<hbm>> -> memref<800xf32, #tpu.memory_space<hbm>>
      %dma_start3A_238 = tpu.memref_slice %arg9[%multiple_of3A_203] : memref<3200000xf32, #tpu.memory_space<hbm>> -> memref<800xf32, #tpu.memory_space<hbm>>
      tpu.enqueue_dma source(%arg18 : memref<800xf32, #tpu.memory_space<vmem>>) target(%dma_start3A_238 : memref<800xf32, #tpu.memory_space<hbm>>) target_semaphore(%run_scoped3A_236 : memref<!tpu.dma_semaphore, #tpu.memory_space<semaphore_mem>>)
      %dma_wait3A_239 = tpu.memref_slice %arg9[%multiple_of3A_203] : memref<3200000xf32, #tpu.memory_space<hbm>> -> memref<800xf32, #tpu.memory_space<hbm>>
      %dma_wait3A_240 = tpu.memref_slice %arg9[%multiple_of3A_203] : memref<3200000xf32, #tpu.memory_space<hbm>> -> memref<800xf32, #tpu.memory_space<hbm>>
      tpu.wait_dma2 semaphore(%run_scoped3A_236 : memref<!tpu.dma_semaphore, #tpu.memory_space<semaphore_mem>>) src(%arg18 : memref<800xf32, #tpu.memory_space<vmem>>) dst(%dma_wait3A_240 : memref<800xf32, #tpu.memory_space<hbm>>)
      tpu.yield
    }) : () -> ()
    %scan3A_205 = arith.constant 0 : i32
    %scan3A_206 = arith.constant 0 : i32
    %scan3A_207 = arith.constant 62 : i32
    %scan3A_208 = arith.addi %scan3A_206, %scan3A_207 : i32
    %scan3A_209 = arith.constant 1 : i32
    scf.for %scan3A_236 = %scan3A_206 to %scan3A_208 step %scan3A_209  : i32 {
      %mul3A_237 = arith.constant 2 : i32
      %mul3A_238 = arith.muli %mul3A_237, %scan3A_236 : i32
      %add3A_239 = arith.constant 1 : i32
      %add3A_240 = arith.addi %add3A_239, %mul3A_238 : i32
      %add3A_241 = arith.constant 1 : i32
      %add3A_242 = arith.addi %add3A_240, %add3A_241 : i32
      %min3A_243 = arith.constant 124 : i32
      %min3A_244 = arith.minsi %add3A_242, %min3A_243 : i32
      %mul3A_245 = arith.constant 100000 : i32
      %mul3A_246 = arith.muli %add3A, %mul3A_245 : i32
      %mul3A_247 = arith.constant 800 : i32
      %mul3A_248 = arith.muli %min3A_244, %mul3A_247 : i32
      %add3A_249 = arith.addi %mul3A_246, %mul3A_248 : i32
      %multiple_of3A_250 = tpu.assume_multiple %add3A_249, 8 : i32
      %dma_start3A_251 = arith.constant 0 : i32
      %dma_start3A_252 = arith.constant 0 : i32
      %dma_start3A_253 = tpu.memref_slice %arg11[%dma_start3A_251, %dma_start3A_252] : memref<2x800xi32, #tpu.memory_space<vmem>> -> memref<1x800xi32, #tpu.memory_space<vmem>>
      %dma_start3A_254 = tpu.memref_squeeze %dma_start3A_253 : memref<1x800xi32, #tpu.memory_space<vmem>> -> memref<800xi32, #tpu.memory_space<vmem>>
      %dma_start3A_255 = tpu.memref_slice %arg5[%multiple_of3A_250] : memref<3200000xi32, #tpu.memory_space<hbm>> -> memref<800xi32, #tpu.memory_space<hbm>>
      %dma_start3A_256 = arith.constant 0 : i32
      %dma_start3A_257 = tpu.memref_slice %arg11[%dma_start3A_251, %dma_start3A_256] : memref<2x800xi32, #tpu.memory_space<vmem>> -> memref<1x800xi32, #tpu.memory_space<vmem>>
      %dma_start3A_258 = tpu.memref_squeeze %dma_start3A_257 : memref<1x800xi32, #tpu.memory_space<vmem>> -> memref<800xi32, #tpu.memory_space<vmem>>
      %dma_start3A_259 = tpu.memref_slice %arg5[%multiple_of3A_250] : memref<3200000xi32, #tpu.memory_space<hbm>> -> memref<800xi32, #tpu.memory_space<hbm>>
      tpu.enqueue_dma source(%dma_start3A_259 : memref<800xi32, #tpu.memory_space<hbm>>) target(%dma_start3A_258 : memref<800xi32, #tpu.memory_space<vmem>>) target_semaphore(%arg25 : memref<!tpu.dma_semaphore, #tpu.memory_space<semaphore_mem>>)
      %dma_start3A_260 = arith.constant 0 : i32
      %dma_start3A_261 = arith.constant 0 : i32
      %dma_start3A_262 = tpu.memref_slice %arg12[%dma_start3A_260, %dma_start3A_261] : memref<2x800xi32, #tpu.memory_space<vmem>> -> memref<1x800xi32, #tpu.memory_space<vmem>>
      %dma_start3A_263 = tpu.memref_squeeze %dma_start3A_262 : memref<1x800xi32, #tpu.memory_space<vmem>> -> memref<800xi32, #tpu.memory_space<vmem>>
      %dma_start3A_264 = tpu.memref_slice %arg6[%multiple_of3A_250] : memref<3200000xi32, #tpu.memory_space<hbm>> -> memref<800xi32, #tpu.memory_space<hbm>>
      %dma_start3A_265 = arith.constant 0 : i32
      %dma_start3A_266 = tpu.memref_slice %arg12[%dma_start3A_260, %dma_start3A_265] : memref<2x800xi32, #tpu.memory_space<vmem>> -> memref<1x800xi32, #tpu.memory_space<vmem>>
      %dma_start3A_267 = tpu.memref_squeeze %dma_start3A_266 : memref<1x800xi32, #tpu.memory_space<vmem>> -> memref<800xi32, #tpu.memory_space<vmem>>
      %dma_start3A_268 = tpu.memref_slice %arg6[%multiple_of3A_250] : memref<3200000xi32, #tpu.memory_space<hbm>> -> memref<800xi32, #tpu.memory_space<hbm>>
      tpu.enqueue_dma source(%dma_start3A_268 : memref<800xi32, #tpu.memory_space<hbm>>) target(%dma_start3A_267 : memref<800xi32, #tpu.memory_space<vmem>>) target_semaphore(%arg25 : memref<!tpu.dma_semaphore, #tpu.memory_space<semaphore_mem>>)
      %dma_start3A_269 = arith.constant 0 : i32
      %dma_start3A_270 = arith.constant 0 : i32
      %dma_start3A_271 = tpu.memref_slice %arg13[%dma_start3A_269, %dma_start3A_270] : memref<2x800xf32, #tpu.memory_space<vmem>> -> memref<1x800xf32, #tpu.memory_space<vmem>>
      %dma_start3A_272 = tpu.memref_squeeze %dma_start3A_271 : memref<1x800xf32, #tpu.memory_space<vmem>> -> memref<800xf32, #tpu.memory_space<vmem>>
      %dma_start3A_273 = tpu.memref_slice %arg4[%multiple_of3A_250] : memref<3200000xf32, #tpu.memory_space<hbm>> -> memref<800xf32, #tpu.memory_space<hbm>>
      %dma_start3A_274 = arith.constant 0 : i32
      %dma_start3A_275 = tpu.memref_slice %arg13[%dma_start3A_269, %dma_start3A_274] : memref<2x800xf32, #tpu.memory_space<vmem>> -> memref<1x800xf32, #tpu.memory_space<vmem>>
      %dma_start3A_276 = tpu.memref_squeeze %dma_start3A_275 : memref<1x800xf32, #tpu.memory_space<vmem>> -> memref<800xf32, #tpu.memory_space<vmem>>
      %dma_start3A_277 = tpu.memref_slice %arg4[%multiple_of3A_250] : memref<3200000xf32, #tpu.memory_space<hbm>> -> memref<800xf32, #tpu.memory_space<hbm>>
      tpu.enqueue_dma source(%dma_start3A_277 : memref<800xf32, #tpu.memory_space<hbm>>) target(%dma_start3A_276 : memref<800xf32, #tpu.memory_space<vmem>>) target_semaphore(%arg25 : memref<!tpu.dma_semaphore, #tpu.memory_space<semaphore_mem>>)
      %dma_wait3A_278 = arith.constant 0 : i32
      %dma_wait3A_279 = arith.constant 0 : i32
      %dma_wait3A_280 = tpu.memref_slice %arg11[%dma_wait3A_278, %dma_wait3A_279] : memref<2x800xi32, #tpu.memory_space<vmem>> -> memref<1x800xi32, #tpu.memory_space<vmem>>
      %dma_wait3A_281 = tpu.memref_squeeze %dma_wait3A_280 : memref<1x800xi32, #tpu.memory_space<vmem>> -> memref<800xi32, #tpu.memory_space<vmem>>
      %dma_wait3A_282 = tpu.memref_slice %arg5[%multiple_of3A_250] : memref<3200000xi32, #tpu.memory_space<hbm>> -> memref<800xi32, #tpu.memory_space<hbm>>
      %dma_wait3A_283 = arith.constant 0 : i32
      %dma_wait3A_284 = tpu.memref_slice %arg11[%dma_wait3A_278, %dma_wait3A_283] : memref<2x800xi32, #tpu.memory_space<vmem>> -> memref<1x800xi32, #tpu.memory_space<vmem>>
      %dma_wait3A_285 = tpu.memref_squeeze %dma_wait3A_284 : memref<1x800xi32, #tpu.memory_space<vmem>> -> memref<800xi32, #tpu.memory_space<vmem>>
      %dma_wait3A_286 = tpu.memref_slice %arg5[%multiple_of3A_250] : memref<3200000xi32, #tpu.memory_space<hbm>> -> memref<800xi32, #tpu.memory_space<hbm>>
      tpu.wait_dma2 semaphore(%arg25 : memref<!tpu.dma_semaphore, #tpu.memory_space<semaphore_mem>>) src(%dma_wait3A_286 : memref<800xi32, #tpu.memory_space<hbm>>) dst(%dma_wait3A_285 : memref<800xi32, #tpu.memory_space<vmem>>)
      %dma_wait3A_287 = arith.constant 0 : i32
      %dma_wait3A_288 = arith.constant 0 : i32
      %dma_wait3A_289 = tpu.memref_slice %arg12[%dma_wait3A_287, %dma_wait3A_288] : memref<2x800xi32, #tpu.memory_space<vmem>> -> memref<1x800xi32, #tpu.memory_space<vmem>>
      %dma_wait3A_290 = tpu.memref_squeeze %dma_wait3A_289 : memref<1x800xi32, #tpu.memory_space<vmem>> -> memref<800xi32, #tpu.memory_space<vmem>>
      %dma_wait3A_291 = tpu.memref_slice %arg6[%multiple_of3A_250] : memref<3200000xi32, #tpu.memory_space<hbm>> -> memref<800xi32, #tpu.memory_space<hbm>>
      %dma_wait3A_292 = arith.constant 0 : i32
      %dma_wait3A_293 = tpu.memref_slice %arg12[%dma_wait3A_287, %dma_wait3A_292] : memref<2x800xi32, #tpu.memory_space<vmem>> -> memref<1x800xi32, #tpu.memory_space<vmem>>
      %dma_wait3A_294 = tpu.memref_squeeze %dma_wait3A_293 : memref<1x800xi32, #tpu.memory_space<vmem>> -> memref<800xi32, #tpu.memory_space<vmem>>
      %dma_wait3A_295 = tpu.memref_slice %arg6[%multiple_of3A_250] : memref<3200000xi32, #tpu.memory_space<hbm>> -> memref<800xi32, #tpu.memory_space<hbm>>
      tpu.wait_dma2 semaphore(%arg25 : memref<!tpu.dma_semaphore, #tpu.memory_space<semaphore_mem>>) src(%dma_wait3A_295 : memref<800xi32, #tpu.memory_space<hbm>>) dst(%dma_wait3A_294 : memref<800xi32, #tpu.memory_space<vmem>>)
      %dma_wait3A_296 = arith.constant 0 : i32
      %dma_wait3A_297 = arith.constant 0 : i32
      %dma_wait3A_298 = tpu.memref_slice %arg13[%dma_wait3A_296, %dma_wait3A_297] : memref<2x800xf32, #tpu.memory_space<vmem>> -> memref<1x800xf32, #tpu.memory_space<vmem>>
      %dma_wait3A_299 = tpu.memref_squeeze %dma_wait3A_298 : memref<1x800xf32, #tpu.memory_space<vmem>> -> memref<800xf32, #tpu.memory_space<vmem>>
      %dma_wait3A_300 = tpu.memref_slice %arg4[%multiple_of3A_250] : memref<3200000xf32, #tpu.memory_space<hbm>> -> memref<800xf32, #tpu.memory_space<hbm>>
      %dma_wait3A_301 = arith.constant 0 : i32
      %dma_wait3A_302 = tpu.memref_slice %arg13[%dma_wait3A_296, %dma_wait3A_301] : memref<2x800xf32, #tpu.memory_space<vmem>> -> memref<1x800xf32, #tpu.memory_space<vmem>>
      %dma_wait3A_303 = tpu.memref_squeeze %dma_wait3A_302 : memref<1x800xf32, #tpu.memory_space<vmem>> -> memref<800xf32, #tpu.memory_space<vmem>>
      %dma_wait3A_304 = tpu.memref_slice %arg4[%multiple_of3A_250] : memref<3200000xf32, #tpu.memory_space<hbm>> -> memref<800xf32, #tpu.memory_space<hbm>>
      tpu.wait_dma2 semaphore(%arg25 : memref<!tpu.dma_semaphore, #tpu.memory_space<semaphore_mem>>) src(%dma_wait3A_304 : memref<800xf32, #tpu.memory_space<hbm>>) dst(%dma_wait3A_303 : memref<800xf32, #tpu.memory_space<vmem>>)
      %dma_start3A_305 = arith.constant 0 : i32
      %dma_start3A_306 = arith.constant 0 : i32
      %dma_start3A_307 = arith.constant 0 : i32
      %dma_start3A_308 = arith.constant 0 : i32
      %dma_start3A_309 = tpu.memref_slice %arg14[%dma_start3A_306, %dma_start3A_307, %dma_start3A_308] : memref<2x800x8xf32, #tpu.memory_space<vmem>> -> memref<1x800x8xf32, #tpu.memory_space<vmem>>
      %dma_start3A_310 = tpu.memref_squeeze %dma_start3A_309 : memref<1x800x8xf32, #tpu.memory_space<vmem>> -> memref<800x8xf32, #tpu.memory_space<vmem>>
      %dma_start3A_311 = arith.constant 0 : i32
      %dma_start3A_312 = tpu.memref_slice %arg11[%dma_start3A_305, %dma_start3A_311] : memref<2x800xi32, #tpu.memory_space<vmem>> -> memref<1x800xi32, #tpu.memory_space<vmem>>
      %dma_start3A_313 = tpu.memref_squeeze %dma_start3A_312 : memref<1x800xi32, #tpu.memory_space<vmem>> -> memref<800xi32, #tpu.memory_space<vmem>>
      %dma_start3A_314 = arith.constant 0 : i32
      %dma_start3A_315 = arith.constant 0 : i32
      %dma_start3A_316 = tpu.memref_slice %arg2[%dma_start3A_314, %dma_start3A_315] : memref<100000x8xf32, #tpu.memory_space<hbm>> -> memref<100000x8xf32, #tpu.memory_space<hbm>>
      tpu.enqueue_indirect_dma source(%dma_start3A_316 : memref<100000x8xf32, #tpu.memory_space<hbm>>) target(%dma_start3A_310 : memref<800x8xf32, #tpu.memory_space<vmem>>) offsets(%dma_start3A_313 : memref<800xi32, #tpu.memory_space<vmem>>) semaphore(%arg21 : memref<!tpu.dma_semaphore, #tpu.memory_space<semaphore_mem>>)
      %dma_start3A_317 = arith.constant 0 : i32
      %dma_start3A_318 = arith.constant 0 : i32
      %dma_start3A_319 = arith.constant 0 : i32
      %dma_start3A_320 = arith.constant 0 : i32
      %dma_start3A_321 = tpu.memref_slice %arg15[%dma_start3A_318, %dma_start3A_319, %dma_start3A_320] : memref<2x800x8xf32, #tpu.memory_space<vmem>> -> memref<1x800x8xf32, #tpu.memory_space<vmem>>
      %dma_start3A_322 = tpu.memref_squeeze %dma_start3A_321 : memref<1x800x8xf32, #tpu.memory_space<vmem>> -> memref<800x8xf32, #tpu.memory_space<vmem>>
      %dma_start3A_323 = arith.constant 0 : i32
      %dma_start3A_324 = tpu.memref_slice %arg12[%dma_start3A_317, %dma_start3A_323] : memref<2x800xi32, #tpu.memory_space<vmem>> -> memref<1x800xi32, #tpu.memory_space<vmem>>
      %dma_start3A_325 = tpu.memref_squeeze %dma_start3A_324 : memref<1x800xi32, #tpu.memory_space<vmem>> -> memref<800xi32, #tpu.memory_space<vmem>>
      %dma_start3A_326 = arith.constant 0 : i32
      %dma_start3A_327 = arith.constant 0 : i32
      %dma_start3A_328 = tpu.memref_slice %arg3[%dma_start3A_326, %dma_start3A_327] : memref<100000x8xf32, #tpu.memory_space<hbm>> -> memref<100000x8xf32, #tpu.memory_space<hbm>>
      tpu.enqueue_indirect_dma source(%dma_start3A_328 : memref<100000x8xf32, #tpu.memory_space<hbm>>) target(%dma_start3A_322 : memref<800x8xf32, #tpu.memory_space<vmem>>) offsets(%dma_start3A_325 : memref<800xi32, #tpu.memory_space<vmem>>) semaphore(%arg23 : memref<!tpu.dma_semaphore, #tpu.memory_space<semaphore_mem>>)
      %dma_wait3A_329 = arith.constant 1 : i32
      %dma_wait3A_330 = arith.constant 1 : i32
      %dma_wait3A_331 = arith.constant 0 : i32
      %dma_wait3A_332 = arith.constant 0 : i32
      %dma_wait3A_333 = tpu.memref_slice %arg14[%dma_wait3A_330, %dma_wait3A_331, %dma_wait3A_332] : memref<2x800x8xf32, #tpu.memory_space<vmem>> -> memref<1x800x8xf32, #tpu.memory_space<vmem>>
      %dma_wait3A_334 = tpu.memref_squeeze %dma_wait3A_333 : memref<1x800x8xf32, #tpu.memory_space<vmem>> -> memref<800x8xf32, #tpu.memory_space<vmem>>
      %dma_wait3A_335 = arith.constant 0 : i32
      %dma_wait3A_336 = tpu.memref_slice %arg11[%dma_wait3A_329, %dma_wait3A_335] : memref<2x800xi32, #tpu.memory_space<vmem>> -> memref<1x800xi32, #tpu.memory_space<vmem>>
      %dma_wait3A_337 = tpu.memref_squeeze %dma_wait3A_336 : memref<1x800xi32, #tpu.memory_space<vmem>> -> memref<800xi32, #tpu.memory_space<vmem>>
      %dma_wait3A_338 = arith.constant 0 : i32
      %dma_wait3A_339 = arith.constant 0 : i32
      %dma_wait3A_340 = tpu.memref_slice %arg2[%dma_wait3A_338, %dma_wait3A_339] : memref<100000x8xf32, #tpu.memory_space<hbm>> -> memref<100000x8xf32, #tpu.memory_space<hbm>>
      tpu.wait_indirect_dma semaphore(%arg22 : memref<!tpu.dma_semaphore, #tpu.memory_space<semaphore_mem>>) src(%dma_wait3A_340 : memref<100000x8xf32, #tpu.memory_space<hbm>>) dst(%dma_wait3A_334 : memref<800x8xf32, #tpu.memory_space<vmem>>)
      %dma_wait3A_341 = arith.constant 1 : i32
      %dma_wait3A_342 = arith.constant 1 : i32
      %dma_wait3A_343 = arith.constant 0 : i32
      %dma_wait3A_344 = arith.constant 0 : i32
      %dma_wait3A_345 = tpu.memref_slice %arg15[%dma_wait3A_342, %dma_wait3A_343, %dma_wait3A_344] : memref<2x800x8xf32, #tpu.memory_space<vmem>> -> memref<1x800x8xf32, #tpu.memory_space<vmem>>
      %dma_wait3A_346 = tpu.memref_squeeze %dma_wait3A_345 : memref<1x800x8xf32, #tpu.memory_space<vmem>> -> memref<800x8xf32, #tpu.memory_space<vmem>>
      %dma_wait3A_347 = arith.constant 0 : i32
      %dma_wait3A_348 = tpu.memref_slice %arg12[%dma_wait3A_341, %dma_wait3A_347] : memref<2x800xi32, #tpu.memory_space<vmem>> -> memref<1x800xi32, #tpu.memory_space<vmem>>
      %dma_wait3A_349 = tpu.memref_squeeze %dma_wait3A_348 : memref<1x800xi32, #tpu.memory_space<vmem>> -> memref<800xi32, #tpu.memory_space<vmem>>
      %dma_wait3A_350 = arith.constant 0 : i32
      %dma_wait3A_351 = arith.constant 0 : i32
      %dma_wait3A_352 = tpu.memref_slice %arg3[%dma_wait3A_350, %dma_wait3A_351] : memref<100000x8xf32, #tpu.memory_space<hbm>> -> memref<100000x8xf32, #tpu.memory_space<hbm>>
      tpu.wait_indirect_dma semaphore(%arg24 : memref<!tpu.dma_semaphore, #tpu.memory_space<semaphore_mem>>) src(%dma_wait3A_352 : memref<100000x8xf32, #tpu.memory_space<hbm>>) dst(%dma_wait3A_346 : memref<800x8xf32, #tpu.memory_space<vmem>>)
      %scan3A_353 = arith.constant 0 : i32
      %scan3A_354 = arith.constant 0 : i32
      %scan3A_355 = arith.constant 50 : i32
      %scan3A_356 = arith.addi %scan3A_354, %scan3A_355 : i32
      %scan3A_357 = arith.constant 1 : i32
      scf.for %scan3A_497 = %scan3A_354 to %scan3A_356 step %scan3A_357  : i32 {
        %mul3A_498 = arith.constant 16 : i32
        %mul3A_499 = arith.muli %scan3A_497, %mul3A_498 : i32
        %iota3A = tpu.iota {dimensions = array<i32: 0>} : vector<16xi32>
        %add3A_500 = vector.broadcast %mul3A_499 : i32 to vector<16xi32>
        %add3A_501 = arith.addi %add3A_500, %iota3A : vector<16xi32>
        %mul3A_502 = arith.constant 16 : i32
        %mul3A_503 = arith.muli %scan3A_497, %mul3A_502 : i32
        %get3A = arith.constant 1 : i32
        %get3A_504 = arith.index_cast %get3A : i32 to index
        %get3A_505 = arith.index_cast %mul3A_503 : i32 to index
        %get3A_506 = tpu.vector_load %arg13[%get3A_504, %get3A_505] {strides = array<i32>} : memref<2x800xf32, #tpu.memory_space<vmem>>, vector<16xf32>,
        %neg3A = arith.constant 0.000000e+00 : f32
        %neg3A_507 = vector.broadcast %neg3A : f32 to vector<16xf32>
        %neg3A_508 = arith.subf %neg3A_507, %get3A_506 : vector<16xf32>
        %exp3A = math.exp %neg3A_508 : vector<16xf32>
        %broadcast_in_dim3A = arith.constant 0.000000e+00 : f32
        %broadcast_in_dim3A_509 = vector.broadcast %broadcast_in_dim3A : f32 to vector<16xf32>
        %broadcast_in_dim3A_510 = arith.constant 0 : i32
        %broadcast_in_dim3A_511 = vector.broadcast %broadcast_in_dim3A_510 : i32 to vector<16xi32>
        %gather3A = arith.constant 1 : i32
        %gather3A_512 = arith.constant 0 : i32
        %gather3A_513 = arith.constant 0 : i32
        %gather3A_514 = tpu.memref_slice %arg14[%gather3A, %gather3A_512, %gather3A_513] : memref<2x800x8xf32, #tpu.memory_space<vmem>> -> memref<1x800x8xf32, #tpu.memory_space<vmem>>
        %gather3A_515 = tpu.memref_squeeze %gather3A_514 : memref<1x800x8xf32, #tpu.memory_space<vmem>> -> memref<800x8xf32, #tpu.memory_space<vmem>>
        %gather3A_516 = tpu.vector_load_idx %gather3A_515[%add3A_501, %broadcast_in_dim3A_511] : memref<800x8xf32, #tpu.memory_space<vmem>>[vector<16xi32>, vector<16xi32>], vector<16xf32>,
        %gather3A_517 = arith.constant 1 : i32
        %gather3A_518 = arith.constant 0 : i32
        %gather3A_519 = arith.constant 0 : i32
        %gather3A_520 = tpu.memref_slice %arg15[%gather3A_517, %gather3A_518, %gather3A_519] : memref<2x800x8xf32, #tpu.memory_space<vmem>> -> memref<1x800x8xf32, #tpu.memory_space<vmem>>
        %gather3A_521 = tpu.memref_squeeze %gather3A_520 : memref<1x800x8xf32, #tpu.memory_space<vmem>> -> memref<800x8xf32, #tpu.memory_space<vmem>>
        %gather3A_522 = tpu.vector_load_idx %gather3A_521[%add3A_501, %broadcast_in_dim3A_511] : memref<800x8xf32, #tpu.memory_space<vmem>>[vector<16xi32>, vector<16xi32>], vector<16xf32>,
        %get3A_523 = arith.constant 0 : i32
        %get3A_524 = arith.index_cast %get3A_523 : i32 to index
        %get3A_525 = arith.constant 0 : index
        %get3A_526 = tpu.vector_load %arg19[%get3A_524, %get3A_525] {strides = array<i32>} : memref<8x16xf32, #tpu.memory_space<vmem>>, vector<16xf32>,
        %add3A_527 = arith.addf %gather3A_516, %exp3A : vector<16xf32>
        %add3A_528 = arith.addf %add3A_527, %gather3A_522 : vector<16xf32>
        %div3A = arith.divf %get3A_526, %add3A_528 : vector<16xf32>
        %neg3A_529 = arith.constant 0.000000e+00 : f32
        %neg3A_530 = vector.broadcast %neg3A_529 : f32 to vector<16xf32>
        %neg3A_531 = arith.subf %neg3A_530, %gather3A_516 : vector<16xf32>
        %mul3A_532 = arith.mulf %neg3A_531, %div3A : vector<16xf32>
        tpu.vector_store_idx %arg16[%add3A_501, %broadcast_in_dim3A_511], %mul3A_532 : memref<800x8xf32, #tpu.memory_space<vmem>>[vector<16xi32>, vector<16xi32>], vector<16xf32>,
        %mul3A_533 = arith.mulf %gather3A_522, %div3A : vector<16xf32>
        tpu.vector_store_idx %arg17[%add3A_501, %broadcast_in_dim3A_511], %mul3A_533 : memref<800x8xf32, #tpu.memory_space<vmem>>[vector<16xi32>, vector<16xi32>], vector<16xf32>,
        %add3A_534 = arith.addf %broadcast_in_dim3A_509, %div3A : vector<16xf32>
        %broadcast_in_dim3A_535 = arith.constant 1 : i32
        %broadcast_in_dim3A_536 = vector.broadcast %broadcast_in_dim3A_535 : i32 to vector<16xi32>
        %gather3A_537 = arith.constant 1 : i32
        %gather3A_538 = arith.constant 0 : i32
        %gather3A_539 = arith.constant 0 : i32
        %gather3A_540 = tpu.memref_slice %arg14[%gather3A_537, %gather3A_538, %gather3A_539] : memref<2x800x8xf32, #tpu.memory_space<vmem>> -> memref<1x800x8xf32, #tpu.memory_space<vmem>>
        %gather3A_541 = tpu.memref_squeeze %gather3A_540 : memref<1x800x8xf32, #tpu.memory_space<vmem>> -> memref<800x8xf32, #tpu.memory_space<vmem>>
        %gather3A_542 = tpu.vector_load_idx %gather3A_541[%add3A_501, %broadcast_in_dim3A_536] : memref<800x8xf32, #tpu.memory_space<vmem>>[vector<16xi32>, vector<16xi32>], vector<16xf32>,
        %gather3A_543 = arith.constant 1 : i32
        %gather3A_544 = arith.constant 0 : i32
        %gather3A_545 = arith.constant 0 : i32
        %gather3A_546 = tpu.memref_slice %arg15[%gather3A_543, %gather3A_544, %gather3A_545] : memref<2x800x8xf32, #tpu.memory_space<vmem>> -> memref<1x800x8xf32, #tpu.memory_space<vmem>>
        %gather3A_547 = tpu.memref_squeeze %gather3A_546 : memref<1x800x8xf32, #tpu.memory_space<vmem>> -> memref<800x8xf32, #tpu.memory_space<vmem>>
        %gather3A_548 = tpu.vector_load_idx %gather3A_547[%add3A_501, %broadcast_in_dim3A_536] : memref<800x8xf32, #tpu.memory_space<vmem>>[vector<16xi32>, vector<16xi32>], vector<16xf32>,
        %get3A_549 = arith.constant 1 : i32
        %get3A_550 = arith.index_cast %get3A_549 : i32 to index
        %get3A_551 = arith.constant 0 : index
        %get3A_552 = tpu.vector_load %arg19[%get3A_550, %get3A_551] {strides = array<i32>} : memref<8x16xf32, #tpu.memory_space<vmem>>, vector<16xf32>,
        %add3A_553 = arith.addf %gather3A_542, %exp3A : vector<16xf32>
        %add3A_554 = arith.addf %add3A_553, %gather3A_548 : vector<16xf32>
        %div3A_555 = arith.divf %get3A_552, %add3A_554 : vector<16xf32>
        %neg3A_556 = arith.constant 0.000000e+00 : f32
        %neg3A_557 = vector.broadcast %neg3A_556 : f32 to vector<16xf32>
        %neg3A_558 = arith.subf %neg3A_557, %gather3A_542 : vector<16xf32>
        %mul3A_559 = arith.mulf %neg3A_558, %div3A_555 : vector<16xf32>
        tpu.vector_store_idx %arg16[%add3A_501, %broadcast_in_dim3A_536], %mul3A_559 : memref<800x8xf32, #tpu.memory_space<vmem>>[vector<16xi32>, vector<16xi32>], vector<16xf32>,
        %mul3A_560 = arith.mulf %gather3A_548, %div3A_555 : vector<16xf32>
        tpu.vector_store_idx %arg17[%add3A_501, %broadcast_in_dim3A_536], %mul3A_560 : memref<800x8xf32, #tpu.memory_space<vmem>>[vector<16xi32>, vector<16xi32>], vector<16xf32>,
        %add3A_561 = arith.addf %add3A_534, %div3A_555 : vector<16xf32>
        %broadcast_in_dim3A_562 = arith.constant 2 : i32
        %broadcast_in_dim3A_563 = vector.broadcast %broadcast_in_dim3A_562 : i32 to vector<16xi32>
        %gather3A_564 = arith.constant 1 : i32
        %gather3A_565 = arith.constant 0 : i32
        %gather3A_566 = arith.constant 0 : i32
        %gather3A_567 = tpu.memref_slice %arg14[%gather3A_564, %gather3A_565, %gather3A_566] : memref<2x800x8xf32, #tpu.memory_space<vmem>> -> memref<1x800x8xf32, #tpu.memory_space<vmem>>
        %gather3A_568 = tpu.memref_squeeze %gather3A_567 : memref<1x800x8xf32, #tpu.memory_space<vmem>> -> memref<800x8xf32, #tpu.memory_space<vmem>>
        %gather3A_569 = tpu.vector_load_idx %gather3A_568[%add3A_501, %broadcast_in_dim3A_563] : memref<800x8xf32, #tpu.memory_space<vmem>>[vector<16xi32>, vector<16xi32>], vector<16xf32>,
        %gather3A_570 = arith.constant 1 : i32
        %gather3A_571 = arith.constant 0 : i32
        %gather3A_572 = arith.constant 0 : i32
        %gather3A_573 = tpu.memref_slice %arg15[%gather3A_570, %gather3A_571, %gather3A_572] : memref<2x800x8xf32, #tpu.memory_space<vmem>> -> memref<1x800x8xf32, #tpu.memory_space<vmem>>
        %gather3A_574 = tpu.memref_squeeze %gather3A_573 : memref<1x800x8xf32, #tpu.memory_space<vmem>> -> memref<800x8xf32, #tpu.memory_space<vmem>>
        %gather3A_575 = tpu.vector_load_idx %gather3A_574[%add3A_501, %broadcast_in_dim3A_563] : memref<800x8xf32, #tpu.memory_space<vmem>>[vector<16xi32>, vector<16xi32>], vector<16xf32>,
        %get3A_576 = arith.constant 2 : i32
        %get3A_577 = arith.index_cast %get3A_576 : i32 to index
        %get3A_578 = arith.constant 0 : index
        %get3A_579 = tpu.vector_load %arg19[%get3A_577, %get3A_578] {strides = array<i32>} : memref<8x16xf32, #tpu.memory_space<vmem>>, vector<16xf32>,
        %add3A_580 = arith.addf %gather3A_569, %exp3A : vector<16xf32>
        %add3A_581 = arith.addf %add3A_580, %gather3A_575 : vector<16xf32>
        %div3A_582 = arith.divf %get3A_579, %add3A_581 : vector<16xf32>
        %neg3A_583 = arith.constant 0.000000e+00 : f32
        %neg3A_584 = vector.broadcast %neg3A_583 : f32 to vector<16xf32>
        %neg3A_585 = arith.subf %neg3A_584, %gather3A_569 : vector<16xf32>
        %mul3A_586 = arith.mulf %neg3A_585, %div3A_582 : vector<16xf32>
        tpu.vector_store_idx %arg16[%add3A_501, %broadcast_in_dim3A_563], %mul3A_586 : memref<800x8xf32, #tpu.memory_space<vmem>>[vector<16xi32>, vector<16xi32>], vector<16xf32>,
        %mul3A_587 = arith.mulf %gather3A_575, %div3A_582 : vector<16xf32>
        tpu.vector_store_idx %arg17[%add3A_501, %broadcast_in_dim3A_563], %mul3A_587 : memref<800x8xf32, #tpu.memory_space<vmem>>[vector<16xi32>, vector<16xi32>], vector<16xf32>,
        %add3A_588 = arith.addf %add3A_561, %div3A_582 : vector<16xf32>
        %broadcast_in_dim3A_589 = arith.constant 3 : i32
        %broadcast_in_dim3A_590 = vector.broadcast %broadcast_in_dim3A_589 : i32 to vector<16xi32>
        %gather3A_591 = arith.constant 1 : i32
        %gather3A_592 = arith.constant 0 : i32
        %gather3A_593 = arith.constant 0 : i32
        %gather3A_594 = tpu.memref_slice %arg14[%gather3A_591, %gather3A_592, %gather3A_593] : memref<2x800x8xf32, #tpu.memory_space<vmem>> -> memref<1x800x8xf32, #tpu.memory_space<vmem>>
        %gather3A_595 = tpu.memref_squeeze %gather3A_594 : memref<1x800x8xf32, #tpu.memory_space<vmem>> -> memref<800x8xf32, #tpu.memory_space<vmem>>
        %gather3A_596 = tpu.vector_load_idx %gather3A_595[%add3A_501, %broadcast_in_dim3A_590] : memref<800x8xf32, #tpu.memory_space<vmem>>[vector<16xi32>, vector<16xi32>], vector<16xf32>,
        %gather3A_597 = arith.constant 1 : i32
        %gather3A_598 = arith.constant 0 : i32
        %gather3A_599 = arith.constant 0 : i32
        %gather3A_600 = tpu.memref_slice %arg15[%gather3A_597, %gather3A_598, %gather3A_599] : memref<2x800x8xf32, #tpu.memory_space<vmem>> -> memref<1x800x8xf32, #tpu.memory_space<vmem>>
        %gather3A_601 = tpu.memref_squeeze %gather3A_600 : memref<1x800x8xf32, #tpu.memory_space<vmem>> -> memref<800x8xf32, #tpu.memory_space<vmem>>
        %gather3A_602 = tpu.vector_load_idx %gather3A_601[%add3A_501, %broadcast_in_dim3A_590] : memref<800x8xf32, #tpu.memory_space<vmem>>[vector<16xi32>, vector<16xi32>], vector<16xf32>,
        %get3A_603 = arith.constant 3 : i32
        %get3A_604 = arith.index_cast %get3A_603 : i32 to index
        %get3A_605 = arith.constant 0 : index
        %get3A_606 = tpu.vector_load %arg19[%get3A_604, %get3A_605] {strides = array<i32>} : memref<8x16xf32, #tpu.memory_space<vmem>>, vector<16xf32>,
        %add3A_607 = arith.addf %gather3A_596, %exp3A : vector<16xf32>
        %add3A_608 = arith.addf %add3A_607, %gather3A_602 : vector<16xf32>
        %div3A_609 = arith.divf %get3A_606, %add3A_608 : vector<16xf32>
        %neg3A_610 = arith.constant 0.000000e+00 : f32
        %neg3A_611 = vector.broadcast %neg3A_610 : f32 to vector<16xf32>
        %neg3A_612 = arith.subf %neg3A_611, %gather3A_596 : vector<16xf32>
        %mul3A_613 = arith.mulf %neg3A_612, %div3A_609 : vector<16xf32>
        tpu.vector_store_idx %arg16[%add3A_501, %broadcast_in_dim3A_590], %mul3A_613 : memref<800x8xf32, #tpu.memory_space<vmem>>[vector<16xi32>, vector<16xi32>], vector<16xf32>,
        %mul3A_614 = arith.mulf %gather3A_602, %div3A_609 : vector<16xf32>
        tpu.vector_store_idx %arg17[%add3A_501, %broadcast_in_dim3A_590], %mul3A_614 : memref<800x8xf32, #tpu.memory_space<vmem>>[vector<16xi32>, vector<16xi32>], vector<16xf32>,
        %add3A_615 = arith.addf %add3A_588, %div3A_609 : vector<16xf32>
        %broadcast_in_dim3A_616 = arith.constant 4 : i32
        %broadcast_in_dim3A_617 = vector.broadcast %broadcast_in_dim3A_616 : i32 to vector<16xi32>
        %gather3A_618 = arith.constant 1 : i32
        %gather3A_619 = arith.constant 0 : i32
        %gather3A_620 = arith.constant 0 : i32
        %gather3A_621 = tpu.memref_slice %arg14[%gather3A_618, %gather3A_619, %gather3A_620] : memref<2x800x8xf32, #tpu.memory_space<vmem>> -> memref<1x800x8xf32, #tpu.memory_space<vmem>>
        %gather3A_622 = tpu.memref_squeeze %gather3A_621 : memref<1x800x8xf32, #tpu.memory_space<vmem>> -> memref<800x8xf32, #tpu.memory_space<vmem>>
        %gather3A_623 = tpu.vector_load_idx %gather3A_622[%add3A_501, %broadcast_in_dim3A_617] : memref<800x8xf32, #tpu.memory_space<vmem>>[vector<16xi32>, vector<16xi32>], vector<16xf32>,
        %gather3A_624 = arith.constant 1 : i32
        %gather3A_625 = arith.constant 0 : i32
        %gather3A_626 = arith.constant 0 : i32
        %gather3A_627 = tpu.memref_slice %arg15[%gather3A_624, %gather3A_625, %gather3A_626] : memref<2x800x8xf32, #tpu.memory_space<vmem>> -> memref<1x800x8xf32, #tpu.memory_space<vmem>>
        %gather3A_628 = tpu.memref_squeeze %gather3A_627 : memref<1x800x8xf32, #tpu.memory_space<vmem>> -> memref<800x8xf32, #tpu.memory_space<vmem>>
        %gather3A_629 = tpu.vector_load_idx %gather3A_628[%add3A_501, %broadcast_in_dim3A_617] : memref<800x8xf32, #tpu.memory_space<vmem>>[vector<16xi32>, vector<16xi32>], vector<16xf32>,
        %get3A_630 = arith.constant 4 : i32
        %get3A_631 = arith.index_cast %get3A_630 : i32 to index
        %get3A_632 = arith.constant 0 : index
        %get3A_633 = tpu.vector_load %arg19[%get3A_631, %get3A_632] {strides = array<i32>} : memref<8x16xf32, #tpu.memory_space<vmem>>, vector<16xf32>,
        %add3A_634 = arith.addf %gather3A_623, %exp3A : vector<16xf32>
        %add3A_635 = arith.addf %add3A_634, %gather3A_629 : vector<16xf32>
        %div3A_636 = arith.divf %get3A_633, %add3A_635 : vector<16xf32>
        %neg3A_637 = arith.constant 0.000000e+00 : f32
        %neg3A_638 = vector.broadcast %neg3A_637 : f32 to vector<16xf32>
        %neg3A_639 = arith.subf %neg3A_638, %gather3A_623 : vector<16xf32>
        %mul3A_640 = arith.mulf %neg3A_639, %div3A_636 : vector<16xf32>
        tpu.vector_store_idx %arg16[%add3A_501, %broadcast_in_dim3A_617], %mul3A_640 : memref<800x8xf32, #tpu.memory_space<vmem>>[vector<16xi32>, vector<16xi32>], vector<16xf32>,
        %mul3A_641 = arith.mulf %gather3A_629, %div3A_636 : vector<16xf32>
        tpu.vector_store_idx %arg17[%add3A_501, %broadcast_in_dim3A_617], %mul3A_641 : memref<800x8xf32, #tpu.memory_space<vmem>>[vector<16xi32>, vector<16xi32>], vector<16xf32>,
        %add3A_642 = arith.addf %add3A_615, %div3A_636 : vector<16xf32>
        %broadcast_in_dim3A_643 = arith.constant 5 : i32
        %broadcast_in_dim3A_644 = vector.broadcast %broadcast_in_dim3A_643 : i32 to vector<16xi32>
        %gather3A_645 = arith.constant 1 : i32
        %gather3A_646 = arith.constant 0 : i32
        %gather3A_647 = arith.constant 0 : i32
        %gather3A_648 = tpu.memref_slice %arg14[%gather3A_645, %gather3A_646, %gather3A_647] : memref<2x800x8xf32, #tpu.memory_space<vmem>> -> memref<1x800x8xf32, #tpu.memory_space<vmem>>
        %gather3A_649 = tpu.memref_squeeze %gather3A_648 : memref<1x800x8xf32, #tpu.memory_space<vmem>> -> memref<800x8xf32, #tpu.memory_space<vmem>>
        %gather3A_650 = tpu.vector_load_idx %gather3A_649[%add3A_501, %broadcast_in_dim3A_644] : memref<800x8xf32, #tpu.memory_space<vmem>>[vector<16xi32>, vector<16xi32>], vector<16xf32>,
        %gather3A_651 = arith.constant 1 : i32
        %gather3A_652 = arith.constant 0 : i32
        %gather3A_653 = arith.constant 0 : i32
        %gather3A_654 = tpu.memref_slice %arg15[%gather3A_651, %gather3A_652, %gather3A_653] : memref<2x800x8xf32, #tpu.memory_space<vmem>> -> memref<1x800x8xf32, #tpu.memory_space<vmem>>
        %gather3A_655 = tpu.memref_squeeze %gather3A_654 : memref<1x800x8xf32, #tpu.memory_space<vmem>> -> memref<800x8xf32, #tpu.memory_space<vmem>>
        %gather3A_656 = tpu.vector_load_idx %gather3A_655[%add3A_501, %broadcast_in_dim3A_644] : memref<800x8xf32, #tpu.memory_space<vmem>>[vector<16xi32>, vector<16xi32>], vector<16xf32>,
        %get3A_657 = arith.constant 5 : i32
        %get3A_658 = arith.index_cast %get3A_657 : i32 to index
        %get3A_659 = arith.constant 0 : index
        %get3A_660 = tpu.vector_load %arg19[%get3A_658, %get3A_659] {strides = array<i32>} : memref<8x16xf32, #tpu.memory_space<vmem>>, vector<16xf32>,
        %add3A_661 = arith.addf %gather3A_650, %exp3A : vector<16xf32>
        %add3A_662 = arith.addf %add3A_661, %gather3A_656 : vector<16xf32>
        %div3A_663 = arith.divf %get3A_660, %add3A_662 : vector<16xf32>
        %neg3A_664 = arith.constant 0.000000e+00 : f32
        %neg3A_665 = vector.broadcast %neg3A_664 : f32 to vector<16xf32>
        %neg3A_666 = arith.subf %neg3A_665, %gather3A_650 : vector<16xf32>
        %mul3A_667 = arith.mulf %neg3A_666, %div3A_663 : vector<16xf32>
        tpu.vector_store_idx %arg16[%add3A_501, %broadcast_in_dim3A_644], %mul3A_667 : memref<800x8xf32, #tpu.memory_space<vmem>>[vector<16xi32>, vector<16xi32>], vector<16xf32>,
        %mul3A_668 = arith.mulf %gather3A_656, %div3A_663 : vector<16xf32>
        tpu.vector_store_idx %arg17[%add3A_501, %broadcast_in_dim3A_644], %mul3A_668 : memref<800x8xf32, #tpu.memory_space<vmem>>[vector<16xi32>, vector<16xi32>], vector<16xf32>,
        %add3A_669 = arith.addf %add3A_642, %div3A_663 : vector<16xf32>
        %mul3A_670 = arith.mulf %exp3A, %add3A_669 : vector<16xf32>
        %sub3A = arith.subf %get3A_506, %mul3A_670 : vector<16xf32>
        %mul3A_671 = arith.constant 16 : i32
        %mul3A_672 = arith.muli %scan3A_497, %mul3A_671 : i32
        %swap3A = arith.index_cast %mul3A_672 : i32 to index
        %swap3A_673 = tpu.vector_load %arg18[%swap3A] {strides = array<i32>} : memref<800xf32, #tpu.memory_space<vmem>>, vector<16xf32>,
        tpu.vector_store %arg18[%swap3A], %sub3A {strides = array<i32>} : memref<800xf32, #tpu.memory_space<vmem>>, vector<16xf32>,
      }
      %scan3A_358 = arith.constant 50 : i32
      %mul3A_359 = arith.constant 100000 : i32
      %mul3A_360 = arith.muli %add3A, %mul3A_359 : i32
      %mul3A_361 = arith.constant 800 : i32
      %mul3A_362 = arith.muli %add3A_240, %mul3A_361 : i32
      %add3A_363 = arith.addi %mul3A_360, %mul3A_362 : i32
      %multiple_of3A_364 = tpu.assume_multiple %add3A_363, 8 : i32
      %run_scoped3A_365 = arith.constant 1 : i32
      "tpu.region"() ({
        %run_scoped3A_497 = tpu.sem_alloc : memref<!tpu.dma_semaphore, #tpu.memory_space<semaphore_mem>>
        %dma_start3A_498 = arith.constant 0 : i32
        %dma_start3A_499 = tpu.memref_slice %arg11[%run_scoped3A_365, %dma_start3A_498] : memref<2x800xi32, #tpu.memory_space<vmem>> -> memref<1x800xi32, #tpu.memory_space<vmem>>
        %dma_start3A_500 = tpu.memref_squeeze %dma_start3A_499 : memref<1x800xi32, #tpu.memory_space<vmem>> -> memref<800xi32, #tpu.memory_space<vmem>>
        %dma_start3A_501 = arith.constant 0 : i32
        %dma_start3A_502 = arith.constant 0 : i32
        %dma_start3A_503 = tpu.memref_slice %arg20[%dma_start3A_501, %dma_start3A_502] : memref<100096x8xf32, #tpu.memory_space<vmem_shared>> -> memref<100096x8xf32, #tpu.memory_space<vmem_shared>>
        tpu.enqueue_indirect_dma source(%arg16 : memref<800x8xf32, #tpu.memory_space<vmem>>) target(%dma_start3A_503 : memref<100096x8xf32, #tpu.memory_space<vmem_shared>>) offsets(%dma_start3A_500 : memref<800xi32, #tpu.memory_space<vmem>>) semaphore(%run_scoped3A_497 : memref<!tpu.dma_semaphore, #tpu.memory_space<semaphore_mem>>) {add = true}
        %dma_wait3A_504 = arith.constant 0 : i32
        %dma_wait3A_505 = tpu.memref_slice %arg11[%run_scoped3A_365, %dma_wait3A_504] : memref<2x800xi32, #tpu.memory_space<vmem>> -> memref<1x800xi32, #tpu.memory_space<vmem>>
        %dma_wait3A_506 = tpu.memref_squeeze %dma_wait3A_505 : memref<1x800xi32, #tpu.memory_space<vmem>> -> memref<800xi32, #tpu.memory_space<vmem>>
        %dma_wait3A_507 = arith.constant 0 : i32
        %dma_wait3A_508 = arith.constant 0 : i32
        %dma_wait3A_509 = tpu.memref_slice %arg20[%dma_wait3A_507, %dma_wait3A_508] : memref<100096x8xf32, #tpu.memory_space<vmem_shared>> -> memref<100096x8xf32, #tpu.memory_space<vmem_shared>>
        tpu.wait_indirect_dma semaphore(%run_scoped3A_497 : memref<!tpu.dma_semaphore, #tpu.memory_space<semaphore_mem>>) src(%arg16 : memref<800x8xf32, #tpu.memory_space<vmem>>) dst(%dma_wait3A_509 : memref<100096x8xf32, #tpu.memory_space<vmem_shared>>)
        tpu.yield
      }) : () -> ()
      %run_scoped3A_366 = arith.constant 1 : i32
      "tpu.region"() ({
        %run_scoped3A_497 = tpu.sem_alloc : memref<!tpu.dma_semaphore, #tpu.memory_space<semaphore_mem>>
        %dma_start3A_498 = arith.constant 0 : i32
        %dma_start3A_499 = tpu.memref_slice %arg12[%run_scoped3A_366, %dma_start3A_498] : memref<2x800xi32, #tpu.memory_space<vmem>> -> memref<1x800xi32, #tpu.memory_space<vmem>>
        %dma_start3A_500 = tpu.memref_squeeze %dma_start3A_499 : memref<1x800xi32, #tpu.memory_space<vmem>> -> memref<800xi32, #tpu.memory_space<vmem>>
        %dma_start3A_501 = arith.constant 0 : i32
        %dma_start3A_502 = arith.constant 0 : i32
        %dma_start3A_503 = tpu.memref_slice %arg20[%dma_start3A_501, %dma_start3A_502] : memref<100096x8xf32, #tpu.memory_space<vmem_shared>> -> memref<100096x8xf32, #tpu.memory_space<vmem_shared>>
        tpu.enqueue_indirect_dma source(%arg17 : memref<800x8xf32, #tpu.memory_space<vmem>>) target(%dma_start3A_503 : memref<100096x8xf32, #tpu.memory_space<vmem_shared>>) offsets(%dma_start3A_500 : memref<800xi32, #tpu.memory_space<vmem>>) semaphore(%run_scoped3A_497 : memref<!tpu.dma_semaphore, #tpu.memory_space<semaphore_mem>>) {add = true}
        %dma_wait3A_504 = arith.constant 0 : i32
        %dma_wait3A_505 = tpu.memref_slice %arg12[%run_scoped3A_366, %dma_wait3A_504] : memref<2x800xi32, #tpu.memory_space<vmem>> -> memref<1x800xi32, #tpu.memory_space<vmem>>
        %dma_wait3A_506 = tpu.memref_squeeze %dma_wait3A_505 : memref<1x800xi32, #tpu.memory_space<vmem>> -> memref<800xi32, #tpu.memory_space<vmem>>
        %dma_wait3A_507 = arith.constant 0 : i32
        %dma_wait3A_508 = arith.constant 0 : i32
        %dma_wait3A_509 = tpu.memref_slice %arg20[%dma_wait3A_507, %dma_wait3A_508] : memref<100096x8xf32, #tpu.memory_space<vmem_shared>> -> memref<100096x8xf32, #tpu.memory_space<vmem_shared>>
        tpu.wait_indirect_dma semaphore(%run_scoped3A_497 : memref<!tpu.dma_semaphore, #tpu.memory_space<semaphore_mem>>) src(%arg17 : memref<800x8xf32, #tpu.memory_space<vmem>>) dst(%dma_wait3A_509 : memref<100096x8xf32, #tpu.memory_space<vmem_shared>>)
        tpu.yield
      }) : () -> ()
      "tpu.region"() ({
        %run_scoped3A_497 = tpu.sem_alloc : memref<!tpu.dma_semaphore, #tpu.memory_space<semaphore_mem>>
        %dma_start3A_498 = tpu.memref_slice %arg9[%multiple_of3A_364] : memref<3200000xf32, #tpu.memory_space<hbm>> -> memref<800xf32, #tpu.memory_space<hbm>>
        %dma_start3A_499 = tpu.memref_slice %arg9[%multiple_of3A_364] : memref<3200000xf32, #tpu.memory_space<hbm>> -> memref<800xf32, #tpu.memory_space<hbm>>
        tpu.enqueue_dma source(%arg18 : memref<800xf32, #tpu.memory_space<vmem>>) target(%dma_start3A_499 : memref<800xf32, #tpu.memory_space<hbm>>) target_semaphore(%run_scoped3A_497 : memref<!tpu.dma_semaphore, #tpu.memory_space<semaphore_mem>>)
        %dma_wait3A_500 = tpu.memref_slice %arg9[%multiple_of3A_364] : memref<3200000xf32, #tpu.memory_space<hbm>> -> memref<800xf32, #tpu.memory_space<hbm>>
        %dma_wait3A_501 = tpu.memref_slice %arg9[%multiple_of3A_364] : memref<3200000xf32, #tpu.memory_space<hbm>> -> memref<800xf32, #tpu.memory_space<hbm>>
        tpu.wait_dma2 semaphore(%run_scoped3A_497 : memref<!tpu.dma_semaphore, #tpu.memory_space<semaphore_mem>>) src(%arg18 : memref<800xf32, #tpu.memory_space<vmem>>) dst(%dma_wait3A_501 : memref<800xf32, #tpu.memory_space<hbm>>)
        tpu.yield
      }) : () -> ()
      %mul3A_367 = arith.constant 2 : i32
      %mul3A_368 = arith.muli %mul3A_367, %scan3A_236 : i32
      %add3A_369 = arith.constant 2 : i32
      %add3A_370 = arith.addi %add3A_369, %mul3A_368 : i32
      %add3A_371 = arith.constant 1 : i32
      %add3A_372 = arith.addi %add3A_370, %add3A_371 : i32
      %min3A_373 = arith.constant 124 : i32
      %min3A_374 = arith.minsi %add3A_372, %min3A_373 : i32
      %mul3A_375 = arith.constant 100000 : i32
      %mul3A_376 = arith.muli %add3A, %mul3A_375 : i32
      %mul3A_377 = arith.constant 800 : i32
      %mul3A_378 = arith.muli %min3A_374, %mul3A_377 : i32
      %add3A_379 = arith.addi %mul3A_376, %mul3A_378 : i32
      %multiple_of3A_380 = tpu.assume_multiple %add3A_379, 8 : i32
      %dma_start3A_381 = arith.constant 1 : i32
      %dma_start3A_382 = arith.constant 0 : i32
      %dma_start3A_383 = tpu.memref_slice %arg11[%dma_start3A_381, %dma_start3A_382] : memref<2x800xi32, #tpu.memory_space<vmem>> -> memref<1x800xi32, #tpu.memory_space<vmem>>
      %dma_start3A_384 = tpu.memref_squeeze %dma_start3A_383 : memref<1x800xi32, #tpu.memory_space<vmem>> -> memref<800xi32, #tpu.memory_space<vmem>>
      %dma_start3A_385 = tpu.memref_slice %arg5[%multiple_of3A_380] : memref<3200000xi32, #tpu.memory_space<hbm>> -> memref<800xi32, #tpu.memory_space<hbm>>
      %dma_start3A_386 = arith.constant 0 : i32
      %dma_start3A_387 = tpu.memref_slice %arg11[%dma_start3A_381, %dma_start3A_386] : memref<2x800xi32, #tpu.memory_space<vmem>> -> memref<1x800xi32, #tpu.memory_space<vmem>>
      %dma_start3A_388 = tpu.memref_squeeze %dma_start3A_387 : memref<1x800xi32, #tpu.memory_space<vmem>> -> memref<800xi32, #tpu.memory_space<vmem>>
      %dma_start3A_389 = tpu.memref_slice %arg5[%multiple_of3A_380] : memref<3200000xi32, #tpu.memory_space<hbm>> -> memref<800xi32, #tpu.memory_space<hbm>>
      tpu.enqueue_dma source(%dma_start3A_389 : memref<800xi32, #tpu.memory_space<hbm>>) target(%dma_start3A_388 : memref<800xi32, #tpu.memory_space<vmem>>) target_semaphore(%arg25 : memref<!tpu.dma_semaphore, #tpu.memory_space<semaphore_mem>>)
      %dma_start3A_390 = arith.constant 1 : i32
      %dma_start3A_391 = arith.constant 0 : i32
      %dma_start3A_392 = tpu.memref_slice %arg12[%dma_start3A_390, %dma_start3A_391] : memref<2x800xi32, #tpu.memory_space<vmem>> -> memref<1x800xi32, #tpu.memory_space<vmem>>
      %dma_start3A_393 = tpu.memref_squeeze %dma_start3A_392 : memref<1x800xi32, #tpu.memory_space<vmem>> -> memref<800xi32, #tpu.memory_space<vmem>>
      %dma_start3A_394 = tpu.memref_slice %arg6[%multiple_of3A_380] : memref<3200000xi32, #tpu.memory_space<hbm>> -> memref<800xi32, #tpu.memory_space<hbm>>
      %dma_start3A_395 = arith.constant 0 : i32
      %dma_start3A_396 = tpu.memref_slice %arg12[%dma_start3A_390, %dma_start3A_395] : memref<2x800xi32, #tpu.memory_space<vmem>> -> memref<1x800xi32, #tpu.memory_space<vmem>>
      %dma_start3A_397 = tpu.memref_squeeze %dma_start3A_396 : memref<1x800xi32, #tpu.memory_space<vmem>> -> memref<800xi32, #tpu.memory_space<vmem>>
      %dma_start3A_398 = tpu.memref_slice %arg6[%multiple_of3A_380] : memref<3200000xi32, #tpu.memory_space<hbm>> -> memref<800xi32, #tpu.memory_space<hbm>>
      tpu.enqueue_dma source(%dma_start3A_398 : memref<800xi32, #tpu.memory_space<hbm>>) target(%dma_start3A_397 : memref<800xi32, #tpu.memory_space<vmem>>) target_semaphore(%arg25 : memref<!tpu.dma_semaphore, #tpu.memory_space<semaphore_mem>>)
      %dma_start3A_399 = arith.constant 1 : i32
      %dma_start3A_400 = arith.constant 0 : i32
      %dma_start3A_401 = tpu.memref_slice %arg13[%dma_start3A_399, %dma_start3A_400] : memref<2x800xf32, #tpu.memory_space<vmem>> -> memref<1x800xf32, #tpu.memory_space<vmem>>
      %dma_start3A_402 = tpu.memref_squeeze %dma_start3A_401 : memref<1x800xf32, #tpu.memory_space<vmem>> -> memref<800xf32, #tpu.memory_space<vmem>>
      %dma_start3A_403 = tpu.memref_slice %arg4[%multiple_of3A_380] : memref<3200000xf32, #tpu.memory_space<hbm>> -> memref<800xf32, #tpu.memory_space<hbm>>
      %dma_start3A_404 = arith.constant 0 : i32
      %dma_start3A_405 = tpu.memref_slice %arg13[%dma_start3A_399, %dma_start3A_404] : memref<2x800xf32, #tpu.memory_space<vmem>> -> memref<1x800xf32, #tpu.memory_space<vmem>>
      %dma_start3A_406 = tpu.memref_squeeze %dma_start3A_405 : memref<1x800xf32, #tpu.memory_space<vmem>> -> memref<800xf32, #tpu.memory_space<vmem>>
      %dma_start3A_407 = tpu.memref_slice %arg4[%multiple_of3A_380] : memref<3200000xf32, #tpu.memory_space<hbm>> -> memref<800xf32, #tpu.memory_space<hbm>>
      tpu.enqueue_dma source(%dma_start3A_407 : memref<800xf32, #tpu.memory_space<hbm>>) target(%dma_start3A_406 : memref<800xf32, #tpu.memory_space<vmem>>) target_semaphore(%arg25 : memref<!tpu.dma_semaphore, #tpu.memory_space<semaphore_mem>>)
      %dma_wait3A_408 = arith.constant 1 : i32
      %dma_wait3A_409 = arith.constant 0 : i32
      %dma_wait3A_410 = tpu.memref_slice %arg11[%dma_wait3A_408, %dma_wait3A_409] : memref<2x800xi32, #tpu.memory_space<vmem>> -> memref<1x800xi32, #tpu.memory_space<vmem>>
      %dma_wait3A_411 = tpu.memref_squeeze %dma_wait3A_410 : memref<1x800xi32, #tpu.memory_space<vmem>> -> memref<800xi32, #tpu.memory_space<vmem>>
      %dma_wait3A_412 = tpu.memref_slice %arg5[%multiple_of3A_380] : memref<3200000xi32, #tpu.memory_space<hbm>> -> memref<800xi32, #tpu.memory_space<hbm>>
      %dma_wait3A_413 = arith.constant 0 : i32
      %dma_wait3A_414 = tpu.memref_slice %arg11[%dma_wait3A_408, %dma_wait3A_413] : memref<2x800xi32, #tpu.memory_space<vmem>> -> memref<1x800xi32, #tpu.memory_space<vmem>>
      %dma_wait3A_415 = tpu.memref_squeeze %dma_wait3A_414 : memref<1x800xi32, #tpu.memory_space<vmem>> -> memref<800xi32, #tpu.memory_space<vmem>>
      %dma_wait3A_416 = tpu.memref_slice %arg5[%multiple_of3A_380] : memref<3200000xi32, #tpu.memory_space<hbm>> -> memref<800xi32, #tpu.memory_space<hbm>>
      tpu.wait_dma2 semaphore(%arg25 : memref<!tpu.dma_semaphore, #tpu.memory_space<semaphore_mem>>) src(%dma_wait3A_416 : memref<800xi32, #tpu.memory_space<hbm>>) dst(%dma_wait3A_415 : memref<800xi32, #tpu.memory_space<vmem>>)
      %dma_wait3A_417 = arith.constant 1 : i32
      %dma_wait3A_418 = arith.constant 0 : i32
      %dma_wait3A_419 = tpu.memref_slice %arg12[%dma_wait3A_417, %dma_wait3A_418] : memref<2x800xi32, #tpu.memory_space<vmem>> -> memref<1x800xi32, #tpu.memory_space<vmem>>
      %dma_wait3A_420 = tpu.memref_squeeze %dma_wait3A_419 : memref<1x800xi32, #tpu.memory_space<vmem>> -> memref<800xi32, #tpu.memory_space<vmem>>
      %dma_wait3A_421 = tpu.memref_slice %arg6[%multiple_of3A_380] : memref<3200000xi32, #tpu.memory_space<hbm>> -> memref<800xi32, #tpu.memory_space<hbm>>
      %dma_wait3A_422 = arith.constant 0 : i32
      %dma_wait3A_423 = tpu.memref_slice %arg12[%dma_wait3A_417, %dma_wait3A_422] : memref<2x800xi32, #tpu.memory_space<vmem>> -> memref<1x800xi32, #tpu.memory_space<vmem>>
      %dma_wait3A_424 = tpu.memref_squeeze %dma_wait3A_423 : memref<1x800xi32, #tpu.memory_space<vmem>> -> memref<800xi32, #tpu.memory_space<vmem>>
      %dma_wait3A_425 = tpu.memref_slice %arg6[%multiple_of3A_380] : memref<3200000xi32, #tpu.memory_space<hbm>> -> memref<800xi32, #tpu.memory_space<hbm>>
      tpu.wait_dma2 semaphore(%arg25 : memref<!tpu.dma_semaphore, #tpu.memory_space<semaphore_mem>>) src(%dma_wait3A_425 : memref<800xi32, #tpu.memory_space<hbm>>) dst(%dma_wait3A_424 : memref<800xi32, #tpu.memory_space<vmem>>)
      %dma_wait3A_426 = arith.constant 1 : i32
      %dma_wait3A_427 = arith.constant 0 : i32
      %dma_wait3A_428 = tpu.memref_slice %arg13[%dma_wait3A_426, %dma_wait3A_427] : memref<2x800xf32, #tpu.memory_space<vmem>> -> memref<1x800xf32, #tpu.memory_space<vmem>>
      %dma_wait3A_429 = tpu.memref_squeeze %dma_wait3A_428 : memref<1x800xf32, #tpu.memory_space<vmem>> -> memref<800xf32, #tpu.memory_space<vmem>>
      %dma_wait3A_430 = tpu.memref_slice %arg4[%multiple_of3A_380] : memref<3200000xf32, #tpu.memory_space<hbm>> -> memref<800xf32, #tpu.memory_space<hbm>>
      %dma_wait3A_431 = arith.constant 0 : i32
      %dma_wait3A_432 = tpu.memref_slice %arg13[%dma_wait3A_426, %dma_wait3A_431] : memref<2x800xf32, #tpu.memory_space<vmem>> -> memref<1x800xf32, #tpu.memory_space<vmem>>
      %dma_wait3A_433 = tpu.memref_squeeze %dma_wait3A_432 : memref<1x800xf32, #tpu.memory_space<vmem>> -> memref<800xf32, #tpu.memory_space<vmem>>
      %dma_wait3A_434 = tpu.memref_slice %arg4[%multiple_of3A_380] : memref<3200000xf32, #tpu.memory_space<hbm>> -> memref<800xf32, #tpu.memory_space<hbm>>
      tpu.wait_dma2 semaphore(%arg25 : memref<!tpu.dma_semaphore, #tpu.memory_space<semaphore_mem>>) src(%dma_wait3A_434 : memref<800xf32, #tpu.memory_space<hbm>>) dst(%dma_wait3A_433 : memref<800xf32, #tpu.memory_space<vmem>>)
      %dma_start3A_435 = arith.constant 1 : i32
      %dma_start3A_436 = arith.constant 1 : i32
      %dma_start3A_437 = arith.constant 0 : i32
      %dma_start3A_438 = arith.constant 0 : i32
      %dma_start3A_439 = tpu.memref_slice %arg14[%dma_start3A_436, %dma_start3A_437, %dma_start3A_438] : memref<2x800x8xf32, #tpu.memory_space<vmem>> -> memref<1x800x8xf32, #tpu.memory_space<vmem>>
      %dma_start3A_440 = tpu.memref_squeeze %dma_start3A_439 : memref<1x800x8xf32, #tpu.memory_space<vmem>> -> memref<800x8xf32, #tpu.memory_space<vmem>>
      %dma_start3A_441 = arith.constant 0 : i32
      %dma_start3A_442 = tpu.memref_slice %arg11[%dma_start3A_435, %dma_start3A_441] : memref<2x800xi32, #tpu.memory_space<vmem>> -> memref<1x800xi32, #tpu.memory_space<vmem>>
      %dma_start3A_443 = tpu.memref_squeeze %dma_start3A_442 : memref<1x800xi32, #tpu.memory_space<vmem>> -> memref<800xi32, #tpu.memory_space<vmem>>
      %dma_start3A_444 = arith.constant 0 : i32
      %dma_start3A_445 = arith.constant 0 : i32
      %dma_start3A_446 = tpu.memref_slice %arg2[%dma_start3A_444, %dma_start3A_445] : memref<100000x8xf32, #tpu.memory_space<hbm>> -> memref<100000x8xf32, #tpu.memory_space<hbm>>
      tpu.enqueue_indirect_dma source(%dma_start3A_446 : memref<100000x8xf32, #tpu.memory_space<hbm>>) target(%dma_start3A_440 : memref<800x8xf32, #tpu.memory_space<vmem>>) offsets(%dma_start3A_443 : memref<800xi32, #tpu.memory_space<vmem>>) semaphore(%arg22 : memref<!tpu.dma_semaphore, #tpu.memory_space<semaphore_mem>>)
      %dma_start3A_447 = arith.constant 1 : i32
      %dma_start3A_448 = arith.constant 1 : i32
      %dma_start3A_449 = arith.constant 0 : i32
      %dma_start3A_450 = arith.constant 0 : i32
      %dma_start3A_451 = tpu.memref_slice %arg15[%dma_start3A_448, %dma_start3A_449, %dma_start3A_450] : memref<2x800x8xf32, #tpu.memory_space<vmem>> -> memref<1x800x8xf32, #tpu.memory_space<vmem>>
      %dma_start3A_452 = tpu.memref_squeeze %dma_start3A_451 : memref<1x800x8xf32, #tpu.memory_space<vmem>> -> memref<800x8xf32, #tpu.memory_space<vmem>>
      %dma_start3A_453 = arith.constant 0 : i32
      %dma_start3A_454 = tpu.memref_slice %arg12[%dma_start3A_447, %dma_start3A_453] : memref<2x800xi32, #tpu.memory_space<vmem>> -> memref<1x800xi32, #tpu.memory_space<vmem>>
      %dma_start3A_455 = tpu.memref_squeeze %dma_start3A_454 : memref<1x800xi32, #tpu.memory_space<vmem>> -> memref<800xi32, #tpu.memory_space<vmem>>
      %dma_start3A_456 = arith.constant 0 : i32
      %dma_start3A_457 = arith.constant 0 : i32
      %dma_start3A_458 = tpu.memref_slice %arg3[%dma_start3A_456, %dma_start3A_457] : memref<100000x8xf32, #tpu.memory_space<hbm>> -> memref<100000x8xf32, #tpu.memory_space<hbm>>
      tpu.enqueue_indirect_dma source(%dma_start3A_458 : memref<100000x8xf32, #tpu.memory_space<hbm>>) target(%dma_start3A_452 : memref<800x8xf32, #tpu.memory_space<vmem>>) offsets(%dma_start3A_455 : memref<800xi32, #tpu.memory_space<vmem>>) semaphore(%arg24 : memref<!tpu.dma_semaphore, #tpu.memory_space<semaphore_mem>>)
      %dma_wait3A_459 = arith.constant 0 : i32
      %dma_wait3A_460 = arith.constant 0 : i32
      %dma_wait3A_461 = arith.constant 0 : i32
      %dma_wait3A_462 = arith.constant 0 : i32
      %dma_wait3A_463 = tpu.memref_slice %arg14[%dma_wait3A_460, %dma_wait3A_461, %dma_wait3A_462] : memref<2x800x8xf32, #tpu.memory_space<vmem>> -> memref<1x800x8xf32, #tpu.memory_space<vmem>>
      %dma_wait3A_464 = tpu.memref_squeeze %dma_wait3A_463 : memref<1x800x8xf32, #tpu.memory_space<vmem>> -> memref<800x8xf32, #tpu.memory_space<vmem>>
      %dma_wait3A_465 = arith.constant 0 : i32
      %dma_wait3A_466 = tpu.memref_slice %arg11[%dma_wait3A_459, %dma_wait3A_465] : memref<2x800xi32, #tpu.memory_space<vmem>> -> memref<1x800xi32, #tpu.memory_space<vmem>>
      %dma_wait3A_467 = tpu.memref_squeeze %dma_wait3A_466 : memref<1x800xi32, #tpu.memory_space<vmem>> -> memref<800xi32, #tpu.memory_space<vmem>>
      %dma_wait3A_468 = arith.constant 0 : i32
      %dma_wait3A_469 = arith.constant 0 : i32
      %dma_wait3A_470 = tpu.memref_slice %arg2[%dma_wait3A_468, %dma_wait3A_469] : memref<100000x8xf32, #tpu.memory_space<hbm>> -> memref<100000x8xf32, #tpu.memory_space<hbm>>
      tpu.wait_indirect_dma semaphore(%arg21 : memref<!tpu.dma_semaphore, #tpu.memory_space<semaphore_mem>>) src(%dma_wait3A_470 : memref<100000x8xf32, #tpu.memory_space<hbm>>) dst(%dma_wait3A_464 : memref<800x8xf32, #tpu.memory_space<vmem>>)
      %dma_wait3A_471 = arith.constant 0 : i32
      %dma_wait3A_472 = arith.constant 0 : i32
      %dma_wait3A_473 = arith.constant 0 : i32
      %dma_wait3A_474 = arith.constant 0 : i32
      %dma_wait3A_475 = tpu.memref_slice %arg15[%dma_wait3A_472, %dma_wait3A_473, %dma_wait3A_474] : memref<2x800x8xf32, #tpu.memory_space<vmem>> -> memref<1x800x8xf32, #tpu.memory_space<vmem>>
      %dma_wait3A_476 = tpu.memref_squeeze %dma_wait3A_475 : memref<1x800x8xf32, #tpu.memory_space<vmem>> -> memref<800x8xf32, #tpu.memory_space<vmem>>
      %dma_wait3A_477 = arith.constant 0 : i32
      %dma_wait3A_478 = tpu.memref_slice %arg12[%dma_wait3A_471, %dma_wait3A_477] : memref<2x800xi32, #tpu.memory_space<vmem>> -> memref<1x800xi32, #tpu.memory_space<vmem>>
      %dma_wait3A_479 = tpu.memref_squeeze %dma_wait3A_478 : memref<1x800xi32, #tpu.memory_space<vmem>> -> memref<800xi32, #tpu.memory_space<vmem>>
      %dma_wait3A_480 = arith.constant 0 : i32
      %dma_wait3A_481 = arith.constant 0 : i32
      %dma_wait3A_482 = tpu.memref_slice %arg3[%dma_wait3A_480, %dma_wait3A_481] : memref<100000x8xf32, #tpu.memory_space<hbm>> -> memref<100000x8xf32, #tpu.memory_space<hbm>>
      tpu.wait_indirect_dma semaphore(%arg23 : memref<!tpu.dma_semaphore, #tpu.memory_space<semaphore_mem>>) src(%dma_wait3A_482 : memref<100000x8xf32, #tpu.memory_space<hbm>>) dst(%dma_wait3A_476 : memref<800x8xf32, #tpu.memory_space<vmem>>)
      %scan3A_483 = arith.constant 0 : i32
      %scan3A_484 = arith.constant 0 : i32
      %scan3A_485 = arith.constant 50 : i32
      %scan3A_486 = arith.addi %scan3A_484, %scan3A_485 : i32
      %scan3A_487 = arith.constant 1 : i32
      scf.for %scan3A_497 = %scan3A_484 to %scan3A_486 step %scan3A_487  : i32 {
        %mul3A_498 = arith.constant 16 : i32
        %mul3A_499 = arith.muli %scan3A_497, %mul3A_498 : i32
        %iota3A = tpu.iota {dimensions = array<i32: 0>} : vector<16xi32>
        %add3A_500 = vector.broadcast %mul3A_499 : i32 to vector<16xi32>
        %add3A_501 = arith.addi %add3A_500, %iota3A : vector<16xi32>
        %mul3A_502 = arith.constant 16 : i32
        %mul3A_503 = arith.muli %scan3A_497, %mul3A_502 : i32
        %get3A = arith.constant 0 : i32
        %get3A_504 = arith.index_cast %get3A : i32 to index
        %get3A_505 = arith.index_cast %mul3A_503 : i32 to index
        %get3A_506 = tpu.vector_load %arg13[%get3A_504, %get3A_505] {strides = array<i32>} : memref<2x800xf32, #tpu.memory_space<vmem>>, vector<16xf32>,
        %neg3A = arith.constant 0.000000e+00 : f32
        %neg3A_507 = vector.broadcast %neg3A : f32 to vector<16xf32>
        %neg3A_508 = arith.subf %neg3A_507, %get3A_506 : vector<16xf32>
        %exp3A = math.exp %neg3A_508 : vector<16xf32>
        %broadcast_in_dim3A = arith.constant 0.000000e+00 : f32
        %broadcast_in_dim3A_509 = vector.broadcast %broadcast_in_dim3A : f32 to vector<16xf32>
        %broadcast_in_dim3A_510 = arith.constant 0 : i32
        %broadcast_in_dim3A_511 = vector.broadcast %broadcast_in_dim3A_510 : i32 to vector<16xi32>
        %gather3A = arith.constant 0 : i32
        %gather3A_512 = arith.constant 0 : i32
        %gather3A_513 = arith.constant 0 : i32
        %gather3A_514 = tpu.memref_slice %arg14[%gather3A, %gather3A_512, %gather3A_513] : memref<2x800x8xf32, #tpu.memory_space<vmem>> -> memref<1x800x8xf32, #tpu.memory_space<vmem>>
        %gather3A_515 = tpu.memref_squeeze %gather3A_514 : memref<1x800x8xf32, #tpu.memory_space<vmem>> -> memref<800x8xf32, #tpu.memory_space<vmem>>
        %gather3A_516 = tpu.vector_load_idx %gather3A_515[%add3A_501, %broadcast_in_dim3A_511] : memref<800x8xf32, #tpu.memory_space<vmem>>[vector<16xi32>, vector<16xi32>], vector<16xf32>,
        %gather3A_517 = arith.constant 0 : i32
        %gather3A_518 = arith.constant 0 : i32
        %gather3A_519 = arith.constant 0 : i32
        %gather3A_520 = tpu.memref_slice %arg15[%gather3A_517, %gather3A_518, %gather3A_519] : memref<2x800x8xf32, #tpu.memory_space<vmem>> -> memref<1x800x8xf32, #tpu.memory_space<vmem>>
        %gather3A_521 = tpu.memref_squeeze %gather3A_520 : memref<1x800x8xf32, #tpu.memory_space<vmem>> -> memref<800x8xf32, #tpu.memory_space<vmem>>
        %gather3A_522 = tpu.vector_load_idx %gather3A_521[%add3A_501, %broadcast_in_dim3A_511] : memref<800x8xf32, #tpu.memory_space<vmem>>[vector<16xi32>, vector<16xi32>], vector<16xf32>,
        %get3A_523 = arith.constant 0 : i32
        %get3A_524 = arith.index_cast %get3A_523 : i32 to index
        %get3A_525 = arith.constant 0 : index
        %get3A_526 = tpu.vector_load %arg19[%get3A_524, %get3A_525] {strides = array<i32>} : memref<8x16xf32, #tpu.memory_space<vmem>>, vector<16xf32>,
        %add3A_527 = arith.addf %gather3A_516, %exp3A : vector<16xf32>
        %add3A_528 = arith.addf %add3A_527, %gather3A_522 : vector<16xf32>
        %div3A = arith.divf %get3A_526, %add3A_528 : vector<16xf32>
        %neg3A_529 = arith.constant 0.000000e+00 : f32
        %neg3A_530 = vector.broadcast %neg3A_529 : f32 to vector<16xf32>
        %neg3A_531 = arith.subf %neg3A_530, %gather3A_516 : vector<16xf32>
        %mul3A_532 = arith.mulf %neg3A_531, %div3A : vector<16xf32>
        tpu.vector_store_idx %arg16[%add3A_501, %broadcast_in_dim3A_511], %mul3A_532 : memref<800x8xf32, #tpu.memory_space<vmem>>[vector<16xi32>, vector<16xi32>], vector<16xf32>,
        %mul3A_533 = arith.mulf %gather3A_522, %div3A : vector<16xf32>
        tpu.vector_store_idx %arg17[%add3A_501, %broadcast_in_dim3A_511], %mul3A_533 : memref<800x8xf32, #tpu.memory_space<vmem>>[vector<16xi32>, vector<16xi32>], vector<16xf32>,
        %add3A_534 = arith.addf %broadcast_in_dim3A_509, %div3A : vector<16xf32>
        %broadcast_in_dim3A_535 = arith.constant 1 : i32
        %broadcast_in_dim3A_536 = vector.broadcast %broadcast_in_dim3A_535 : i32 to vector<16xi32>
        %gather3A_537 = arith.constant 0 : i32
        %gather3A_538 = arith.constant 0 : i32
        %gather3A_539 = arith.constant 0 : i32
        %gather3A_540 = tpu.memref_slice %arg14[%gather3A_537, %gather3A_538, %gather3A_539] : memref<2x800x8xf32, #tpu.memory_space<vmem>> -> memref<1x800x8xf32, #tpu.memory_space<vmem>>
        %gather3A_541 = tpu.memref_squeeze %gather3A_540 : memref<1x800x8xf32, #tpu.memory_space<vmem>> -> memref<800x8xf32, #tpu.memory_space<vmem>>
        %gather3A_542 = tpu.vector_load_idx %gather3A_541[%add3A_501, %broadcast_in_dim3A_536] : memref<800x8xf32, #tpu.memory_space<vmem>>[vector<16xi32>, vector<16xi32>], vector<16xf32>,
        %gather3A_543 = arith.constant 0 : i32
        %gather3A_544 = arith.constant 0 : i32
        %gather3A_545 = arith.constant 0 : i32
        %gather3A_546 = tpu.memref_slice %arg15[%gather3A_543, %gather3A_544, %gather3A_545] : memref<2x800x8xf32, #tpu.memory_space<vmem>> -> memref<1x800x8xf32, #tpu.memory_space<vmem>>
        %gather3A_547 = tpu.memref_squeeze %gather3A_546 : memref<1x800x8xf32, #tpu.memory_space<vmem>> -> memref<800x8xf32, #tpu.memory_space<vmem>>
        %gather3A_548 = tpu.vector_load_idx %gather3A_547[%add3A_501, %broadcast_in_dim3A_536] : memref<800x8xf32, #tpu.memory_space<vmem>>[vector<16xi32>, vector<16xi32>], vector<16xf32>,
        %get3A_549 = arith.constant 1 : i32
        %get3A_550 = arith.index_cast %get3A_549 : i32 to index
        %get3A_551 = arith.constant 0 : index
        %get3A_552 = tpu.vector_load %arg19[%get3A_550, %get3A_551] {strides = array<i32>} : memref<8x16xf32, #tpu.memory_space<vmem>>, vector<16xf32>,
        %add3A_553 = arith.addf %gather3A_542, %exp3A : vector<16xf32>
        %add3A_554 = arith.addf %add3A_553, %gather3A_548 : vector<16xf32>
        %div3A_555 = arith.divf %get3A_552, %add3A_554 : vector<16xf32>
        %neg3A_556 = arith.constant 0.000000e+00 : f32
        %neg3A_557 = vector.broadcast %neg3A_556 : f32 to vector<16xf32>
        %neg3A_558 = arith.subf %neg3A_557, %gather3A_542 : vector<16xf32>
        %mul3A_559 = arith.mulf %neg3A_558, %div3A_555 : vector<16xf32>
        tpu.vector_store_idx %arg16[%add3A_501, %broadcast_in_dim3A_536], %mul3A_559 : memref<800x8xf32, #tpu.memory_space<vmem>>[vector<16xi32>, vector<16xi32>], vector<16xf32>,
        %mul3A_560 = arith.mulf %gather3A_548, %div3A_555 : vector<16xf32>
        tpu.vector_store_idx %arg17[%add3A_501, %broadcast_in_dim3A_536], %mul3A_560 : memref<800x8xf32, #tpu.memory_space<vmem>>[vector<16xi32>, vector<16xi32>], vector<16xf32>,
        %add3A_561 = arith.addf %add3A_534, %div3A_555 : vector<16xf32>
        %broadcast_in_dim3A_562 = arith.constant 2 : i32
        %broadcast_in_dim3A_563 = vector.broadcast %broadcast_in_dim3A_562 : i32 to vector<16xi32>
        %gather3A_564 = arith.constant 0 : i32
        %gather3A_565 = arith.constant 0 : i32
        %gather3A_566 = arith.constant 0 : i32
        %gather3A_567 = tpu.memref_slice %arg14[%gather3A_564, %gather3A_565, %gather3A_566] : memref<2x800x8xf32, #tpu.memory_space<vmem>> -> memref<1x800x8xf32, #tpu.memory_space<vmem>>
        %gather3A_568 = tpu.memref_squeeze %gather3A_567 : memref<1x800x8xf32, #tpu.memory_space<vmem>> -> memref<800x8xf32, #tpu.memory_space<vmem>>
        %gather3A_569 = tpu.vector_load_idx %gather3A_568[%add3A_501, %broadcast_in_dim3A_563] : memref<800x8xf32, #tpu.memory_space<vmem>>[vector<16xi32>, vector<16xi32>], vector<16xf32>,
        %gather3A_570 = arith.constant 0 : i32
        %gather3A_571 = arith.constant 0 : i32
        %gather3A_572 = arith.constant 0 : i32
        %gather3A_573 = tpu.memref_slice %arg15[%gather3A_570, %gather3A_571, %gather3A_572] : memref<2x800x8xf32, #tpu.memory_space<vmem>> -> memref<1x800x8xf32, #tpu.memory_space<vmem>>
        %gather3A_574 = tpu.memref_squeeze %gather3A_573 : memref<1x800x8xf32, #tpu.memory_space<vmem>> -> memref<800x8xf32, #tpu.memory_space<vmem>>
        %gather3A_575 = tpu.vector_load_idx %gather3A_574[%add3A_501, %broadcast_in_dim3A_563] : memref<800x8xf32, #tpu.memory_space<vmem>>[vector<16xi32>, vector<16xi32>], vector<16xf32>,
        %get3A_576 = arith.constant 2 : i32
        %get3A_577 = arith.index_cast %get3A_576 : i32 to index
        %get3A_578 = arith.constant 0 : index
        %get3A_579 = tpu.vector_load %arg19[%get3A_577, %get3A_578] {strides = array<i32>} : memref<8x16xf32, #tpu.memory_space<vmem>>, vector<16xf32>,
        %add3A_580 = arith.addf %gather3A_569, %exp3A : vector<16xf32>
        %add3A_581 = arith.addf %add3A_580, %gather3A_575 : vector<16xf32>
        %div3A_582 = arith.divf %get3A_579, %add3A_581 : vector<16xf32>
        %neg3A_583 = arith.constant 0.000000e+00 : f32
        %neg3A_584 = vector.broadcast %neg3A_583 : f32 to vector<16xf32>
        %neg3A_585 = arith.subf %neg3A_584, %gather3A_569 : vector<16xf32>
        %mul3A_586 = arith.mulf %neg3A_585, %div3A_582 : vector<16xf32>
        tpu.vector_store_idx %arg16[%add3A_501, %broadcast_in_dim3A_563], %mul3A_586 : memref<800x8xf32, #tpu.memory_space<vmem>>[vector<16xi32>, vector<16xi32>], vector<16xf32>,
        %mul3A_587 = arith.mulf %gather3A_575, %div3A_582 : vector<16xf32>
        tpu.vector_store_idx %arg17[%add3A_501, %broadcast_in_dim3A_563], %mul3A_587 : memref<800x8xf32, #tpu.memory_space<vmem>>[vector<16xi32>, vector<16xi32>], vector<16xf32>,
        %add3A_588 = arith.addf %add3A_561, %div3A_582 : vector<16xf32>
        %broadcast_in_dim3A_589 = arith.constant 3 : i32
        %broadcast_in_dim3A_590 = vector.broadcast %broadcast_in_dim3A_589 : i32 to vector<16xi32>
        %gather3A_591 = arith.constant 0 : i32
        %gather3A_592 = arith.constant 0 : i32
        %gather3A_593 = arith.constant 0 : i32
        %gather3A_594 = tpu.memref_slice %arg14[%gather3A_591, %gather3A_592, %gather3A_593] : memref<2x800x8xf32, #tpu.memory_space<vmem>> -> memref<1x800x8xf32, #tpu.memory_space<vmem>>
        %gather3A_595 = tpu.memref_squeeze %gather3A_594 : memref<1x800x8xf32, #tpu.memory_space<vmem>> -> memref<800x8xf32, #tpu.memory_space<vmem>>
        %gather3A_596 = tpu.vector_load_idx %gather3A_595[%add3A_501, %broadcast_in_dim3A_590] : memref<800x8xf32, #tpu.memory_space<vmem>>[vector<16xi32>, vector<16xi32>], vector<16xf32>,
        %gather3A_597 = arith.constant 0 : i32
        %gather3A_598 = arith.constant 0 : i32
        %gather3A_599 = arith.constant 0 : i32
        %gather3A_600 = tpu.memref_slice %arg15[%gather3A_597, %gather3A_598, %gather3A_599] : memref<2x800x8xf32, #tpu.memory_space<vmem>> -> memref<1x800x8xf32, #tpu.memory_space<vmem>>
        %gather3A_601 = tpu.memref_squeeze %gather3A_600 : memref<1x800x8xf32, #tpu.memory_space<vmem>> -> memref<800x8xf32, #tpu.memory_space<vmem>>
        %gather3A_602 = tpu.vector_load_idx %gather3A_601[%add3A_501, %broadcast_in_dim3A_590] : memref<800x8xf32, #tpu.memory_space<vmem>>[vector<16xi32>, vector<16xi32>], vector<16xf32>,
        %get3A_603 = arith.constant 3 : i32
        %get3A_604 = arith.index_cast %get3A_603 : i32 to index
        %get3A_605 = arith.constant 0 : index
        %get3A_606 = tpu.vector_load %arg19[%get3A_604, %get3A_605] {strides = array<i32>} : memref<8x16xf32, #tpu.memory_space<vmem>>, vector<16xf32>,
        %add3A_607 = arith.addf %gather3A_596, %exp3A : vector<16xf32>
        %add3A_608 = arith.addf %add3A_607, %gather3A_602 : vector<16xf32>
        %div3A_609 = arith.divf %get3A_606, %add3A_608 : vector<16xf32>
        %neg3A_610 = arith.constant 0.000000e+00 : f32
        %neg3A_611 = vector.broadcast %neg3A_610 : f32 to vector<16xf32>
        %neg3A_612 = arith.subf %neg3A_611, %gather3A_596 : vector<16xf32>
        %mul3A_613 = arith.mulf %neg3A_612, %div3A_609 : vector<16xf32>
        tpu.vector_store_idx %arg16[%add3A_501, %broadcast_in_dim3A_590], %mul3A_613 : memref<800x8xf32, #tpu.memory_space<vmem>>[vector<16xi32>, vector<16xi32>], vector<16xf32>,
        %mul3A_614 = arith.mulf %gather3A_602, %div3A_609 : vector<16xf32>
        tpu.vector_store_idx %arg17[%add3A_501, %broadcast_in_dim3A_590], %mul3A_614 : memref<800x8xf32, #tpu.memory_space<vmem>>[vector<16xi32>, vector<16xi32>], vector<16xf32>,
        %add3A_615 = arith.addf %add3A_588, %div3A_609 : vector<16xf32>
        %broadcast_in_dim3A_616 = arith.constant 4 : i32
        %broadcast_in_dim3A_617 = vector.broadcast %broadcast_in_dim3A_616 : i32 to vector<16xi32>
        %gather3A_618 = arith.constant 0 : i32
        %gather3A_619 = arith.constant 0 : i32
        %gather3A_620 = arith.constant 0 : i32
        %gather3A_621 = tpu.memref_slice %arg14[%gather3A_618, %gather3A_619, %gather3A_620] : memref<2x800x8xf32, #tpu.memory_space<vmem>> -> memref<1x800x8xf32, #tpu.memory_space<vmem>>
        %gather3A_622 = tpu.memref_squeeze %gather3A_621 : memref<1x800x8xf32, #tpu.memory_space<vmem>> -> memref<800x8xf32, #tpu.memory_space<vmem>>
        %gather3A_623 = tpu.vector_load_idx %gather3A_622[%add3A_501, %broadcast_in_dim3A_617] : memref<800x8xf32, #tpu.memory_space<vmem>>[vector<16xi32>, vector<16xi32>], vector<16xf32>,
        %gather3A_624 = arith.constant 0 : i32
        %gather3A_625 = arith.constant 0 : i32
        %gather3A_626 = arith.constant 0 : i32
        %gather3A_627 = tpu.memref_slice %arg15[%gather3A_624, %gather3A_625, %gather3A_626] : memref<2x800x8xf32, #tpu.memory_space<vmem>> -> memref<1x800x8xf32, #tpu.memory_space<vmem>>
        %gather3A_628 = tpu.memref_squeeze %gather3A_627 : memref<1x800x8xf32, #tpu.memory_space<vmem>> -> memref<800x8xf32, #tpu.memory_space<vmem>>
        %gather3A_629 = tpu.vector_load_idx %gather3A_628[%add3A_501, %broadcast_in_dim3A_617] : memref<800x8xf32, #tpu.memory_space<vmem>>[vector<16xi32>, vector<16xi32>], vector<16xf32>,
        %get3A_630 = arith.constant 4 : i32
        %get3A_631 = arith.index_cast %get3A_630 : i32 to index
        %get3A_632 = arith.constant 0 : index
        %get3A_633 = tpu.vector_load %arg19[%get3A_631, %get3A_632] {strides = array<i32>} : memref<8x16xf32, #tpu.memory_space<vmem>>, vector<16xf32>,
        %add3A_634 = arith.addf %gather3A_623, %exp3A : vector<16xf32>
        %add3A_635 = arith.addf %add3A_634, %gather3A_629 : vector<16xf32>
        %div3A_636 = arith.divf %get3A_633, %add3A_635 : vector<16xf32>
        %neg3A_637 = arith.constant 0.000000e+00 : f32
        %neg3A_638 = vector.broadcast %neg3A_637 : f32 to vector<16xf32>
        %neg3A_639 = arith.subf %neg3A_638, %gather3A_623 : vector<16xf32>
        %mul3A_640 = arith.mulf %neg3A_639, %div3A_636 : vector<16xf32>
        tpu.vector_store_idx %arg16[%add3A_501, %broadcast_in_dim3A_617], %mul3A_640 : memref<800x8xf32, #tpu.memory_space<vmem>>[vector<16xi32>, vector<16xi32>], vector<16xf32>,
        %mul3A_641 = arith.mulf %gather3A_629, %div3A_636 : vector<16xf32>
        tpu.vector_store_idx %arg17[%add3A_501, %broadcast_in_dim3A_617], %mul3A_641 : memref<800x8xf32, #tpu.memory_space<vmem>>[vector<16xi32>, vector<16xi32>], vector<16xf32>,
        %add3A_642 = arith.addf %add3A_615, %div3A_636 : vector<16xf32>
        %broadcast_in_dim3A_643 = arith.constant 5 : i32
        %broadcast_in_dim3A_644 = vector.broadcast %broadcast_in_dim3A_643 : i32 to vector<16xi32>
        %gather3A_645 = arith.constant 0 : i32
        %gather3A_646 = arith.constant 0 : i32
        %gather3A_647 = arith.constant 0 : i32
        %gather3A_648 = tpu.memref_slice %arg14[%gather3A_645, %gather3A_646, %gather3A_647] : memref<2x800x8xf32, #tpu.memory_space<vmem>> -> memref<1x800x8xf32, #tpu.memory_space<vmem>>
        %gather3A_649 = tpu.memref_squeeze %gather3A_648 : memref<1x800x8xf32, #tpu.memory_space<vmem>> -> memref<800x8xf32, #tpu.memory_space<vmem>>
        %gather3A_650 = tpu.vector_load_idx %gather3A_649[%add3A_501, %broadcast_in_dim3A_644] : memref<800x8xf32, #tpu.memory_space<vmem>>[vector<16xi32>, vector<16xi32>], vector<16xf32>,
        %gather3A_651 = arith.constant 0 : i32
        %gather3A_652 = arith.constant 0 : i32
        %gather3A_653 = arith.constant 0 : i32
        %gather3A_654 = tpu.memref_slice %arg15[%gather3A_651, %gather3A_652, %gather3A_653] : memref<2x800x8xf32, #tpu.memory_space<vmem>> -> memref<1x800x8xf32, #tpu.memory_space<vmem>>
        %gather3A_655 = tpu.memref_squeeze %gather3A_654 : memref<1x800x8xf32, #tpu.memory_space<vmem>> -> memref<800x8xf32, #tpu.memory_space<vmem>>
        %gather3A_656 = tpu.vector_load_idx %gather3A_655[%add3A_501, %broadcast_in_dim3A_644] : memref<800x8xf32, #tpu.memory_space<vmem>>[vector<16xi32>, vector<16xi32>], vector<16xf32>,
        %get3A_657 = arith.constant 5 : i32
        %get3A_658 = arith.index_cast %get3A_657 : i32 to index
        %get3A_659 = arith.constant 0 : index
        %get3A_660 = tpu.vector_load %arg19[%get3A_658, %get3A_659] {strides = array<i32>} : memref<8x16xf32, #tpu.memory_space<vmem>>, vector<16xf32>,
        %add3A_661 = arith.addf %gather3A_650, %exp3A : vector<16xf32>
        %add3A_662 = arith.addf %add3A_661, %gather3A_656 : vector<16xf32>
        %div3A_663 = arith.divf %get3A_660, %add3A_662 : vector<16xf32>
        %neg3A_664 = arith.constant 0.000000e+00 : f32
        %neg3A_665 = vector.broadcast %neg3A_664 : f32 to vector<16xf32>
        %neg3A_666 = arith.subf %neg3A_665, %gather3A_650 : vector<16xf32>
        %mul3A_667 = arith.mulf %neg3A_666, %div3A_663 : vector<16xf32>
        tpu.vector_store_idx %arg16[%add3A_501, %broadcast_in_dim3A_644], %mul3A_667 : memref<800x8xf32, #tpu.memory_space<vmem>>[vector<16xi32>, vector<16xi32>], vector<16xf32>,
        %mul3A_668 = arith.mulf %gather3A_656, %div3A_663 : vector<16xf32>
        tpu.vector_store_idx %arg17[%add3A_501, %broadcast_in_dim3A_644], %mul3A_668 : memref<800x8xf32, #tpu.memory_space<vmem>>[vector<16xi32>, vector<16xi32>], vector<16xf32>,
        %add3A_669 = arith.addf %add3A_642, %div3A_663 : vector<16xf32>
        %mul3A_670 = arith.mulf %exp3A, %add3A_669 : vector<16xf32>
        %sub3A = arith.subf %get3A_506, %mul3A_670 : vector<16xf32>
        %mul3A_671 = arith.constant 16 : i32
        %mul3A_672 = arith.muli %scan3A_497, %mul3A_671 : i32
        %swap3A = arith.index_cast %mul3A_672 : i32 to index
        %swap3A_673 = tpu.vector_load %arg18[%swap3A] {strides = array<i32>} : memref<800xf32, #tpu.memory_space<vmem>>, vector<16xf32>,
        tpu.vector_store %arg18[%swap3A], %sub3A {strides = array<i32>} : memref<800xf32, #tpu.memory_space<vmem>>, vector<16xf32>,
      }
      %scan3A_488 = arith.constant 50 : i32
      %mul3A_489 = arith.constant 100000 : i32
      %mul3A_490 = arith.muli %add3A, %mul3A_489 : i32
      %mul3A_491 = arith.constant 800 : i32
      %mul3A_492 = arith.muli %add3A_370, %mul3A_491 : i32
      %add3A_493 = arith.addi %mul3A_490, %mul3A_492 : i32
      %multiple_of3A_494 = tpu.assume_multiple %add3A_493, 8 : i32
      %run_scoped3A_495 = arith.constant 0 : i32
      "tpu.region"() ({
        %run_scoped3A_497 = tpu.sem_alloc : memref<!tpu.dma_semaphore, #tpu.memory_space<semaphore_mem>>
        %dma_start3A_498 = arith.constant 0 : i32
        %dma_start3A_499 = tpu.memref_slice %arg11[%run_scoped3A_495, %dma_start3A_498] : memref<2x800xi32, #tpu.memory_space<vmem>> -> memref<1x800xi32, #tpu.memory_space<vmem>>
        %dma_start3A_500 = tpu.memref_squeeze %dma_start3A_499 : memref<1x800xi32, #tpu.memory_space<vmem>> -> memref<800xi32, #tpu.memory_space<vmem>>
        %dma_start3A_501 = arith.constant 0 : i32
        %dma_start3A_502 = arith.constant 0 : i32
        %dma_start3A_503 = tpu.memref_slice %arg20[%dma_start3A_501, %dma_start3A_502] : memref<100096x8xf32, #tpu.memory_space<vmem_shared>> -> memref<100096x8xf32, #tpu.memory_space<vmem_shared>>
        tpu.enqueue_indirect_dma source(%arg16 : memref<800x8xf32, #tpu.memory_space<vmem>>) target(%dma_start3A_503 : memref<100096x8xf32, #tpu.memory_space<vmem_shared>>) offsets(%dma_start3A_500 : memref<800xi32, #tpu.memory_space<vmem>>) semaphore(%run_scoped3A_497 : memref<!tpu.dma_semaphore, #tpu.memory_space<semaphore_mem>>) {add = true}
        %dma_wait3A_504 = arith.constant 0 : i32
        %dma_wait3A_505 = tpu.memref_slice %arg11[%run_scoped3A_495, %dma_wait3A_504] : memref<2x800xi32, #tpu.memory_space<vmem>> -> memref<1x800xi32, #tpu.memory_space<vmem>>
        %dma_wait3A_506 = tpu.memref_squeeze %dma_wait3A_505 : memref<1x800xi32, #tpu.memory_space<vmem>> -> memref<800xi32, #tpu.memory_space<vmem>>
        %dma_wait3A_507 = arith.constant 0 : i32
        %dma_wait3A_508 = arith.constant 0 : i32
        %dma_wait3A_509 = tpu.memref_slice %arg20[%dma_wait3A_507, %dma_wait3A_508] : memref<100096x8xf32, #tpu.memory_space<vmem_shared>> -> memref<100096x8xf32, #tpu.memory_space<vmem_shared>>
        tpu.wait_indirect_dma semaphore(%run_scoped3A_497 : memref<!tpu.dma_semaphore, #tpu.memory_space<semaphore_mem>>) src(%arg16 : memref<800x8xf32, #tpu.memory_space<vmem>>) dst(%dma_wait3A_509 : memref<100096x8xf32, #tpu.memory_space<vmem_shared>>)
        tpu.yield
      }) : () -> ()
      %run_scoped3A_496 = arith.constant 0 : i32
      "tpu.region"() ({
        %run_scoped3A_497 = tpu.sem_alloc : memref<!tpu.dma_semaphore, #tpu.memory_space<semaphore_mem>>
        %dma_start3A_498 = arith.constant 0 : i32
        %dma_start3A_499 = tpu.memref_slice %arg12[%run_scoped3A_496, %dma_start3A_498] : memref<2x800xi32, #tpu.memory_space<vmem>> -> memref<1x800xi32, #tpu.memory_space<vmem>>
        %dma_start3A_500 = tpu.memref_squeeze %dma_start3A_499 : memref<1x800xi32, #tpu.memory_space<vmem>> -> memref<800xi32, #tpu.memory_space<vmem>>
        %dma_start3A_501 = arith.constant 0 : i32
        %dma_start3A_502 = arith.constant 0 : i32
        %dma_start3A_503 = tpu.memref_slice %arg20[%dma_start3A_501, %dma_start3A_502] : memref<100096x8xf32, #tpu.memory_space<vmem_shared>> -> memref<100096x8xf32, #tpu.memory_space<vmem_shared>>
        tpu.enqueue_indirect_dma source(%arg17 : memref<800x8xf32, #tpu.memory_space<vmem>>) target(%dma_start3A_503 : memref<100096x8xf32, #tpu.memory_space<vmem_shared>>) offsets(%dma_start3A_500 : memref<800xi32, #tpu.memory_space<vmem>>) semaphore(%run_scoped3A_497 : memref<!tpu.dma_semaphore, #tpu.memory_space<semaphore_mem>>) {add = true}
        %dma_wait3A_504 = arith.constant 0 : i32
        %dma_wait3A_505 = tpu.memref_slice %arg12[%run_scoped3A_496, %dma_wait3A_504] : memref<2x800xi32, #tpu.memory_space<vmem>> -> memref<1x800xi32, #tpu.memory_space<vmem>>
        %dma_wait3A_506 = tpu.memref_squeeze %dma_wait3A_505 : memref<1x800xi32, #tpu.memory_space<vmem>> -> memref<800xi32, #tpu.memory_space<vmem>>
        %dma_wait3A_507 = arith.constant 0 : i32
        %dma_wait3A_508 = arith.constant 0 : i32
        %dma_wait3A_509 = tpu.memref_slice %arg20[%dma_wait3A_507, %dma_wait3A_508] : memref<100096x8xf32, #tpu.memory_space<vmem_shared>> -> memref<100096x8xf32, #tpu.memory_space<vmem_shared>>
        tpu.wait_indirect_dma semaphore(%run_scoped3A_497 : memref<!tpu.dma_semaphore, #tpu.memory_space<semaphore_mem>>) src(%arg17 : memref<800x8xf32, #tpu.memory_space<vmem>>) dst(%dma_wait3A_509 : memref<100096x8xf32, #tpu.memory_space<vmem_shared>>)
        tpu.yield
      }) : () -> ()
      "tpu.region"() ({
        %run_scoped3A_497 = tpu.sem_alloc : memref<!tpu.dma_semaphore, #tpu.memory_space<semaphore_mem>>
        %dma_start3A_498 = tpu.memref_slice %arg9[%multiple_of3A_494] : memref<3200000xf32, #tpu.memory_space<hbm>> -> memref<800xf32, #tpu.memory_space<hbm>>
        %dma_start3A_499 = tpu.memref_slice %arg9[%multiple_of3A_494] : memref<3200000xf32, #tpu.memory_space<hbm>> -> memref<800xf32, #tpu.memory_space<hbm>>
        tpu.enqueue_dma source(%arg18 : memref<800xf32, #tpu.memory_space<vmem>>) target(%dma_start3A_499 : memref<800xf32, #tpu.memory_space<hbm>>) target_semaphore(%run_scoped3A_497 : memref<!tpu.dma_semaphore, #tpu.memory_space<semaphore_mem>>)
        %dma_wait3A_500 = tpu.memref_slice %arg9[%multiple_of3A_494] : memref<3200000xf32, #tpu.memory_space<hbm>> -> memref<800xf32, #tpu.memory_space<hbm>>
        %dma_wait3A_501 = tpu.memref_slice %arg9[%multiple_of3A_494] : memref<3200000xf32, #tpu.memory_space<hbm>> -> memref<800xf32, #tpu.memory_space<hbm>>
        tpu.wait_dma2 semaphore(%run_scoped3A_497 : memref<!tpu.dma_semaphore, #tpu.memory_space<semaphore_mem>>) src(%arg18 : memref<800xf32, #tpu.memory_space<vmem>>) dst(%dma_wait3A_501 : memref<800xf32, #tpu.memory_space<hbm>>)
        tpu.yield
      }) : () -> ()
    }
    %scan3A_210 = arith.constant 62 : i32
    %dma_wait3A_211 = arith.constant 1 : i32
    %dma_wait3A_212 = arith.constant 1 : i32
    %dma_wait3A_213 = arith.constant 0 : i32
    %dma_wait3A_214 = arith.constant 0 : i32
    %dma_wait3A_215 = tpu.memref_slice %arg14[%dma_wait3A_212, %dma_wait3A_213, %dma_wait3A_214] : memref<2x800x8xf32, #tpu.memory_space<vmem>> -> memref<1x800x8xf32, #tpu.memory_space<vmem>>
    %dma_wait3A_216 = tpu.memref_squeeze %dma_wait3A_215 : memref<1x800x8xf32, #tpu.memory_space<vmem>> -> memref<800x8xf32, #tpu.memory_space<vmem>>
    %dma_wait3A_217 = arith.constant 0 : i32
    %dma_wait3A_218 = tpu.memref_slice %arg11[%dma_wait3A_211, %dma_wait3A_217] : memref<2x800xi32, #tpu.memory_space<vmem>> -> memref<1x800xi32, #tpu.memory_space<vmem>>
    %dma_wait3A_219 = tpu.memref_squeeze %dma_wait3A_218 : memref<1x800xi32, #tpu.memory_space<vmem>> -> memref<800xi32, #tpu.memory_space<vmem>>
    %dma_wait3A_220 = arith.constant 0 : i32
    %dma_wait3A_221 = arith.constant 0 : i32
    %dma_wait3A_222 = tpu.memref_slice %arg2[%dma_wait3A_220, %dma_wait3A_221] : memref<100000x8xf32, #tpu.memory_space<hbm>> -> memref<100000x8xf32, #tpu.memory_space<hbm>>
    tpu.wait_indirect_dma semaphore(%arg22 : memref<!tpu.dma_semaphore, #tpu.memory_space<semaphore_mem>>) src(%dma_wait3A_222 : memref<100000x8xf32, #tpu.memory_space<hbm>>) dst(%dma_wait3A_216 : memref<800x8xf32, #tpu.memory_space<vmem>>)
    %dma_wait3A_223 = arith.constant 1 : i32
    %dma_wait3A_224 = arith.constant 1 : i32
    %dma_wait3A_225 = arith.constant 0 : i32
    %dma_wait3A_226 = arith.constant 0 : i32
    %dma_wait3A_227 = tpu.memref_slice %arg15[%dma_wait3A_224, %dma_wait3A_225, %dma_wait3A_226] : memref<2x800x8xf32, #tpu.memory_space<vmem>> -> memref<1x800x8xf32, #tpu.memory_space<vmem>>
    %dma_wait3A_228 = tpu.memref_squeeze %dma_wait3A_227 : memref<1x800x8xf32, #tpu.memory_space<vmem>> -> memref<800x8xf32, #tpu.memory_space<vmem>>
    %dma_wait3A_229 = arith.constant 0 : i32
    %dma_wait3A_230 = tpu.memref_slice %arg12[%dma_wait3A_223, %dma_wait3A_229] : memref<2x800xi32, #tpu.memory_space<vmem>> -> memref<1x800xi32, #tpu.memory_space<vmem>>
    %dma_wait3A_231 = tpu.memref_squeeze %dma_wait3A_230 : memref<1x800xi32, #tpu.memory_space<vmem>> -> memref<800xi32, #tpu.memory_space<vmem>>
    %dma_wait3A_232 = arith.constant 0 : i32
    %dma_wait3A_233 = arith.constant 0 : i32
    %dma_wait3A_234 = tpu.memref_slice %arg3[%dma_wait3A_232, %dma_wait3A_233] : memref<100000x8xf32, #tpu.memory_space<hbm>> -> memref<100000x8xf32, #tpu.memory_space<hbm>>
    tpu.wait_indirect_dma semaphore(%arg24 : memref<!tpu.dma_semaphore, #tpu.memory_space<semaphore_mem>>) src(%dma_wait3A_234 : memref<100000x8xf32, #tpu.memory_space<hbm>>) dst(%dma_wait3A_228 : memref<800x8xf32, #tpu.memory_space<vmem>>)
    %barrier3A_235 = arith.constant 0 : index
    tpu.barrier barrier_id(%barrier3A_235)
    "tpu.region"() ({
      %run_scoped3A_236 = tpu.sem_alloc : memref<!tpu.dma_semaphore, #tpu.memory_space<semaphore_mem>>
      %dma_start3A_237 = arith.constant 0 : i32
      %dma_start3A_238 = arith.constant 0 : i32
      %dma_start3A_239 = tpu.memref_slice %arg10[%arg0, %dma_start3A_237, %dma_start3A_238] : memref<2x100096x8xf32, #tpu.memory_space<hbm>> -> memref<1x100096x8xf32, #tpu.memory_space<hbm>>
      %dma_start3A_240 = tpu.memref_squeeze %dma_start3A_239 : memref<1x100096x8xf32, #tpu.memory_space<hbm>> -> memref<100096x8xf32, #tpu.memory_space<hbm>>
      %dma_start3A_241 = arith.constant 0 : i32
      %dma_start3A_242 = tpu.memref_slice %dma_start3A_240[%multiple_of3A, %dma_start3A_241] : memref<100096x8xf32, #tpu.memory_space<hbm>> -> memref<6256x8xf32, #tpu.memory_space<hbm>>
      %dma_start3A_243 = arith.constant 0 : i32
      %dma_start3A_244 = tpu.memref_slice %arg20[%multiple_of3A, %dma_start3A_243] : memref<100096x8xf32, #tpu.memory_space<vmem_shared>> -> memref<6256x8xf32, #tpu.memory_space<vmem_shared>>
      tpu.enqueue_dma source(%dma_start3A_244 : memref<6256x8xf32, #tpu.memory_space<vmem_shared>>) target(%dma_start3A_242 : memref<6256x8xf32, #tpu.memory_space<hbm>>) target_semaphore(%run_scoped3A_236 : memref<!tpu.dma_semaphore, #tpu.memory_space<semaphore_mem>>)
      %dma_wait3A_245 = arith.constant 0 : i32
      %dma_wait3A_246 = arith.constant 0 : i32
      %dma_wait3A_247 = tpu.memref_slice %arg10[%arg0, %dma_wait3A_245, %dma_wait3A_246] : memref<2x100096x8xf32, #tpu.memory_space<hbm>> -> memref<1x100096x8xf32, #tpu.memory_space<hbm>>
      %dma_wait3A_248 = tpu.memref_squeeze %dma_wait3A_247 : memref<1x100096x8xf32, #tpu.memory_space<hbm>> -> memref<100096x8xf32, #tpu.memory_space<hbm>>
      %dma_wait3A_249 = arith.constant 0 : i32
      %dma_wait3A_250 = tpu.memref_slice %dma_wait3A_248[%multiple_of3A, %dma_wait3A_249] : memref<100096x8xf32, #tpu.memory_space<hbm>> -> memref<6256x8xf32, #tpu.memory_space<hbm>>
      %dma_wait3A_251 = arith.constant 0 : i32
      %dma_wait3A_252 = tpu.memref_slice %arg20[%multiple_of3A, %dma_wait3A_251] : memref<100096x8xf32, #tpu.memory_space<vmem_shared>> -> memref<6256x8xf32, #tpu.memory_space<vmem_shared>>
      tpu.wait_dma2 semaphore(%run_scoped3A_236 : memref<!tpu.dma_semaphore, #tpu.memory_space<semaphore_mem>>) src(%dma_wait3A_252 : memref<6256x8xf32, #tpu.memory_space<vmem_shared>>) dst(%dma_wait3A_250 : memref<6256x8xf32, #tpu.memory_space<hbm>>)
      tpu.yield
    }) : () -> ()
    return
  }
}

module attributes {stable_mosaic.version = 14 : i64} {
  func.func @_prep_body(%arg0: i32, %arg1: memref<1xf32, #tpu.memory_space<smem>>, %arg2: memref<4000x8xf32, #tpu.memory_space<vmem>>, %arg3: memref<4000x8xf32, #tpu.memory_space<vmem>>, %arg4: memref<4000x8xf32, #tpu.memory_space<vmem>>, %arg5: memref<4000x8xf32, #tpu.memory_space<vmem>>) attributes {dimension_semantics = [#tpu.dimension_semantics<arbitrary>], iteration_bounds = array<i64: 25>, scalar_prefetch = 0 : i64, scratch_operands = 0 : i64, tpu.core_type = #tpu.core_type<tc>, window_params = [{transform_indices = @transform_0, window_bounds = array<i64: 1>}, {transform_indices = @transform_1, window_bounds = array<i64: 4000, 8>}, {transform_indices = @transform_2, window_bounds = array<i64: 4000, 8>}, {transform_indices = @transform_3, window_bounds = array<i64: 4000, 8>}, {transform_indices = @transform_4, window_bounds = array<i64: 4000, 8>}]} {
    %get3A = arith.constant 0 : index
    %get3A_0 = arith.constant 0 : index
    %get3A_1 = vector.load %arg2[%get3A, %get3A_0] : memref<4000x8xf32, #tpu.memory_space<vmem>>, vector<4000x8xf32>
    %reduce_max3A = arith.constant dense<0xFF800000> : vector<4000xf32>
    %reduce_max3A_2 = vector.multi_reduction <maximumf>, %get3A_1, %reduce_max3A [1] : vector<4000x8xf32> to vector<4000xf32>
    %broadcast_in_dim3A = vector.shape_cast %reduce_max3A_2 : vector<4000xf32> to vector<4000x1xf32>
    %sub3A = vector.broadcast %broadcast_in_dim3A : vector<4000x1xf32> to vector<4000x8xf32>
    %sub3A_3 = arith.subf %get3A_1, %sub3A : vector<4000x8xf32>
    %exp3A = math.exp %sub3A_3 : vector<4000x8xf32>
    %reduce_sum3A = arith.constant dense<0.000000e+00> : vector<4000xf32>
    %reduce_sum3A_4 = vector.multi_reduction <add>, %exp3A, %reduce_sum3A [1] : vector<4000x8xf32> to vector<4000xf32>
    %broadcast_in_dim3A_5 = vector.shape_cast %reduce_sum3A_4 : vector<4000xf32> to vector<4000x1xf32>
    %div3A = vector.broadcast %broadcast_in_dim3A_5 : vector<4000x1xf32> to vector<4000x8xf32>
    %div3A_6 = arith.divf %exp3A, %div3A : vector<4000x8xf32>
    %get3A_7 = arith.constant 0 : index
    %get3A_8 = memref.load %arg1[%get3A_7] : memref<1xf32, #tpu.memory_space<smem>>
    %mul3A = vector.broadcast %get3A_8 : f32 to vector<4000x8xf32>
    %mul3A_9 = arith.mulf %div3A_6, %mul3A : vector<4000x8xf32>
    %add3A = arith.addf %get3A_1, %mul3A_9 : vector<4000x8xf32>
    %swap3A = arith.constant 0 : index
    %swap3A_10 = arith.constant 0 : index
    %swap3A_11 = vector.load %arg3[%swap3A, %swap3A_10] : memref<4000x8xf32, #tpu.memory_space<vmem>>, vector<4000x8xf32>
    tpu.vector_store %arg3[%swap3A, %swap3A_10], %add3A {strides = array<i32>} : memref<4000x8xf32, #tpu.memory_space<vmem>>, vector<4000x8xf32>,
    %iota3A = tpu.iota {dimensions = array<i32: 1>} : vector<4000x8xi32>
    %lt3A = arith.constant 6 : i32
    %lt3A_12 = vector.broadcast %lt3A : i32 to vector<4000x8xi32>
    %lt3A_13 = arith.cmpi slt, %iota3A, %lt3A_12 : vector<4000x8xi32>
    %jit3A = arith.constant 0.000000e+00 : f32
    %broadcast_in_dim3A_14 = vector.broadcast %jit3A : f32 to vector<4000x8xf32>
    %select_n3A = arith.select %lt3A_13, %add3A, %broadcast_in_dim3A_14 : vector<4000x8xi1>, vector<4000x8xf32>
    %neg3A = arith.constant 0.000000e+00 : f32
    %neg3A_15 = vector.broadcast %neg3A : f32 to vector<4000x8xf32>
    %neg3A_16 = arith.subf %neg3A_15, %select_n3A : vector<4000x8xf32>
    %exp3A_17 = math.exp %neg3A_16 : vector<4000x8xf32>
    %jit3A_18 = arith.constant 0.000000e+00 : f32
    %broadcast_in_dim3A_19 = vector.broadcast %jit3A_18 : f32 to vector<4000x8xf32>
    %select_n3A_20 = arith.select %lt3A_13, %exp3A_17, %broadcast_in_dim3A_19 : vector<4000x8xi1>, vector<4000x8xf32>
    %swap3A_21 = arith.constant 0 : index
    %swap3A_22 = arith.constant 0 : index
    %swap3A_23 = vector.load %arg4[%swap3A_21, %swap3A_22] : memref<4000x8xf32, #tpu.memory_space<vmem>>, vector<4000x8xf32>
    tpu.vector_store %arg4[%swap3A_21, %swap3A_22], %select_n3A_20 {strides = array<i32>} : memref<4000x8xf32, #tpu.memory_space<vmem>>, vector<4000x8xf32>,
    %exp3A_24 = math.exp %select_n3A : vector<4000x8xf32>
    %jit3A_25 = arith.constant 0.000000e+00 : f32
    %broadcast_in_dim3A_26 = vector.broadcast %jit3A_25 : f32 to vector<4000x8xf32>
    %select_n3A_27 = arith.select %lt3A_13, %exp3A_24, %broadcast_in_dim3A_26 : vector<4000x8xi1>, vector<4000x8xf32>
    %swap3A_28 = arith.constant 0 : index
    %swap3A_29 = arith.constant 0 : index
    %swap3A_30 = vector.load %arg5[%swap3A_28, %swap3A_29] : memref<4000x8xf32, #tpu.memory_space<vmem>>, vector<4000x8xf32>
    tpu.vector_store %arg5[%swap3A_28, %swap3A_29], %select_n3A_27 {strides = array<i32>} : memref<4000x8xf32, #tpu.memory_space<vmem>>, vector<4000x8xf32>,
    return
  }
  func.func @transform_0(%arg0: i32) -> i32 {
    %c0_i32 = arith.constant 0 : i32
    %c0_i32_0 = arith.constant 0 : i32
    return %c0_i32 : i32
  }
  func.func @transform_1(%arg0: i32) -> (i32, i32) {
    %c0_i32 = arith.constant 0 : i32
    %c0_i32_0 = arith.constant 0 : i32
    return %arg0, %c0_i32 : i32, i32
  }
  func.func @transform_2(%arg0: i32) -> (i32, i32) {
    %c0_i32 = arith.constant 0 : i32
    %c0_i32_0 = arith.constant 0 : i32
    return %arg0, %c0_i32 : i32, i32
  }
  func.func @transform_3(%arg0: i32) -> (i32, i32) {
    %c0_i32 = arith.constant 0 : i32
    %c0_i32_0 = arith.constant 0 : i32
    return %arg0, %c0_i32 : i32, i32
  }
  func.func @transform_4(%arg0: i32) -> (i32, i32) {
    %c0_i32 = arith.constant 0 : i32
    %c0_i32_0 = arith.constant 0 : i32
    return %arg0, %c0_i32 : i32, i32
  }
}

module attributes {stable_mosaic.version = 14 : i64} {
  func.func @_combine_body(%arg0: i32, %arg1: memref<4000x8xf32, #tpu.memory_space<vmem>>, %arg2: memref<4000x8xf32, #tpu.memory_space<vmem>>, %arg3: memref<4000x8xf32, #tpu.memory_space<vmem>>, %arg4: memref<4000x8xf32, #tpu.memory_space<vmem>>) attributes {dimension_semantics = [#tpu.dimension_semantics<arbitrary>], iteration_bounds = array<i64: 25>, scalar_prefetch = 0 : i64, scratch_operands = 0 : i64, tpu.core_type = #tpu.core_type<tc>, window_params = [{transform_indices = @transform_0, window_bounds = array<i64: 4000, 8>}, {transform_indices = @transform_1, window_bounds = array<i64: 4000, 8>}, {transform_indices = @transform_2, window_bounds = array<i64: 4000, 8>}, {transform_indices = @transform_3, window_bounds = array<i64: 4000, 8>}]} {
    %get3A = arith.constant 0 : index
    %get3A_0 = arith.constant 0 : index
    %get3A_1 = vector.load %arg1[%get3A, %get3A_0] : memref<4000x8xf32, #tpu.memory_space<vmem>>, vector<4000x8xf32>
    %get3A_2 = arith.constant 0 : index
    %get3A_3 = arith.constant 0 : index
    %get3A_4 = vector.load %arg2[%get3A_2, %get3A_3] : memref<4000x8xf32, #tpu.memory_space<vmem>>, vector<4000x8xf32>
    %add3A = arith.addf %get3A_1, %get3A_4 : vector<4000x8xf32>
    %get3A_5 = arith.constant 0 : index
    %get3A_6 = arith.constant 0 : index
    %get3A_7 = vector.load %arg3[%get3A_5, %get3A_6] : memref<4000x8xf32, #tpu.memory_space<vmem>>, vector<4000x8xf32>
    %add3A_8 = arith.addf %add3A, %get3A_7 : vector<4000x8xf32>
    %swap3A = arith.constant 0 : index
    %swap3A_9 = arith.constant 0 : index
    %swap3A_10 = vector.load %arg4[%swap3A, %swap3A_9] : memref<4000x8xf32, #tpu.memory_space<vmem>>, vector<4000x8xf32>
    tpu.vector_store %arg4[%swap3A, %swap3A_9], %add3A_8 {strides = array<i32>} : memref<4000x8xf32, #tpu.memory_space<vmem>>, vector<4000x8xf32>,
    return
  }
  func.func @transform_0(%arg0: i32) -> (i32, i32) {
    %c0_i32 = arith.constant 0 : i32
    %c0_i32_0 = arith.constant 0 : i32
    return %arg0, %c0_i32 : i32, i32
  }
  func.func @transform_1(%arg0: i32) -> (i32, i32) {
    %c0_i32 = arith.constant 0 : i32
    %c0_i32_0 = arith.constant 0 : i32
    return %arg0, %c0_i32 : i32, i32
  }
  func.func @transform_2(%arg0: i32) -> (i32, i32) {
    %c0_i32 = arith.constant 0 : i32
    %c0_i32_0 = arith.constant 0 : i32
    return %arg0, %c0_i32 : i32, i32
  }
  func.func @transform_3(%arg0: i32) -> (i32, i32) {
    %c0_i32 = arith.constant 0 : i32
    %c0_i32_0 = arith.constant 0 : i32
    return %arg0, %c0_i32 : i32, i32
  }
}

</mosaic_0001>

<sc_bundles>
// kernel: kernel.5.cloned.1.call-start
scs
__scs_entry_jumppad:
0x0: {  	(pc) =	sbr.rel $0x88, $3  }
0x1: {  	(tag) =	ssettag $0x0;
	lr =	simm.s32 $0x1  }
0x2: {  	[smem:$0x3F9B] =	sst lr;
	_ =	strace $0xD0000000  }
0x3: {  	_ = 	snop  }
0x4: {  	_ = 	snop  }
0x5: {  	_ = 	snop  }
0x6: {  	_ = 	snop  }
0x7: {  	_ = 	snop  }
__scs_overlays_trampoline_lowered:
0x8: {  	[smem:$0x3FAA] =	sst s0  }
0x9: {  	[smem:$0x3FAB] =	sst s1  }
0xa: {  	[smem:$0x3FAC] =	sst s2  }
0xb: {  	[smem:$0x3FAD] =	sst s3  }
0xc: {  	[smem:$0x3FAE] =	sst s4  }
0xd: {  	[smem:$0x3FAF] =	sst s5  }
0xe: {  	[smem:$0x3FB0] =	sst s6  }
0xf: {  	[smem:$0x3FB1] =	sst s7  }
0x10: {  	[smem:$0x3FB2] =	sst s8  }
0x11: {  	[smem:$0x3FB3] =	sst s9;
	s0 =	simm.s32 @!p0 $0x0  }
0x12: {  	s1 =	sld [smem:$0x3F99];
	s0 =	simm.s32 @p0 $0x1  }
0x13: {  	[smem:$0x3FB4] =	sst s0;
	s0 =	simm.s32 @!p1 $0x0  }
0x14: {  	s2 =	sld [smem:$0x3F98];
	s0 =	simm.s32 @p1 $0x1  }
0x15: {  	[smem:$0x3FB5] =	sst s0;
	s0 =	simm.s32 @!p2 $0x0  }
0x16: {  	s3 =	sld [smem:$0x3FDB];
	s0 =	simm.s32 @p2 $0x1  }
0x17: {  	s4 =	simm.s32 $0x1BF5;
	[smem:$0x3FB7] =	sst s0  }
0x18: {  	s0 =	sld [smem:$0x3F9A];
	_ =	swait.ge [sflag:s4], $0x0  }
0x19: {  	s7 =	sld [smem:$0x3F9B]  }
0x1a: {  	s8 =	sadd.s32 $0xFFFFE003, lr  }
0x1b: {  	s9 =	sadd.s32 $0xFFFFFEF7, lr;
	s5 =	simm.s32 $0xFFFFFFFF;
	p2 =	slt.u32 s8, $0xFFFFF086  }
0x1c: {  	p1 =	slt.u32 s9, $0xF7A;
	s5 =	simm.s32 @!p2 $0x0  }
0x1d: {  	s5 =	simm.s32 @p1 $0x1;
	p0 =	seq.s32 s7, s2  }
0x1e: {  	s7 =	smul.u32 @!p0 $0xF7A, s2;
	p2 =	seq.s32 @!p0 s5, $0x0  }
0x1f: {  	s9 =	smul.u32 $0xF7A, s1;
	s8 =	simm.s32 @!p0 $0x1BF5;
	p2 =	por !p2, p0  }
0x20: {  	[sflag:s8] =	ssyncset.s32 @!p0 $0xFFFFF086;
	s6 =	sadd.s32 @!p0 s3, s7;
	s7 =	simm.s32 @!p0 $0x108  }
0x21: {  	s3 =	sadd.s32 s3, s9;
	s6 =	sadd.s32 @!p0 $0x88, s6;
	s7 =	simm.s32 @p2 $0x1082  }
0x22: {  	[simem:s7], [sflag:s8] =	dma.local @!p0 [hbm:s6], $0xF7A  }
0x23: {  	s9 =	sor.u32 $0xD0000000, s2;
	s6 =	simm.s32 $0x108;
	_ =	swait.ge @!p0 [sflag:s8], $0x0  }
0x24: {  	s3 =	sadd.s32 $0x88, s3;
	s6 =	simm.s32 @!p1 $0x1082;
	[sflag:s4] =	ssyncset.s32 $0xFFFFF086  }
0x25: {  	[simem:s6], [sflag:s4] =	dma.local [hbm:s3], $0xF7A  }
0x26: {  	[smem:$0x3F9B] =	sst s1;
	(tag) =	ssettag s2;
	_ =	strace s9  }
0x27: {  	s1 =	sld [smem:$0x3FAB]  }
0x28: {  	s2 =	sld [smem:$0x3FAC]  }
0x29: {  	s4 =	sld [smem:$0x3FAE]  }
0x2a: {  	p0 =	seq.s32 s5, $0x0;
	s5 =	sld [smem:$0x3FAF]  }
0x2b: {  	s6 =	sld [smem:$0x3FB0]  }
0x2c: {  	s7 =	sld [smem:$0x3FB1]  }
0x2d: {  	s3 =	simm.s32 $0x108;
	s8 =	sld [smem:$0x3FB2]  }
0x2e: {  	s3 =	simm.s32 @!p0 $0x1082;
	s9 =	sld [smem:$0x3FB3]  }
0x2f: {  	lr =	sadd.s32 s0, s3;
	s0 =	sld [smem:$0x3FAA]  }
0x30: {  	s3 =	sld [smem:$0x3FAD]  }
0x31: {  	[smem:$0x3FB6] =	sst s10  }
0x32: {  	s10 =	sld [smem:$0x3FB4];
	_ =	sdelay $0x3  }
0x33: {  	p0 =	seq.s32 s10, $0x1;
	s10 =	sld [smem:$0x3FB6];
	_ =	sdelay $0x3  }
0x34: {  	[smem:$0x3FB6] =	sst s10  }
0x35: {  	s10 =	sld [smem:$0x3FB5];
	_ =	sdelay $0x3  }
0x36: {  	p1 =	seq.s32 s10, $0x1;
	s10 =	sld [smem:$0x3FB6];
	_ =	sdelay $0x3  }
0x37: {  	[smem:$0x3FB6] =	sst s10  }
0x38: {  	s10 =	sld [smem:$0x3FB7]  }
0x39: {  	_ = 	snop;
	(pc) =	sbr.ind lr, $3  }
0x3a: {  	_ = 	snop  }
0x3b: {  	_ = 	snop  }
0x3c: {  	p2 =	seq.s32 s10, $0x1;
	s10 =	sld [smem:$0x3FB6]  }
0x3d: {  	_ =	shalt  }
0x3e: {  	_ =	shalt  }
0x3f: {  	_ =	shalt  }
0x40: {  	_ =	shalt  }
0x41: {  	_ =	shalt  }
0x42: {  	_ =	shalt  }
0x43: {  	_ =	shalt  }
0x44: {  	_ =	shalt  }
0x45: {  	_ =	shalt  }
0x46: {  	_ =	shalt  }
0x47: {  	_ =	shalt  }
0x48: {  	_ =	shalt  }
0x49: {  	_ =	shalt  }
0x4a: {  	_ =	shalt  }
0x4b: {  	_ =	shalt  }
0x4c: {  	_ =	shalt  }
0x4d: {  	_ =	shalt  }
0x4e: {  	_ =	shalt  }
0x4f: {  	_ =	shalt  }
0x50: {  	_ =	shalt  }
0x51: {  	_ =	shalt  }
0x52: {  	_ =	shalt  }
0x53: {  	_ =	shalt  }
0x54: {  	_ =	shalt  }
0x55: {  	_ =	shalt  }
0x56: {  	_ =	shalt  }
0x57: {  	_ =	shalt  }
0x58: {  	_ =	shalt  }
0x59: {  	_ =	shalt  }
0x5a: {  	_ =	shalt  }
0x5b: {  	_ =	shalt  }
0x5c: {  	_ =	shalt  }
0x5d: {  	_ =	shalt  }
0x5e: {  	_ =	shalt  }
0x5f: {  	_ =	shalt  }
0x60: {  	_ =	shalt  }
0x61: {  	_ =	shalt  }
0x62: {  	_ =	shalt  }
0x63: {  	_ =	shalt  }
0x64: {  	_ =	shalt  }
0x65: {  	_ =	shalt  }
0x66: {  	_ =	shalt  }
0x67: {  	_ =	shalt  }
0x68: {  	_ =	shalt  }
0x69: {  	_ =	shalt  }
0x6a: {  	_ =	shalt  }
0x6b: {  	_ =	shalt  }
0x6c: {  	_ =	shalt  }
0x6d: {  	_ =	shalt  }
0x6e: {  	_ =	shalt  }
0x6f: {  	_ =	shalt  }
0x70: {  	_ =	shalt  }
0x71: {  	_ =	shalt  }
0x72: {  	_ =	shalt  }
0x73: {  	_ =	shalt  }
0x74: {  	_ =	shalt  }
0x75: {  	_ =	shalt  }
0x76: {  	_ =	shalt  }
0x77: {  	_ =	shalt  }
0x78: {  	_ =	shalt  }
0x79: {  	_ =	shalt  }
0x7a: {  	_ =	shalt  }
0x7b: {  	_ =	shalt  }
0x7c: {  	_ =	shalt  }
0x7d: {  	_ =	shalt  }
0x7e: {  	_ =	shalt  }
0x7f: {  	_ =	shalt  }
0x80: {  	_ =	shalt  }
0x81: {  	_ =	shalt  }
0x82: {  	_ =	shalt  }
0x83: {  	_ =	shalt  }
0x84: {  	_ =	shalt  }
0x85: {  	_ =	shalt  }
0x86: {  	_ =	shalt  }
0x87: {  	_ =	shalt  }
.Lfunc_end0:
.L_simem_size_0:
called_computation_lowered:
.L_overlay_start_0:
0x88: {  	s2 =	sld [smem:$0x3FD9]  }
0x89: {  	s3 =	sld [smem:$0x3FFE];
	_ =	sdelay $0x1  }
0x8a: {  	s1 =	srdreg.scid  }
0x8b: {  	s0 =	sand.u32 $0x1, s1  }
0x8c: {  	s14 =	sshll.u32 s0, $0xA;
	s2 =	sadd.s32 s3, s2  }
0x8d: {  	s2 =	sadd.s32 s2, s14  }
0x8e: {  	[smem:$0x3FC2] =	sst s2  }
0x8f: {  	_ = 	snop  }
0x90: {  	s2 =	sld [smem:$0x3FD0]  }
0x91: {  	s15 =	sld [smem:$0x3FC8]  }
0x92: {  	s4 =	sld [smem:$0x3FC7]  }
0x93: {  	s6 =	simm.s32 $0xA;
	s7 =	simm.s32 $0x10;
	s5 =	sld [smem:$0x3FC6]  }
0x94: {  	[smem:s7], [sflag:s6] =	dma.local [hbm:s2], $0x1  }
0x95: {  	_ =	swait.eq [sflag:s6], $0x1  }
0x96: {  	[sflag:s6] =	ssyncset.done $0x0  }
0x97: {  	s16 =	sld [smem:$0x10];
	[sflag:s6] =	ssyncadd.s32 $0xFFFFFFFF  }
0x98: {  	s17 =	sld [smem:$0x11];
	(tm) =	ssettm $0x1  }
0x99: {  	s18 =	sld [smem:$0x3FFB];
	_ =	sdelay $0x3  }
0x9a: {  	_ =	strace s18  }
0x9b: {  	s7 =	sld [smem:$0x3FFC];
	_ =	sdelay $0x3  }
0x9c: {  	_ =	strace s7  }
0x9d: {  	s7 =	sld [smem:$0x3FFD];
	_ =	sdelay $0x3  }
0x9e: {  	_ =	strace s7  }
0x9f: {  	_ =	strace $0x8FFFFFFF  }
0xa0: {  	s19 =	sld [smem:$0x3FDB];
	_ =	sdelay $0x1  }
0xa1: {  	s8 =	simm.s32 $_scs_section_size  }
0xa2: {  	s9 =	simm.s32 $_size__tile_overlayer_lowered;
	s10 =	simm.s32 $_tile_overlayer_lowered  }
0xa3: {  	s22 =	simm.s32 $0x1BFF;
	s21 =	sshll.u32 s10, $0x1;
	s7 =	sadd.s32 s8, s19  }
0xa4: {  	s11 =	simm.s32 $0x0;
	s20 =	sshll.u32 s9, $0x1;
	s9 =	sadd.s32 s21, s7  }
0xa5: {  	[timem:s11], [sflag:s22] =	dma.local [hbm:s9], s20  }
0xa6: {  	_ =	swait.ge [sflag:s22], s20  }
0xa7: {  	s8 =	ssub.s32 $0x0, s20;
	[sflag:s22] =	ssyncset.done $0x0  }
0xa8: {  	[sflag:s22] =	ssyncadd.s32 s8;
	_ =	sdelay $0x1  }
0xa9: {  	s23 =	simm.s32 $0x1B8B  }
0xaa: {  	_ =	swait.ge [sflag:s23], $0x1  }
0xab: {  	[sflag:s23] =	ssyncset.done $0x0  }
0xac: {  	s25 =	simm.s32 $0x1B8E;
	s24 =	sld [smem:$0x3FFE];
	[sflag:s23] =	ssyncadd.s32 $0xFFFFFFFF  }
0xad: {  	s26 =	simm.s32 $execute0_lowered;
	[smem:$0x3FD2] =	sst s25  }
0xae: {  	s9 =	sshll.u32 s26, $0x1;
	_ =	strace $0x80000046;
	[dreg:$0x1] =	wrdreg $0xFFFFFFFF  }
0xaf: {  	s28 =	simm.s32 $_size_execute0_lowered;
	s7 =	sadd.s32 s7, s9;
	[dreg:$0x0] =	wrdreg $0x0  }
0xb0: {  	s9 =	sshll.u32 s28, $0x1;
	[dreg:$0x2] =	wrdreg s7  }
0xb1: {  	[dreg:$0x3] =	wrdreg s9  }
0xb2: {  	[dreg:$0x4] =	wrdreg $0xC0  }
0xb3: {  	_ =	task [dreg:s11], $0x5FFFF  }
0xb4: {  	[dreg:$0x1] =	wrdreg $0xFFFFFFFF  }
0xb5: {  	[dreg:$0x0] =	wrdreg $0x60  }
0xb6: {  	[dreg:$0x2] =	wrdreg s16  }
0xb7: {  	[dreg:$0x3] =	wrdreg s24  }
0xb8: {  	[dreg:$0x4] =	wrdreg s15  }
0xb9: {  	[dreg:$0x5] =	wrdreg s4  }
0xba: {  	[dreg:$0x6] =	wrdreg s5  }
0xbb: {  	[dreg:$0x7] =	wrdreg s17  }
0xbc: {  	[dreg:$0x8] =	wrdreg $0xAC600  }
0xbd: {  	[dreg:$0x9] =	wrdreg $0x9  }
0xbe: {  	_ =	task.clear_ibuf [dreg:s11], $0xAFFFF;
	_ =	strace $0x90000046  }
0xbf: {  	s29 =	simm.s32 $0x9;
	_ =	strace $0x80000048  }
0xc0: {  	_ =	swait.ge [sflag:s29], $0x1  }
0xc1: {  	[sflag:s29] =	ssyncadd.s32 $0xFFFFFFFF  }
0xc2: {  	_ =	strace $0x90000048  }
0xc3: {  	_ =	sfence  }
0xc4: {  	s30 =	sld [smem:$0x0];
	_ =	sdelay $0x2  }
0xc5: {  	s31 =	sshll.u32 s1, $0xD;
	s1 =	sshrl.u32 s1, $0x2  }
0xc6: {  	s3 =	sand.u32 $0x4000, s31;
	s1 =	sadd.s32 s1, s30  }
0xc7: {  	s0 =	sor.u32 s3, s0;
	s1 =	sshll.u32 s1, $0x11  }
0xc8: {  	s0 =	sor.u32 s1, s0  }
0xc9: {  	s0 =	sadd.s32 $0x8F2B, s0  }
0xca: {  	[sflag:s0] =	ssyncadd.remote.s32 $0x1  }
0xcb: {  	_ =	sfence.sel $0xFFFF  }
0xcc: {  	[dreg:$0x0] =	wrdreg $0xFFFFFFFF;
	(pc) =	sbr.abs _section_cstart, $3  }
0xcd: {  	[dreg:$0x1] =	wrdreg $0xFFFFFFFF  }
0xce: {  	_ =	task.clear_ibuf [dreg:s11], $0x2FFFF;
	_ =	strace $0x9FFFFFFF  }
0xcf: {  	(tm) =	ssettm $0x7FFFFFFF  }
tec
execute0_lowered:
.L_overlay_start_1:
0x0: {  	(tag) =	ssettag $0x1  }
0x1: {  	s1 =	rddreg [dreg:$0x1]  }
0x2: {  	s5 =	rddreg [dreg:$0x2]  }
0x3: {  	s11 =	rddreg [dreg:$0x3]  }
0x4: {  	s12 =	rddreg [dreg:$0x4]  }
0x5: {  	s13 =	rddreg [dreg:$0x5]  }
0x6: {  	s6 =	rddreg [dreg:$0x6];
	s7 =	simm.s32 $0x0;
	s2 =	srdreg.scid  }
0x7: {  	s19 =	stileid.u32;
	s28 =	simm.s32 $0x6;
	s29 =	simm.s32 $0x76C0  }
0x8: {  	s30 =	simm.s32 $0x8FC0;
	s31 =	simm.s32 $0x320;
	[smem:$0x7FF] =	sst s7  }
0x9: {  	s8 =	sadd.s32 $0xE00, s1;
	s0 =	sadd.s32 $0xC00, s1;
	s2 =	sand.u32 $0x1, s2  }
0xa: {  	s14 =	sadd.s32 $0x19600, s1;
	s9 =	smul.u32 $0xC380, s19;
	s10 =	sshll.u32 s19, $0x1  }
0xb: {  	s23 =	sshll.u32 s19, $0x6;
	s25 =	smov.u32 s12;
	_ =	strace $0x80000047  }
0xc: {  	[dreg:$0x8] =	wrdreg s0;
	s3 =	smul.u32 $0x18700, s2;
	s4 =	ssub.s32 $0x2, s2  }
0xd: {  	s2 =	sor.u32 s2, s10;
	[dreg:$0x9] =	wrdreg s14;
	s0 =	smov.u32 s11  }
0xe: {  	s10 =	simm.s32 $0x12C0;
	s20 =	sshrl.u32 s4, $0x1;
	s21 =	sshrl.u32 s9, $0x3  }
0xf: {  	s2 =	smul.u32 $0x186A0, s2;
	s9 =	sadd.s32 s9, s6;
	s1 =	sadd.s32 s3, s1  }
0x10: {  	s3 =	ssub.s32 s4, s20;
	[dreg:$0xa] =	wrdreg s9;
	s22 =	sadd.s32 s14, s21  }
0x11: {  	s14 =	sor.u32 $0x1C06, s23;
	s9 =	simm.s32 $0x5;
	[dreg:$0xb] =	wrdreg s22  }
0x12: {  	s24 =	sshrl.u32 s2, $0x3;
	s26 =	sadd.s32 $0x320, s2;
	[dreg:$0xc] =	wrdreg s14  }
0x13: {  	s1 =	sadd.s32 $0x31E00, s1;
	s22 =	smax.u32 s3, $0x1;
	[dreg:$0xd] =	wrdreg s26  }
0x14: {  	s23 =	sadd.s32 $0x960, s2;
	s3 =	simm.s32 $0x0;
	[dreg:$0x16] =	wrdreg s22  }
0x15: {  	s15 =	sadd.s32 s11, s24;
	s16 =	sadd.s32 s12, s24;
	[dreg:$0x17] =	wrdreg s23  }
0x16: {  	s17 =	sshrl.u32 s26, $0x3;
	s18 =	sadd.s32 s5, s24;
	[dreg:$0xe] =	wrdreg s15  }
0x17: {  	s1 =	sadd.s32 s21, s1;
	s26 =	smov.u32 s13;
	[dreg:$0xf] =	wrdreg s16  }
0x18: {  	s21 =	sadd.s32 s13, s24;
	s24 =	sadd.s32 $0x640, s2;
	[dreg:$0x10] =	wrdreg s18  }
0x19: {  	s13 =	simm.s32 $0x960;
	s23 =	simm.s32 $0x2;
	[dreg:$0x12] =	wrdreg s1  }
0x1a: {  	s11 =	sadd.s32 s11, s17;
	s19 =	sadd.s32 s12, s17;
	[dreg:$0x15] =	wrdreg s21  }
0x1b: {  	s20 =	sadd.s32 s5, s17;
	[dreg:$0x18] =	wrdreg s24;
	s1 =	simm.s32 $0x640  }
0x1c: {  	s12 =	simm.s32 $0x44C0;
	s17 =	simm.s32 $0x2BC0;
	[dreg:$0x11] =	wrdreg s11  }
0x1d: {  	v0 =	vlaneseq.u32;
	s18 =	simm.s32 $0x5DC0;
	s24 =	simm.s32 $0x4;
	[dreg:$0x13] =	wrdreg s19  }
0x1e: {  	v0 =	vmul.u32 $0x8, v0;
	[dreg:$0x14] =	wrdreg s20;
	s19 =	simm.s32 $0x1;
	s20 =	simm.s32 $0x3  }
.LBB2_1:
0x1f: {  	[dreg:$0x19] =	wrdreg s3  }
0x20: {  	s2 =	rddreg [dreg:$0xa]  }
0x21: {  	s15 =	rddreg [dreg:$0xb];
	s11 =	sshrl.u32 s2, $0x3  }
0x22: {  	[dreg:$0x1a] =	wrdreg s11  }
0x23: {  	[spmem:s11], [sflag:s14] =	dma.local [hbm:s15], $0x1870  }
0x24: {  	_ =	swait.ge [sflag:s28], $0x1870  }
0x25: {  	[sflag:s28] =	ssyncset.done $0x0  }
0x26: {  	s16 =	rddreg [dreg:$0x9];
	[sflag:s28] =	ssyncadd.s32 $0xFFFFE790  }
0x27: {  	[tilespmem:s29], [sflag:$0x6] =	stream.linear.gather [hbm4b:s16+s7], $0x1900, $0x38;
	[tilespmem:$0x16FE0] =	vst v63  }
0x28: {  	_ =	swait.ge [sflag:s28], $0x1900  }
0x29: {  	[sflag:s28] =	ssyncset.done $0x0  }
0x2a: {  	[sflag:s28] =	ssyncadd.s32 $0xFFFFE700  }
0x2b: {  	[tilespmem:s30], [sflag:$0x6] =	stream.linear.gather [hbm4b:s16+s7], $0x1900, $0x38;
	[tilespmem:$0x16FE0] =	vst v63  }
0x2c: {  	_ =	swait.ge [sflag:s28], $0x1900  }
0x2d: {  	[sflag:s28] =	ssyncset.done $0x0  }
0x2e: {  	s22 =	simm.s32 $0xABE0;
	s21 =	rddreg [dreg:$0x8];
	[sflag:s28] =	ssyncadd.s32 $0xFFFFE700  }
0x2f: {  	[tilespmem:s22], [sflag:$0x6] =	stream.linear.gather [hbm4b:s21+s7], $0x80, $0x38;
	[tilespmem:$0x16FE0] =	vst v63  }
0x30: {  	_ =	swait.ge [sflag:s28], $0x80  }
0x31: {  	[sflag:s28] =	ssyncset.done $0x0  }
0x32: {  	[sflag:s28] =	ssyncadd.s32 $0xFFFFFF80  }
0x33: {  	[bflag:$0x0] =	sbarrier.arrive $0xFFFF  }
0x34: {  	s4 =	rddreg [dreg:$0xe]  }
0x35: {  	[tilespmem:s7], [sflag:$0x5] =	stream.linear.gather [hbm4b:s4+s7], $0x320, $0x38;
	[tilespmem:$0x16FE0] =	vst v63  }
0x36: {  	s11 =	rddreg [dreg:$0xf]  }
0x37: {  	[tilespmem:s1], [sflag:$0x5] =	stream.linear.gather [hbm4b:s11+s7], $0x320, $0x38;
	[tilespmem:$0x16FE0] =	vst v63  }
0x38: {  	s14 =	rddreg [dreg:$0x10];
	s11 =	simm.s32 $0xC80  }
0x39: {  	[tilespmem:s11], [sflag:$0x5] =	stream.linear.gather [hbm4b:s14+s7], $0x320, $0x38;
	[tilespmem:$0x16FE0] =	vst v63  }
0x3a: {  	_ =	swait.ge [sflag:s9], $0x320  }
0x3b: {  	[sflag:s9] =	ssyncset.done $0x0  }
0x3c: {  	[sflag:s9] =	ssyncadd.s32 $0xFFFFFCE0  }
0x3d: {  	_ =	swait.ge [sflag:s9], $0x320  }
0x3e: {  	[sflag:s9] =	ssyncset.done $0x0  }
0x3f: {  	[sflag:s9] =	ssyncadd.s32 $0xFFFFFCE0  }
0x40: {  	_ =	swait.ge [sflag:s9], $0x320  }
0x41: {  	[sflag:s9] =	ssyncset.done $0x0  }
0x42: {  	[sflag:s9] =	ssyncadd.s32 $0xFFFFFCE0  }
0x43: {  	s15 =	rddreg [dreg:$0x0]  }
0x44: {  	[tilespmem:s10], [sflag:$0x1] =	stream.indirect.gather [hbm4b:s15+s31], $0x8, s7, s31, $0xb8;
	[tilespmem:$0x16FE0] =	vst v63  }
0x45: {  	_ = 	snop  }
0x46: {  	[tilespmem:s12], [sflag:$0x3] =	stream.indirect.gather [hbm4b:s8+s31], $0x8, s1, s31, $0xb8;
	[tilespmem:$0x16FE0] =	vst v63  }
0x47: {  	s16 =	rddreg [dreg:$0x11]  }
0x48: {  	[tilespmem:s31], [sflag:$0x5] =	stream.linear.gather [hbm4b:s16+s7], $0x320, $0x38;
	[tilespmem:$0x16FE0] =	vst v63  }
0x49: {  	s21 =	rddreg [dreg:$0x13]  }
0x4a: {  	[tilespmem:s13], [sflag:$0x5] =	stream.linear.gather [hbm4b:s21+s7], $0x320, $0x38;
	[tilespmem:$0x16FE0] =	vst v63  }
0x4b: {  	s4 =	simm.s32 $0xFA0;
	s22 =	rddreg [dreg:$0x14]  }
0x4c: {  	[tilespmem:s4], [sflag:$0x5] =	stream.linear.gather [hbm4b:s22+s7], $0x320, $0x38;
	[tilespmem:$0x16FE0] =	vst v63  }
0x4d: {  	_ =	swait.ge [sflag:s9], $0x320  }
0x4e: {  	[sflag:s9] =	ssyncset.done $0x0  }
0x4f: {  	[sflag:s9] =	ssyncadd.s32 $0xFFFFFCE0  }
0x50: {  	_ =	swait.ge [sflag:s9], $0x320  }
0x51: {  	[sflag:s9] =	ssyncset.done $0x0  }
0x52: {  	[sflag:s9] =	ssyncadd.s32 $0xFFFFFCE0  }
0x53: {  	_ =	swait.ge [sflag:s9], $0x320  }
0x54: {  	[sflag:s9] =	ssyncset.done $0x0  }
0x55: {  	[sflag:s9] =	ssyncadd.s32 $0xFFFFFCE0  }
0x56: {  	[tilespmem:s17], [sflag:$0x2] =	stream.indirect.gather [hbm4b:s15+s31], $0x8, s31, s31, $0xb8;
	[tilespmem:$0x16FE0] =	vst v63  }
0x57: {  	_ = 	snop  }
0x58: {  	[tilespmem:s18], [sflag:$0x4] =	stream.indirect.gather [hbm4b:s8+s31], $0x8, s13, s31, $0xb8;
	[tilespmem:$0x16FE0] =	vst v63  }
0x59: {  	_ =	swait.ge [sflag:s19], $0x1900  }
0x5a: {  	[sflag:s19] =	ssyncset.done $0x0  }
0x5b: {  	[sflag:s19] =	ssyncadd.s32 $0xFFFFE700  }
0x5c: {  	_ =	swait.ge [sflag:s20], $0x1900  }
0x5d: {  	[sflag:s20] =	ssyncset.done $0x0  }
0x5e: {  	[sflag:s20] =	ssyncadd.s32 $0xFFFFE700  }
0x5f: {  	v1 =	vld [tilespmem:s11+$0x0];
	_ =	sdelay $0x4  }
0x60: {  	v2 =	vsub.f32 $0.0e+00, v1;
	_ =	sdelay $0x1  }
0x61: {  	v3 =	vmov s7;
	v2 =	vmul.f32 $1.442695020e+00, v2  }
0x62: {  	v3 =	vshll.u32 v3, $0x3  }
0x63: {  	v3 =	vor.u32 v0, v3;
	(erf) = vpow2.f32 v2;
	_ =	sdelay $0x4  }
0x64: {  	v2 =	vld.idx.msk [tilespmem:v3+s10+$0x0], $0xffff;
	_ =	sdelay $0x1  }
0x65: {  	v4 =	vld.idx.msk [tilespmem:v3+s12+$0x0], $0xffff;
	_ =	sdelay $0x1  }
0x66: {  	v5 =	vpop (erf)  }
0x67: {  	v6 =	vadd.f32 v5, v2;
	_ =	sdelay $0x1  }
0x68: {  	v6 =	vadd.f32 v6, v4;
	_ =	sdelay $0x1  }
0x69: {  	(erf) = vrcp.f32 v6;
	_ =	sdelay $0x4  }
0x6a: {  	v49 =	vld [tilespmem:$0xABE0];
	_ =	sdelay $0x3  }
0x6b: {  	v7 =	vpop (erf)  }
0x6c: {  	v2 =	vsub.f32 $0.0e+00, v2;
	v6 =	vmul.f32 v7, v49  }
0x6d: {  	v50 =	vor.u32 $0x1, v3  }
0x6e: {  	v2 =	vmul.f32 v6, v2  }
0x6f: {  	v4 =	vmul.f32 v6, v4  }
0x70: {  	[tilespmem:v3+s29+$0x0] =	vst.idx.msk $0xffff, v2  }
0x71: {  	[tilespmem:v3+s30+$0x0] =	vst.idx.msk $0xffff, v4  }
0x72: {  	v2 =	vld.idx.msk [tilespmem:v50+s10+$0x0], $0xffff;
	_ =	sdelay $0x1  }
0x73: {  	v4 =	vld.idx.msk [tilespmem:v50+s12+$0x0], $0xffff;
	_ =	sdelay $0x2  }
0x74: {  	v8 =	vadd.f32 v2, v5;
	_ =	sdelay $0x1  }
0x75: {  	v8 =	vadd.f32 v4, v8;
	_ =	sdelay $0x1  }
0x76: {  	(erf) = vrcp.f32 v8;
	_ =	sdelay $0x4  }
0x77: {  	v51 =	vld [tilespmem:$0xABF0];
	_ =	sdelay $0x3  }
0x78: {  	v9 =	vpop (erf)  }
0x79: {  	v2 =	vsub.f32 $0.0e+00, v2;
	v8 =	vmul.f32 v9, v51  }
0x7a: {  	v52 =	vor.u32 $0x2, v3  }
0x7b: {  	v2 =	vmul.f32 v8, v2  }
0x7c: {  	v4 =	vmul.f32 v8, v4  }
0x7d: {  	[tilespmem:v50+s29+$0x0] =	vst.idx.msk $0xffff, v2  }
0x7e: {  	[tilespmem:v50+s30+$0x0] =	vst.idx.msk $0xffff, v4  }
0x7f: {  	v2 =	vld.idx.msk [tilespmem:v52+s10+$0x0], $0xffff;
	_ =	sdelay $0x1  }
0x80: {  	v4 =	vld.idx.msk [tilespmem:v52+s12+$0x0], $0xffff;
	_ =	sdelay $0x2  }
0x81: {  	v53 =	vadd.f32 v2, v5;
	_ =	sdelay $0x1  }
0x82: {  	v7 =	vadd.f32 v4, v53;
	_ =	sdelay $0x1  }
0x83: {  	(erf) = vrcp.f32 v7;
	_ =	sdelay $0x4  }
0x84: {  	v54 =	vld [tilespmem:$0xAC00];
	_ =	sdelay $0x3  }
0x85: {  	v10 =	vpop (erf)  }
0x86: {  	v2 =	vsub.f32 $0.0e+00, v2;
	v7 =	vmul.f32 v10, v54  }
0x87: {  	v55 =	vor.u32 $0x3, v3  }
0x88: {  	v2 =	vmul.f32 v7, v2  }
0x89: {  	v4 =	vmul.f32 v7, v4  }
0x8a: {  	[tilespmem:v52+s29+$0x0] =	vst.idx.msk $0xffff, v2  }
0x8b: {  	[tilespmem:v52+s30+$0x0] =	vst.idx.msk $0xffff, v4  }
0x8c: {  	v2 =	vld.idx.msk [tilespmem:v55+s10+$0x0], $0xffff;
	_ =	sdelay $0x1  }
0x8d: {  	v4 =	vld.idx.msk [tilespmem:v55+s12+$0x0], $0xffff;
	_ =	sdelay $0x2  }
0x8e: {  	v56 =	vadd.f32 v2, v5;
	_ =	sdelay $0x1  }
0x8f: {  	v9 =	vadd.f32 v4, v56;
	_ =	sdelay $0x1  }
0x90: {  	(erf) = vrcp.f32 v9;
	_ =	sdelay $0x4  }
0x91: {  	v57 =	vld [tilespmem:$0xAC10];
	_ =	sdelay $0x3  }
0x92: {  	v11 =	vpop (erf)  }
0x93: {  	v2 =	vsub.f32 $0.0e+00, v2;
	v9 =	vmul.f32 v11, v57  }
0x94: {  	v58 =	vor.u32 $0x4, v3  }
0x95: {  	v2 =	vmul.f32 v9, v2  }
0x96: {  	v4 =	vmul.f32 v9, v4  }
0x97: {  	[tilespmem:v55+s29+$0x0] =	vst.idx.msk $0xffff, v2  }
0x98: {  	[tilespmem:v55+s30+$0x0] =	vst.idx.msk $0xffff, v4  }
0x99: {  	v2 =	vld.idx.msk [tilespmem:v58+s10+$0x0], $0xffff;
	_ =	sdelay $0x1  }
0x9a: {  	v4 =	vld.idx.msk [tilespmem:v58+s12+$0x0], $0xffff;
	_ =	sdelay $0x2  }
0x9b: {  	v59 =	vadd.f32 v2, v5;
	_ =	sdelay $0x1  }
0x9c: {  	v10 =	vadd.f32 v4, v59;
	_ =	sdelay $0x1  }
0x9d: {  	(erf) = vrcp.f32 v10;
	_ =	sdelay $0x4  }
0x9e: {  	v60 =	vld [tilespmem:$0xAC20];
	_ =	sdelay $0x3  }
0x9f: {  	v12 =	vpop (erf)  }
0xa0: {  	v2 =	vsub.f32 $0.0e+00, v2;
	v10 =	vmul.f32 v12, v60  }
0xa1: {  	v3 =	vor.u32 $0x5, v3  }
0xa2: {  	v2 =	vmul.f32 v10, v2  }
0xa3: {  	v4 =	vmul.f32 v10, v4  }
0xa4: {  	[tilespmem:v58+s29+$0x0] =	vst.idx.msk $0xffff, v2  }
0xa5: {  	[tilespmem:v58+s30+$0x0] =	vst.idx.msk $0xffff, v4  }
0xa6: {  	v2 =	vld.idx.msk [tilespmem:v3+s10+$0x0], $0xffff;
	_ =	sdelay $0x1  }
0xa7: {  	v4 =	vld.idx.msk [tilespmem:v3+s12+$0x0], $0xffff;
	_ =	sdelay $0x2  }
0xa8: {  	v61 =	vadd.f32 v2, v5;
	_ =	sdelay $0x1  }
0xa9: {  	v11 =	vadd.f32 v4, v61;
	_ =	sdelay $0x1  }
0xaa: {  	(erf) = vrcp.f32 v11;
	_ =	sdelay $0x1  }
0xab: {  	v6 =	vadd.f32 $0.0e+00, v6;
	_ =	sdelay $0x1  }
0xac: {  	v6 =	vadd.f32 v8, v6  }
0xad: {  	v62 =	vld [tilespmem:$0xAC30]  }
0xae: {  	v6 =	vadd.f32 v7, v6;
	_ =	sdelay $0x1  }
0xaf: {  	v6 =	vadd.f32 v9, v6  }
0xb0: {  	v63 =	vpop (erf)  }
0xb1: {  	v6 =	vadd.f32 v10, v6;
	v7 =	vmul.f32 v63, v62  }
0xb2: {  	v2 =	vsub.f32 $0.0e+00, v2  }
0xb3: {  	v6 =	vadd.f32 v7, v6  }
0xb4: {  	v2 =	vmul.f32 v7, v2  }
0xb5: {  	v4 =	vmul.f32 v7, v4;
	v5 =	vmul.f32 v6, v5  }
0xb6: {  	[tilespmem:v3+s29+$0x0] =	vst.idx.msk $0xffff, v2  }
0xb7: {  	s3 =	simm.s32 $0xA8C0;
	s2 =	simm.s32 $0x10;
	s4 =	simm.s32 $0xC80;
	[tilespmem:v3+s30+$0x0] =	vst.idx.msk $0xffff, v4;
	v1 =	vsub.f32 v1, v5  }
.LBB2_2:
0xb8: {  	_ = 	snop  }
0xb9: {  	p0 =	sne.s32 s2, $0x310;
	s4 =	sadd.s32 $0x10, s4;
	[tilespmem:s3+$0x0] =	vst v1;
	s3 =	sadd.s32 $0x10, s3  }
0xba: {  	s11 =	smov.u32 s2;
	s2 =	sadd.s32 $0x10, s2;
	v1 =	vld [tilespmem:s4+$0x0];
	_ =	sdelay $0x4  }
0xbb: {  	v2 =	vsub.f32 $0.0e+00, v1  }
0xbc: {  	v3 =	vmov s11  }
0xbd: {  	v3 =	vshll.u32 v3, $0x3;
	v2 =	vmul.f32 $1.442695020e+00, v2  }
0xbe: {  	v3 =	vor.u32 v0, v3  }
0xbf: {  	(erf) = vpow2.f32 v2;
	_ =	sdelay $0x3  }
0xc0: {  	v5 =	vld.idx.msk [tilespmem:v3+s10+$0x0], $0xffff;
	_ =	sdelay $0x1  }
0xc1: {  	v6 =	vld.idx.msk [tilespmem:v3+s12+$0x0], $0xffff;
	_ =	sdelay $0x2  }
0xc2: {  	v2 =	vpop (erf)  }
0xc3: {  	v4 =	vadd.f32 v2, v5;
	_ =	sdelay $0x1  }
0xc4: {  	v4 =	vadd.f32 v4, v6;
	_ =	sdelay $0x1  }
0xc5: {  	(erf) = vrcp.f32 v4;
	_ =	sdelay $0x4  }
0xc6: {  	v4 =	vld [tilespmem:$0xABE0];
	_ =	sdelay $0x3  }
0xc7: {  	v7 =	vpop (erf)  }
0xc8: {  	v5 =	vsub.f32 $0.0e+00, v5;
	v4 =	vmul.f32 v7, v4  }
0xc9: {  	v7 =	vor.u32 $0x1, v3  }
0xca: {  	v5 =	vmul.f32 v4, v5  }
0xcb: {  	v6 =	vmul.f32 v4, v6  }
0xcc: {  	[tilespmem:v3+s29+$0x0] =	vst.idx.msk $0xffff, v5  }
0xcd: {  	[tilespmem:v3+s30+$0x0] =	vst.idx.msk $0xffff, v6  }
0xce: {  	v6 =	vld.idx.msk [tilespmem:v7+s10+$0x0], $0xffff;
	_ =	sdelay $0x1  }
0xcf: {  	v8 =	vld.idx.msk [tilespmem:v7+s12+$0x0], $0xffff;
	_ =	sdelay $0x3  }
0xd0: {  	v5 =	vadd.f32 v6, v2;
	_ =	sdelay $0x1  }
0xd1: {  	v5 =	vadd.f32 v8, v5;
	_ =	sdelay $0x1  }
0xd2: {  	(erf) = vrcp.f32 v5;
	_ =	sdelay $0x4  }
0xd3: {  	v5 =	vld [tilespmem:$0xABF0];
	_ =	sdelay $0x3  }
0xd4: {  	v9 =	vpop (erf)  }
0xd5: {  	v6 =	vsub.f32 $0.0e+00, v6;
	v5 =	vmul.f32 v9, v5  }
0xd6: {  	v9 =	vor.u32 $0x2, v3  }
0xd7: {  	v6 =	vmul.f32 v5, v6  }
0xd8: {  	v8 =	vmul.f32 v5, v8  }
0xd9: {  	[tilespmem:v7+s29+$0x0] =	vst.idx.msk $0xffff, v6  }
0xda: {  	[tilespmem:v7+s30+$0x0] =	vst.idx.msk $0xffff, v8  }
0xdb: {  	v6 =	vld.idx.msk [tilespmem:v9+s10+$0x0], $0xffff;
	_ =	sdelay $0x1  }
0xdc: {  	v7 =	vld.idx.msk [tilespmem:v9+s12+$0x0], $0xffff;
	_ =	sdelay $0x3  }
0xdd: {  	v8 =	vadd.f32 v6, v2;
	_ =	sdelay $0x1  }
0xde: {  	v8 =	vadd.f32 v7, v8;
	_ =	sdelay $0x1  }
0xdf: {  	(erf) = vrcp.f32 v8;
	_ =	sdelay $0x4  }
0xe0: {  	v8 =	vld [tilespmem:$0xAC00];
	_ =	sdelay $0x3  }
0xe1: {  	v10 =	vpop (erf)  }
0xe2: {  	v6 =	vsub.f32 $0.0e+00, v6;
	v8 =	vmul.f32 v10, v8  }
0xe3: {  	v10 =	vor.u32 $0x3, v3  }
0xe4: {  	v6 =	vmul.f32 v8, v6  }
0xe5: {  	v7 =	vmul.f32 v8, v7  }
0xe6: {  	[tilespmem:v9+s29+$0x0] =	vst.idx.msk $0xffff, v6  }
0xe7: {  	[tilespmem:v9+s30+$0x0] =	vst.idx.msk $0xffff, v7  }
0xe8: {  	v6 =	vld.idx.msk [tilespmem:v10+s10+$0x0], $0xffff;
	_ =	sdelay $0x1  }
0xe9: {  	v7 =	vld.idx.msk [tilespmem:v10+s12+$0x0], $0xffff;
	_ =	sdelay $0x3  }
0xea: {  	v9 =	vadd.f32 v6, v2;
	_ =	sdelay $0x1  }
0xeb: {  	v9 =	vadd.f32 v7, v9;
	_ =	sdelay $0x1  }
0xec: {  	(erf) = vrcp.f32 v9;
	_ =	sdelay $0x4  }
0xed: {  	v9 =	vld [tilespmem:$0xAC10];
	_ =	sdelay $0x3  }
0xee: {  	v11 =	vpop (erf)  }
0xef: {  	v6 =	vsub.f32 $0.0e+00, v6;
	v9 =	vmul.f32 v11, v9  }
0xf0: {  	v11 =	vor.u32 $0x4, v3  }
0xf1: {  	v6 =	vmul.f32 v9, v6  }
0xf2: {  	v7 =	vmul.f32 v9, v7  }
0xf3: {  	[tilespmem:v10+s29+$0x0] =	vst.idx.msk $0xffff, v6  }
0xf4: {  	[tilespmem:v10+s30+$0x0] =	vst.idx.msk $0xffff, v7  }
0xf5: {  	v6 =	vld.idx.msk [tilespmem:v11+s10+$0x0], $0xffff  }
0xf6: {  	v7 =	vld.idx.msk [tilespmem:v11+s12+$0x0], $0xffff  }
0xf7: {  	v10 =	vld [tilespmem:$0xAC20];
	_ =	sdelay $0x3  }
0xf8: {  	v12 =	vadd.f32 v6, v2;
	_ =	sdelay $0x1  }
0xf9: {  	v12 =	vadd.f32 v7, v12;
	_ =	sdelay $0x1  }
0xfa: {  	(erf) = vrcp.f32 v12;
	_ =	sdelay $0x8  }
0xfb: {  	v12 =	vpop (erf)  }
0xfc: {  	v6 =	vsub.f32 $0.0e+00, v6;
	v10 =	vmul.f32 v12, v10  }
0xfd: {  	v3 =	vor.u32 $0x5, v3  }
0xfe: {  	v6 =	vmul.f32 v10, v6  }
0xff: {  	v7 =	vmul.f32 v10, v7  }
0x100: {  	[tilespmem:v11+s29+$0x0] =	vst.idx.msk $0xffff, v6  }
0x101: {  	[tilespmem:v11+s30+$0x0] =	vst.idx.msk $0xffff, v7  }
0x102: {  	v6 =	vld.idx.msk [tilespmem:v3+s10+$0x0], $0xffff  }
0x103: {  	v7 =	vld.idx.msk [tilespmem:v3+s12+$0x0], $0xffff  }
0x104: {  	v11 =	vld [tilespmem:$0xAC30];
	_ =	sdelay $0x3  }
0x105: {  	v12 =	vadd.f32 v6, v2;
	_ =	sdelay $0x1  }
0x106: {  	v12 =	vadd.f32 v7, v12;
	_ =	sdelay $0x1  }
0x107: {  	(erf) = vrcp.f32 v12;
	_ =	sdelay $0x1  }
0x108: {  	v4 =	vadd.f32 $0.0e+00, v4;
	_ =	sdelay $0x1  }
0x109: {  	v4 =	vadd.f32 v5, v4;
	_ =	sdelay $0x1  }
0x10a: {  	v4 =	vadd.f32 v8, v4;
	_ =	sdelay $0x1  }
0x10b: {  	v4 =	vadd.f32 v9, v4  }
0x10c: {  	v5 =	vpop (erf)  }
0x10d: {  	v4 =	vadd.f32 v10, v4;
	v6 =	vsub.f32 $0.0e+00, v6;
	v5 =	vmul.f32 v5, v11;
	_ =	sdelay $0x1  }
.Ltmp0:
0x10e: {  	v6 =	vmul.f32 v5, v6;
	v7 =	vmul.f32 v5, v7;
	v4 =	vadd.f32 v5, v4;
	(pc) =	sbr.rel @p0 .LBB2_2-.Ltmp0, $4  }
0x10f: {  	_ = 	snop  }
0x110: {  	[tilespmem:v3+s29+$0x0] =	vst.idx.msk $0xffff, v6;
	v2 =	vmul.f32 v4, v2  }
0x111: {  	[tilespmem:v3+s30+$0x0] =	vst.idx.msk $0xffff, v7  }
0x112: {  	v1 =	vsub.f32 v1, v2  }
0x113: {  	_ = 	snop  }
0x114: {  	s11 =	simm.s32 $0x0;
	[tilespmem:s3+$0x0] =	vst v1  }
0x115: {  	[spmem:s6] =	stream.indirect.scatter.add.f32 [tilespmem:s29], [sflag:$0x6], $0x8, s11, s31, $0xb8;
	[tilespmem:$0x16FE0] =	vst v63  }
0x116: {  	_ =	swait.ge [sflag:s28], $0x1900  }
0x117: {  	[sflag:s28] =	ssyncset.done $0x0  }
0x118: {  	[sflag:s28] =	ssyncadd.s32 $0xFFFFE700  }
0x119: {  	[spmem:s6] =	stream.indirect.scatter.add.f32 [tilespmem:s30], [sflag:$0x6], $0x8, s1, s31, $0xb8;
	[tilespmem:$0x16FE0] =	vst v63  }
0x11a: {  	_ =	swait.ge [sflag:s28], $0x1900  }
0x11b: {  	[sflag:s28] =	ssyncset.done $0x0  }
0x11c: {  	s22 =	simm.s32 $0xA8C0;
	s2 =	rddreg [dreg:$0x15];
	[sflag:s28] =	ssyncadd.s32 $0xFFFFE700  }
0x11d: {  	[hbm4b:s2+s11] =	stream.linear.scatter [tilespmem:s22], [sflag:$0x6], $0x320, $0x38;
	[tilespmem:$0x16FE0] =	vst v63  }
0x11e: {  	_ =	swait.ge [sflag:s28], $0x320  }
0x11f: {  	[sflag:s28] =	ssyncset.done $0x0  }
0x120: {  	s14 =	simm.s32 $0x0;
	[sflag:s28] =	ssyncadd.s32 $0xFFFFFCE0  }
.LBB2_4:
0x121: {  	s21 =	smul.u32 $0x640, s14  }
0x122: {  	s2 =	rddreg [dreg:$0x18]  }
0x123: {  	s2 =	sadd.s32 s2, s21  }
0x124: {  	s16 =	sshrl.u32 s2, $0x3  }
0x125: {  	s2 =	sadd.s32 s0, s16  }
0x126: {  	[tilespmem:s11], [sflag:$0x5] =	stream.linear.gather [hbm4b:s2+s11], $0x320, $0x38;
	[tilespmem:$0x16FE0] =	vst v63  }
0x127: {  	s4 =	sadd.s32 s25, s16  }
0x128: {  	[tilespmem:s1], [sflag:$0x5] =	stream.linear.gather [hbm4b:s4+s11], $0x320, $0x38;
	[tilespmem:$0x16FE0] =	vst v63  }
0x129: {  	s15 =	smov.u32 s5;
	s3 =	simm.s32 $0xC80;
	s5 =	sadd.s32 s5, s16  }
0x12a: {  	[tilespmem:s3], [sflag:$0x5] =	stream.linear.gather [hbm4b:s5+s11], $0x320, $0x38;
	[tilespmem:$0x16FE0] =	vst v63  }
0x12b: {  	_ =	swait.ge [sflag:s9], $0x320  }
0x12c: {  	[sflag:s9] =	ssyncset.done $0x0  }
0x12d: {  	[sflag:s9] =	ssyncadd.s32 $0xFFFFFCE0  }
0x12e: {  	_ =	swait.ge [sflag:s9], $0x320  }
0x12f: {  	[sflag:s9] =	ssyncset.done $0x0  }
0x130: {  	[sflag:s9] =	ssyncadd.s32 $0xFFFFFCE0  }
0x131: {  	_ =	swait.ge [sflag:s9], $0x320  }
0x132: {  	[sflag:s9] =	ssyncset.done $0x0  }
0x133: {  	[sflag:s9] =	ssyncadd.s32 $0xFFFFFCE0  }
0x134: {  	s22 =	rddreg [dreg:$0x0]  }
0x135: {  	[tilespmem:s10], [sflag:$0x1] =	stream.indirect.gather [hbm4b:s22+s31], $0x8, s11, s31, $0xb8;
	[tilespmem:$0x16FE0] =	vst v63  }
0x136: {  	_ = 	snop  }
0x137: {  	[tilespmem:s12], [sflag:$0x3] =	stream.indirect.gather [hbm4b:s8+s31], $0x8, s1, s31, $0xb8;
	[tilespmem:$0x16FE0] =	vst v63  }
0x138: {  	_ =	swait.ge [sflag:s23], $0x1900  }
0x139: {  	[sflag:s23] =	ssyncset.done $0x0  }
0x13a: {  	[sflag:s23] =	ssyncadd.s32 $0xFFFFE700  }
0x13b: {  	_ =	swait.ge [sflag:s24], $0x1900  }
0x13c: {  	[sflag:s24] =	ssyncset.done $0x0  }
0x13d: {  	s22 =	simm.s32 $0xFA0;
	[sflag:s24] =	ssyncadd.s32 $0xFFFFE700  }
0x13e: {  	v1 =	vld [tilespmem:s22+$0x0];
	_ =	sdelay $0x4  }
0x13f: {  	v2 =	vsub.f32 $0.0e+00, v1;
	_ =	sdelay $0x1  }
0x140: {  	v3 =	vmov s11;
	v2 =	vmul.f32 $1.442695020e+00, v2  }
0x141: {  	v3 =	vshll.u32 v3, $0x3  }
0x142: {  	v3 =	vor.u32 v0, v3;
	(erf) = vpow2.f32 v2;
	_ =	sdelay $0x4  }
0x143: {  	v2 =	vld.idx.msk [tilespmem:v3+s17+$0x0], $0xffff;
	_ =	sdelay $0x1  }
0x144: {  	v4 =	vld.idx.msk [tilespmem:v3+s18+$0x0], $0xffff;
	_ =	sdelay $0x1  }
0x145: {  	v5 =	vpop (erf)  }
0x146: {  	v6 =	vadd.f32 v5, v2;
	_ =	sdelay $0x1  }
0x147: {  	v6 =	vadd.f32 v6, v4;
	_ =	sdelay $0x1  }
0x148: {  	(erf) = vrcp.f32 v6;
	_ =	sdelay $0x4  }
0x149: {  	v49 =	vld [tilespmem:$0xABE0];
	_ =	sdelay $0x3  }
0x14a: {  	v7 =	vpop (erf)  }
0x14b: {  	v2 =	vsub.f32 $0.0e+00, v2;
	v6 =	vmul.f32 v7, v49  }
0x14c: {  	v50 =	vor.u32 $0x1, v3  }
0x14d: {  	v2 =	vmul.f32 v6, v2  }
0x14e: {  	v4 =	vmul.f32 v6, v4  }
0x14f: {  	[tilespmem:v3+s29+$0x0] =	vst.idx.msk $0xffff, v2  }
0x150: {  	[tilespmem:v3+s30+$0x0] =	vst.idx.msk $0xffff, v4  }
0x151: {  	v2 =	vld.idx.msk [tilespmem:v50+s17+$0x0], $0xffff;
	_ =	sdelay $0x1  }
0x152: {  	v4 =	vld.idx.msk [tilespmem:v50+s18+$0x0], $0xffff;
	_ =	sdelay $0x2  }
0x153: {  	v8 =	vadd.f32 v2, v5;
	_ =	sdelay $0x1  }
0x154: {  	v8 =	vadd.f32 v4, v8;
	_ =	sdelay $0x1  }
0x155: {  	(erf) = vrcp.f32 v8;
	_ =	sdelay $0x4  }
0x156: {  	v51 =	vld [tilespmem:$0xABF0];
	_ =	sdelay $0x3  }
0x157: {  	v9 =	vpop (erf)  }
0x158: {  	v2 =	vsub.f32 $0.0e+00, v2;
	v8 =	vmul.f32 v9, v51  }
0x159: {  	v52 =	vor.u32 $0x2, v3  }
0x15a: {  	v2 =	vmul.f32 v8, v2  }
0x15b: {  	v4 =	vmul.f32 v8, v4  }
0x15c: {  	[tilespmem:v50+s29+$0x0] =	vst.idx.msk $0xffff, v2  }
0x15d: {  	[tilespmem:v50+s30+$0x0] =	vst.idx.msk $0xffff, v4  }
0x15e: {  	v2 =	vld.idx.msk [tilespmem:v52+s17+$0x0], $0xffff;
	_ =	sdelay $0x1  }
0x15f: {  	v4 =	vld.idx.msk [tilespmem:v52+s18+$0x0], $0xffff;
	_ =	sdelay $0x2  }
0x160: {  	v53 =	vadd.f32 v2, v5;
	_ =	sdelay $0x1  }
0x161: {  	v7 =	vadd.f32 v4, v53;
	_ =	sdelay $0x1  }
0x162: {  	(erf) = vrcp.f32 v7;
	_ =	sdelay $0x4  }
0x163: {  	v54 =	vld [tilespmem:$0xAC00];
	_ =	sdelay $0x3  }
0x164: {  	v10 =	vpop (erf)  }
0x165: {  	v2 =	vsub.f32 $0.0e+00, v2;
	v7 =	vmul.f32 v10, v54  }
0x166: {  	v55 =	vor.u32 $0x3, v3  }
0x167: {  	v2 =	vmul.f32 v7, v2  }
0x168: {  	v4 =	vmul.f32 v7, v4  }
0x169: {  	[tilespmem:v52+s29+$0x0] =	vst.idx.msk $0xffff, v2  }
0x16a: {  	[tilespmem:v52+s30+$0x0] =	vst.idx.msk $0xffff, v4  }
0x16b: {  	v2 =	vld.idx.msk [tilespmem:v55+s17+$0x0], $0xffff;
	_ =	sdelay $0x1  }
0x16c: {  	v4 =	vld.idx.msk [tilespmem:v55+s18+$0x0], $0xffff;
	_ =	sdelay $0x2  }
0x16d: {  	v56 =	vadd.f32 v2, v5;
	_ =	sdelay $0x1  }
0x16e: {  	v9 =	vadd.f32 v4, v56;
	_ =	sdelay $0x1  }
0x16f: {  	(erf) = vrcp.f32 v9;
	_ =	sdelay $0x4  }
0x170: {  	v57 =	vld [tilespmem:$0xAC10];
	_ =	sdelay $0x3  }
0x171: {  	v11 =	vpop (erf)  }
0x172: {  	v2 =	vsub.f32 $0.0e+00, v2;
	v9 =	vmul.f32 v11, v57  }
0x173: {  	v58 =	vor.u32 $0x4, v3  }
0x174: {  	v2 =	vmul.f32 v9, v2  }
0x175: {  	v4 =	vmul.f32 v9, v4  }
0x176: {  	[tilespmem:v55+s29+$0x0] =	vst.idx.msk $0xffff, v2  }
0x177: {  	[tilespmem:v55+s30+$0x0] =	vst.idx.msk $0xffff, v4  }
0x178: {  	v2 =	vld.idx.msk [tilespmem:v58+s17+$0x0], $0xffff;
	_ =	sdelay $0x1  }
0x179: {  	v4 =	vld.idx.msk [tilespmem:v58+s18+$0x0], $0xffff;
	_ =	sdelay $0x2  }
0x17a: {  	v59 =	vadd.f32 v2, v5;
	_ =	sdelay $0x1  }
0x17b: {  	v10 =	vadd.f32 v4, v59;
	_ =	sdelay $0x1  }
0x17c: {  	(erf) = vrcp.f32 v10;
	_ =	sdelay $0x4  }
0x17d: {  	v60 =	vld [tilespmem:$0xAC20];
	_ =	sdelay $0x3  }
0x17e: {  	v12 =	vpop (erf)  }
0x17f: {  	v2 =	vsub.f32 $0.0e+00, v2;
	v10 =	vmul.f32 v12, v60  }
0x180: {  	v3 =	vor.u32 $0x5, v3  }
0x181: {  	v2 =	vmul.f32 v10, v2  }
0x182: {  	v4 =	vmul.f32 v10, v4  }
0x183: {  	[tilespmem:v58+s29+$0x0] =	vst.idx.msk $0xffff, v2  }
0x184: {  	[tilespmem:v58+s30+$0x0] =	vst.idx.msk $0xffff, v4  }
0x185: {  	v2 =	vld.idx.msk [tilespmem:v3+s17+$0x0], $0xffff;
	_ =	sdelay $0x1  }
0x186: {  	v4 =	vld.idx.msk [tilespmem:v3+s18+$0x0], $0xffff;
	_ =	sdelay $0x2  }
0x187: {  	v61 =	vadd.f32 v2, v5;
	_ =	sdelay $0x1  }
0x188: {  	v11 =	vadd.f32 v4, v61;
	_ =	sdelay $0x1  }
0x189: {  	(erf) = vrcp.f32 v11;
	_ =	sdelay $0x1  }
0x18a: {  	v6 =	vadd.f32 $0.0e+00, v6;
	_ =	sdelay $0x1  }
0x18b: {  	v6 =	vadd.f32 v8, v6  }
0x18c: {  	v62 =	vld [tilespmem:$0xAC30]  }
0x18d: {  	v6 =	vadd.f32 v7, v6;
	_ =	sdelay $0x1  }
0x18e: {  	v6 =	vadd.f32 v9, v6  }
0x18f: {  	v63 =	vpop (erf)  }
0x190: {  	v6 =	vadd.f32 v10, v6;
	v7 =	vmul.f32 v63, v62  }
0x191: {  	v2 =	vsub.f32 $0.0e+00, v2  }
0x192: {  	v6 =	vadd.f32 v7, v6  }
0x193: {  	v2 =	vmul.f32 v7, v2  }
0x194: {  	v4 =	vmul.f32 v7, v4;
	v5 =	vmul.f32 v6, v5  }
0x195: {  	[tilespmem:v3+s29+$0x0] =	vst.idx.msk $0xffff, v2  }
0x196: {  	s2 =	sshll.u32 s14, $0x1;
	s4 =	simm.s32 $0x10;
	s3 =	simm.s32 $0xA8C0;
	[tilespmem:v3+s30+$0x0] =	vst.idx.msk $0xffff, v4;
	v1 =	vsub.f32 v1, v5  }
.LBB2_5:
0x197: {  	_ = 	snop  }
0x198: {  	p0 =	sne.s32 s4, $0x310;
	s22 =	sadd.s32 $0x10, s22;
	[tilespmem:s3+$0x0] =	vst v1;
	s3 =	sadd.s32 $0x10, s3  }
0x199: {  	s5 =	smov.u32 s4;
	s4 =	sadd.s32 $0x10, s4;
	v1 =	vld [tilespmem:s22+$0x0];
	_ =	sdelay $0x4  }
0x19a: {  	v2 =	vsub.f32 $0.0e+00, v1  }
0x19b: {  	v3 =	vmov s5  }
0x19c: {  	v3 =	vshll.u32 v3, $0x3;
	v2 =	vmul.f32 $1.442695020e+00, v2  }
0x19d: {  	v3 =	vor.u32 v0, v3  }
0x19e: {  	(erf) = vpow2.f32 v2;
	_ =	sdelay $0x3  }
0x19f: {  	v5 =	vld.idx.msk [tilespmem:v3+s17+$0x0], $0xffff;
	_ =	sdelay $0x1  }
0x1a0: {  	v6 =	vld.idx.msk [tilespmem:v3+s18+$0x0], $0xffff;
	_ =	sdelay $0x2  }
0x1a1: {  	v2 =	vpop (erf)  }
0x1a2: {  	v4 =	vadd.f32 v2, v5;
	_ =	sdelay $0x1  }
0x1a3: {  	v4 =	vadd.f32 v4, v6;
	_ =	sdelay $0x1  }
0x1a4: {  	(erf) = vrcp.f32 v4;
	_ =	sdelay $0x4  }
0x1a5: {  	v4 =	vld [tilespmem:$0xABE0];
	_ =	sdelay $0x3  }
0x1a6: {  	v7 =	vpop (erf)  }
0x1a7: {  	v5 =	vsub.f32 $0.0e+00, v5;
	v4 =	vmul.f32 v7, v4  }
0x1a8: {  	v7 =	vor.u32 $0x1, v3  }
0x1a9: {  	v5 =	vmul.f32 v4, v5  }
0x1aa: {  	v6 =	vmul.f32 v4, v6  }
0x1ab: {  	[tilespmem:v3+s29+$0x0] =	vst.idx.msk $0xffff, v5  }
0x1ac: {  	[tilespmem:v3+s30+$0x0] =	vst.idx.msk $0xffff, v6  }
0x1ad: {  	v6 =	vld.idx.msk [tilespmem:v7+s17+$0x0], $0xffff;
	_ =	sdelay $0x1  }
0x1ae: {  	v8 =	vld.idx.msk [tilespmem:v7+s18+$0x0], $0xffff;
	_ =	sdelay $0x3  }
0x1af: {  	v5 =	vadd.f32 v6, v2;
	_ =	sdelay $0x1  }
0x1b0: {  	v5 =	vadd.f32 v8, v5;
	_ =	sdelay $0x1  }
0x1b1: {  	(erf) = vrcp.f32 v5;
	_ =	sdelay $0x4  }
0x1b2: {  	v5 =	vld [tilespmem:$0xABF0];
	_ =	sdelay $0x3  }
0x1b3: {  	v9 =	vpop (erf)  }
0x1b4: {  	v6 =	vsub.f32 $0.0e+00, v6;
	v5 =	vmul.f32 v9, v5  }
0x1b5: {  	v9 =	vor.u32 $0x2, v3  }
0x1b6: {  	v6 =	vmul.f32 v5, v6  }
0x1b7: {  	v8 =	vmul.f32 v5, v8  }
0x1b8: {  	[tilespmem:v7+s29+$0x0] =	vst.idx.msk $0xffff, v6  }
0x1b9: {  	[tilespmem:v7+s30+$0x0] =	vst.idx.msk $0xffff, v8  }
0x1ba: {  	v6 =	vld.idx.msk [tilespmem:v9+s17+$0x0], $0xffff;
	_ =	sdelay $0x1  }
0x1bb: {  	v7 =	vld.idx.msk [tilespmem:v9+s18+$0x0], $0xffff;
	_ =	sdelay $0x3  }
0x1bc: {  	v8 =	vadd.f32 v6, v2;
	_ =	sdelay $0x1  }
0x1bd: {  	v8 =	vadd.f32 v7, v8;
	_ =	sdelay $0x1  }
0x1be: {  	(erf) = vrcp.f32 v8;
	_ =	sdelay $0x4  }
0x1bf: {  	v8 =	vld [tilespmem:$0xAC00];
	_ =	sdelay $0x3  }
0x1c0: {  	v10 =	vpop (erf)  }
0x1c1: {  	v6 =	vsub.f32 $0.0e+00, v6;
	v8 =	vmul.f32 v10, v8  }
0x1c2: {  	v10 =	vor.u32 $0x3, v3  }
0x1c3: {  	v6 =	vmul.f32 v8, v6  }
0x1c4: {  	v7 =	vmul.f32 v8, v7  }
0x1c5: {  	[tilespmem:v9+s29+$0x0] =	vst.idx.msk $0xffff, v6  }
0x1c6: {  	[tilespmem:v9+s30+$0x0] =	vst.idx.msk $0xffff, v7  }
0x1c7: {  	v6 =	vld.idx.msk [tilespmem:v10+s17+$0x0], $0xffff;
	_ =	sdelay $0x1  }
0x1c8: {  	v7 =	vld.idx.msk [tilespmem:v10+s18+$0x0], $0xffff;
	_ =	sdelay $0x3  }
0x1c9: {  	v9 =	vadd.f32 v6, v2;
	_ =	sdelay $0x1  }
0x1ca: {  	v9 =	vadd.f32 v7, v9;
	_ =	sdelay $0x1  }
0x1cb: {  	(erf) = vrcp.f32 v9;
	_ =	sdelay $0x4  }
0x1cc: {  	v9 =	vld [tilespmem:$0xAC10];
	_ =	sdelay $0x3  }
0x1cd: {  	v11 =	vpop (erf)  }
0x1ce: {  	v6 =	vsub.f32 $0.0e+00, v6;
	v9 =	vmul.f32 v11, v9  }
0x1cf: {  	v11 =	vor.u32 $0x4, v3  }
0x1d0: {  	v6 =	vmul.f32 v9, v6  }
0x1d1: {  	v7 =	vmul.f32 v9, v7  }
0x1d2: {  	[tilespmem:v10+s29+$0x0] =	vst.idx.msk $0xffff, v6  }
0x1d3: {  	[tilespmem:v10+s30+$0x0] =	vst.idx.msk $0xffff, v7  }
0x1d4: {  	v6 =	vld.idx.msk [tilespmem:v11+s17+$0x0], $0xffff  }
0x1d5: {  	v7 =	vld.idx.msk [tilespmem:v11+s18+$0x0], $0xffff  }
0x1d6: {  	v10 =	vld [tilespmem:$0xAC20];
	_ =	sdelay $0x3  }
0x1d7: {  	v12 =	vadd.f32 v6, v2;
	_ =	sdelay $0x1  }
0x1d8: {  	v12 =	vadd.f32 v7, v12;
	_ =	sdelay $0x1  }
0x1d9: {  	(erf) = vrcp.f32 v12;
	_ =	sdelay $0x8  }
0x1da: {  	v12 =	vpop (erf)  }
0x1db: {  	v6 =	vsub.f32 $0.0e+00, v6;
	v10 =	vmul.f32 v12, v10  }
0x1dc: {  	v3 =	vor.u32 $0x5, v3  }
0x1dd: {  	v6 =	vmul.f32 v10, v6  }
0x1de: {  	v7 =	vmul.f32 v10, v7  }
0x1df: {  	[tilespmem:v11+s29+$0x0] =	vst.idx.msk $0xffff, v6  }
0x1e0: {  	[tilespmem:v11+s30+$0x0] =	vst.idx.msk $0xffff, v7  }
0x1e1: {  	v6 =	vld.idx.msk [tilespmem:v3+s17+$0x0], $0xffff  }
0x1e2: {  	v7 =	vld.idx.msk [tilespmem:v3+s18+$0x0], $0xffff  }
0x1e3: {  	v11 =	vld [tilespmem:$0xAC30];
	_ =	sdelay $0x3  }
0x1e4: {  	v12 =	vadd.f32 v6, v2;
	_ =	sdelay $0x1  }
0x1e5: {  	v12 =	vadd.f32 v7, v12;
	_ =	sdelay $0x1  }
0x1e6: {  	(erf) = vrcp.f32 v12;
	_ =	sdelay $0x1  }
0x1e7: {  	v4 =	vadd.f32 $0.0e+00, v4;
	_ =	sdelay $0x1  }
0x1e8: {  	v4 =	vadd.f32 v5, v4;
	_ =	sdelay $0x1  }
0x1e9: {  	v4 =	vadd.f32 v8, v4;
	_ =	sdelay $0x1  }
0x1ea: {  	v4 =	vadd.f32 v9, v4  }
0x1eb: {  	v5 =	vpop (erf)  }
0x1ec: {  	v4 =	vadd.f32 v10, v4;
	v6 =	vsub.f32 $0.0e+00, v6;
	v5 =	vmul.f32 v5, v11;
	_ =	sdelay $0x1  }
.Ltmp1:
0x1ed: {  	v6 =	vmul.f32 v5, v6;
	v7 =	vmul.f32 v5, v7;
	v4 =	vadd.f32 v5, v4;
	(pc) =	sbr.rel @p0 .LBB2_5-.Ltmp1, $4  }
0x1ee: {  	_ = 	snop  }
0x1ef: {  	[tilespmem:v3+s29+$0x0] =	vst.idx.msk $0xffff, v6;
	v2 =	vmul.f32 v4, v2  }
0x1f0: {  	[tilespmem:v3+s30+$0x0] =	vst.idx.msk $0xffff, v7  }
0x1f1: {  	v1 =	vsub.f32 v1, v2  }
0x1f2: {  	_ = 	snop  }
0x1f3: {  	[tilespmem:s3+$0x0] =	vst v1  }
0x1f4: {  	[spmem:s6] =	stream.indirect.scatter.add.f32 [tilespmem:s29], [sflag:$0x6], $0x8, s31, s31, $0xb8;
	[tilespmem:$0x16FE0] =	vst v63  }
0x1f5: {  	_ =	swait.ge [sflag:s28], $0x1900  }
0x1f6: {  	[sflag:s28] =	ssyncset.done $0x0  }
0x1f7: {  	[sflag:s28] =	ssyncadd.s32 $0xFFFFE700  }
0x1f8: {  	[spmem:s6] =	stream.indirect.scatter.add.f32 [tilespmem:s30], [sflag:$0x6], $0x8, s13, s31, $0xb8;
	[tilespmem:$0x16FE0] =	vst v63  }
0x1f9: {  	_ =	swait.ge [sflag:s28], $0x1900  }
0x1fa: {  	s4 =	rddreg [dreg:$0xd]  }
0x1fb: {  	[sflag:s28] =	ssyncset.done $0x0;
	s3 =	sadd.s32 s21, s4  }
0x1fc: {  	s2 =	smin.u32 s2, $0x79;
	[sflag:s28] =	ssyncadd.s32 $0xFFFFE700;
	s3 =	sshrl.u32 s3, $0x3  }
0x1fd: {  	s4 =	simm.s32 $0x0;
	s21 =	simm.s32 $0xA8C0;
	s3 =	sadd.s32 s26, s3  }
0x1fe: {  	[hbm4b:s3+s4] =	stream.linear.scatter [tilespmem:s21], [sflag:$0x6], $0x320, $0x38;
	[tilespmem:$0x16FE0] =	vst v63  }
0x1ff: {  	s2 =	smul.u32 $0x320, s2;
	_ =	swait.ge [sflag:s28], $0x320  }
0x200: {  	s5 =	rddreg [dreg:$0x17]  }
0x201: {  	s2 =	sadd.s32 s2, s5  }
0x202: {  	[sflag:s28] =	ssyncset.done $0x0;
	s2 =	sshrl.u32 s2, $0x3  }
0x203: {  	[sflag:s28] =	ssyncadd.s32 $0xFFFFFCE0;
	s22 =	sadd.s32 s0, s2  }
0x204: {  	[tilespmem:s31], [sflag:$0x5] =	stream.linear.gather [hbm4b:s22+s4], $0x320, $0x38;
	[tilespmem:$0x16FE0] =	vst v63  }
0x205: {  	s5 =	sadd.s32 s25, s2  }
0x206: {  	[tilespmem:s13], [sflag:$0x5] =	stream.linear.gather [hbm4b:s5+s4], $0x320, $0x38;
	[tilespmem:$0x16FE0] =	vst v63  }
0x207: {  	s2 =	sadd.s32 s15, s2;
	s5 =	smov.u32 s15;
	s15 =	simm.s32 $0xFA0  }
0x208: {  	[tilespmem:s15], [sflag:$0x5] =	stream.linear.gather [hbm4b:s2+s4], $0x320, $0x38;
	[tilespmem:$0x16FE0] =	vst v63  }
0x209: {  	_ =	swait.ge [sflag:s9], $0x320  }
0x20a: {  	[sflag:s9] =	ssyncset.done $0x0  }
0x20b: {  	[sflag:s9] =	ssyncadd.s32 $0xFFFFFCE0  }
0x20c: {  	_ =	swait.ge [sflag:s9], $0x320  }
0x20d: {  	[sflag:s9] =	ssyncset.done $0x0  }
0x20e: {  	[sflag:s9] =	ssyncadd.s32 $0xFFFFFCE0  }
0x20f: {  	_ =	swait.ge [sflag:s9], $0x320  }
0x210: {  	[sflag:s9] =	ssyncset.done $0x0  }
0x211: {  	[sflag:s9] =	ssyncadd.s32 $0xFFFFFCE0  }
0x212: {  	s22 =	rddreg [dreg:$0x0]  }
0x213: {  	[tilespmem:s17], [sflag:$0x2] =	stream.indirect.gather [hbm4b:s22+s31], $0x8, s31, s31, $0xb8;
	[tilespmem:$0x16FE0] =	vst v63  }
0x214: {  	_ = 	snop  }
0x215: {  	[tilespmem:s18], [sflag:$0x4] =	stream.indirect.gather [hbm4b:s8+s31], $0x8, s13, s31, $0xb8;
	[tilespmem:$0x16FE0] =	vst v63  }
0x216: {  	_ =	swait.ge [sflag:s19], $0x1900  }
0x217: {  	[sflag:s19] =	ssyncset.done $0x0  }
0x218: {  	[sflag:s19] =	ssyncadd.s32 $0xFFFFE700  }
0x219: {  	_ =	swait.ge [sflag:s20], $0x1900  }
0x21a: {  	[sflag:s20] =	ssyncset.done $0x0  }
0x21b: {  	s22 =	simm.s32 $0xC80;
	[sflag:s20] =	ssyncadd.s32 $0xFFFFE700  }
0x21c: {  	v1 =	vld [tilespmem:s22+$0x0];
	_ =	sdelay $0x4  }
0x21d: {  	v2 =	vsub.f32 $0.0e+00, v1;
	_ =	sdelay $0x1  }
0x21e: {  	v3 =	vmov s4;
	v2 =	vmul.f32 $1.442695020e+00, v2  }
0x21f: {  	v3 =	vshll.u32 v3, $0x3  }
0x220: {  	v3 =	vor.u32 v0, v3;
	(erf) = vpow2.f32 v2;
	_ =	sdelay $0x4  }
0x221: {  	v2 =	vld.idx.msk [tilespmem:v3+s10+$0x0], $0xffff;
	_ =	sdelay $0x1  }
0x222: {  	v4 =	vld.idx.msk [tilespmem:v3+s12+$0x0], $0xffff;
	_ =	sdelay $0x1  }
0x223: {  	v5 =	vpop (erf)  }
0x224: {  	v6 =	vadd.f32 v5, v2;
	_ =	sdelay $0x1  }
0x225: {  	v6 =	vadd.f32 v6, v4;
	_ =	sdelay $0x1  }
0x226: {  	(erf) = vrcp.f32 v6;
	_ =	sdelay $0x4  }
0x227: {  	v49 =	vld [tilespmem:$0xABE0];
	_ =	sdelay $0x3  }
0x228: {  	v7 =	vpop (erf)  }
0x229: {  	v2 =	vsub.f32 $0.0e+00, v2;
	v6 =	vmul.f32 v7, v49  }
0x22a: {  	v50 =	vor.u32 $0x1, v3  }
0x22b: {  	v2 =	vmul.f32 v6, v2  }
0x22c: {  	v4 =	vmul.f32 v6, v4  }
0x22d: {  	[tilespmem:v3+s29+$0x0] =	vst.idx.msk $0xffff, v2  }
0x22e: {  	[tilespmem:v3+s30+$0x0] =	vst.idx.msk $0xffff, v4  }
0x22f: {  	v2 =	vld.idx.msk [tilespmem:v50+s10+$0x0], $0xffff;
	_ =	sdelay $0x1  }
0x230: {  	v4 =	vld.idx.msk [tilespmem:v50+s12+$0x0], $0xffff;
	_ =	sdelay $0x2  }
0x231: {  	v8 =	vadd.f32 v2, v5;
	_ =	sdelay $0x1  }
0x232: {  	v8 =	vadd.f32 v4, v8;
	_ =	sdelay $0x1  }
0x233: {  	(erf) = vrcp.f32 v8;
	_ =	sdelay $0x4  }
0x234: {  	v51 =	vld [tilespmem:$0xABF0];
	_ =	sdelay $0x3  }
0x235: {  	v9 =	vpop (erf)  }
0x236: {  	v2 =	vsub.f32 $0.0e+00, v2;
	v8 =	vmul.f32 v9, v51  }
0x237: {  	v52 =	vor.u32 $0x2, v3  }
0x238: {  	v2 =	vmul.f32 v8, v2  }
0x239: {  	v4 =	vmul.f32 v8, v4  }
0x23a: {  	[tilespmem:v50+s29+$0x0] =	vst.idx.msk $0xffff, v2  }
0x23b: {  	[tilespmem:v50+s30+$0x0] =	vst.idx.msk $0xffff, v4  }
0x23c: {  	v2 =	vld.idx.msk [tilespmem:v52+s10+$0x0], $0xffff;
	_ =	sdelay $0x1  }
0x23d: {  	v4 =	vld.idx.msk [tilespmem:v52+s12+$0x0], $0xffff;
	_ =	sdelay $0x2  }
0x23e: {  	v53 =	vadd.f32 v2, v5;
	_ =	sdelay $0x1  }
0x23f: {  	v7 =	vadd.f32 v4, v53;
	_ =	sdelay $0x1  }
0x240: {  	(erf) = vrcp.f32 v7;
	_ =	sdelay $0x4  }
0x241: {  	v54 =	vld [tilespmem:$0xAC00];
	_ =	sdelay $0x3  }
0x242: {  	v10 =	vpop (erf)  }
0x243: {  	v2 =	vsub.f32 $0.0e+00, v2;
	v7 =	vmul.f32 v10, v54  }
0x244: {  	v55 =	vor.u32 $0x3, v3  }
0x245: {  	v2 =	vmul.f32 v7, v2  }
0x246: {  	v4 =	vmul.f32 v7, v4  }
0x247: {  	[tilespmem:v52+s29+$0x0] =	vst.idx.msk $0xffff, v2  }
0x248: {  	[tilespmem:v52+s30+$0x0] =	vst.idx.msk $0xffff, v4  }
0x249: {  	v2 =	vld.idx.msk [tilespmem:v55+s10+$0x0], $0xffff;
	_ =	sdelay $0x1  }
0x24a: {  	v4 =	vld.idx.msk [tilespmem:v55+s12+$0x0], $0xffff;
	_ =	sdelay $0x2  }
0x24b: {  	v56 =	vadd.f32 v2, v5;
	_ =	sdelay $0x1  }
0x24c: {  	v9 =	vadd.f32 v4, v56;
	_ =	sdelay $0x1  }
0x24d: {  	(erf) = vrcp.f32 v9;
	_ =	sdelay $0x4  }
0x24e: {  	v57 =	vld [tilespmem:$0xAC10];
	_ =	sdelay $0x3  }
0x24f: {  	v11 =	vpop (erf)  }
0x250: {  	v2 =	vsub.f32 $0.0e+00, v2;
	v9 =	vmul.f32 v11, v57  }
0x251: {  	v58 =	vor.u32 $0x4, v3  }
0x252: {  	v2 =	vmul.f32 v9, v2  }
0x253: {  	v4 =	vmul.f32 v9, v4  }
0x254: {  	[tilespmem:v55+s29+$0x0] =	vst.idx.msk $0xffff, v2  }
0x255: {  	[tilespmem:v55+s30+$0x0] =	vst.idx.msk $0xffff, v4  }
0x256: {  	v2 =	vld.idx.msk [tilespmem:v58+s10+$0x0], $0xffff;
	_ =	sdelay $0x1  }
0x257: {  	v4 =	vld.idx.msk [tilespmem:v58+s12+$0x0], $0xffff;
	_ =	sdelay $0x2  }
0x258: {  	v59 =	vadd.f32 v2, v5;
	_ =	sdelay $0x1  }
0x259: {  	v10 =	vadd.f32 v4, v59;
	_ =	sdelay $0x1  }
0x25a: {  	(erf) = vrcp.f32 v10;
	_ =	sdelay $0x4  }
0x25b: {  	v60 =	vld [tilespmem:$0xAC20];
	_ =	sdelay $0x3  }
0x25c: {  	v12 =	vpop (erf)  }
0x25d: {  	v2 =	vsub.f32 $0.0e+00, v2;
	v10 =	vmul.f32 v12, v60  }
0x25e: {  	v3 =	vor.u32 $0x5, v3  }
0x25f: {  	v2 =	vmul.f32 v10, v2  }
0x260: {  	v4 =	vmul.f32 v10, v4  }
0x261: {  	[tilespmem:v58+s29+$0x0] =	vst.idx.msk $0xffff, v2  }
0x262: {  	[tilespmem:v58+s30+$0x0] =	vst.idx.msk $0xffff, v4  }
0x263: {  	v2 =	vld.idx.msk [tilespmem:v3+s10+$0x0], $0xffff;
	_ =	sdelay $0x1  }
0x264: {  	v4 =	vld.idx.msk [tilespmem:v3+s12+$0x0], $0xffff;
	_ =	sdelay $0x2  }
0x265: {  	v61 =	vadd.f32 v2, v5;
	_ =	sdelay $0x1  }
0x266: {  	v11 =	vadd.f32 v4, v61;
	_ =	sdelay $0x1  }
0x267: {  	(erf) = vrcp.f32 v11;
	_ =	sdelay $0x1  }
0x268: {  	v6 =	vadd.f32 $0.0e+00, v6;
	_ =	sdelay $0x1  }
0x269: {  	v6 =	vadd.f32 v8, v6  }
0x26a: {  	v62 =	vld [tilespmem:$0xAC30]  }
0x26b: {  	v6 =	vadd.f32 v7, v6;
	_ =	sdelay $0x1  }
0x26c: {  	v6 =	vadd.f32 v9, v6  }
0x26d: {  	v63 =	vpop (erf)  }
0x26e: {  	v6 =	vadd.f32 v10, v6;
	v7 =	vmul.f32 v63, v62  }
0x26f: {  	v2 =	vsub.f32 $0.0e+00, v2  }
0x270: {  	v6 =	vadd.f32 v7, v6  }
0x271: {  	v2 =	vmul.f32 v7, v2  }
0x272: {  	v4 =	vmul.f32 v7, v4;
	v5 =	vmul.f32 v6, v5  }
0x273: {  	[tilespmem:v3+s29+$0x0] =	vst.idx.msk $0xffff, v2  }
0x274: {  	s2 =	simm.s32 $0x10;
	[tilespmem:v3+s30+$0x0] =	vst.idx.msk $0xffff, v4;
	v1 =	vsub.f32 v1, v5  }
.LBB2_7:
0x275: {  	_ = 	snop  }
0x276: {  	p0 =	sne.s32 s2, $0x310;
	s22 =	sadd.s32 $0x10, s22;
	[tilespmem:s21+$0x0] =	vst v1;
	s21 =	sadd.s32 $0x10, s21  }
0x277: {  	s3 =	smov.u32 s2;
	s2 =	sadd.s32 $0x10, s2;
	v1 =	vld [tilespmem:s22+$0x0];
	_ =	sdelay $0x4  }
0x278: {  	v2 =	vsub.f32 $0.0e+00, v1  }
0x279: {  	v3 =	vmov s3  }
0x27a: {  	v3 =	vshll.u32 v3, $0x3;
	v2 =	vmul.f32 $1.442695020e+00, v2  }
0x27b: {  	v3 =	vor.u32 v0, v3  }
0x27c: {  	(erf) = vpow2.f32 v2;
	_ =	sdelay $0x3  }
0x27d: {  	v5 =	vld.idx.msk [tilespmem:v3+s10+$0x0], $0xffff;
	_ =	sdelay $0x1  }
0x27e: {  	v6 =	vld.idx.msk [tilespmem:v3+s12+$0x0], $0xffff;
	_ =	sdelay $0x2  }
0x27f: {  	v2 =	vpop (erf)  }
0x280: {  	v4 =	vadd.f32 v2, v5;
	_ =	sdelay $0x1  }
0x281: {  	v4 =	vadd.f32 v4, v6;
	_ =	sdelay $0x1  }
0x282: {  	(erf) = vrcp.f32 v4;
	_ =	sdelay $0x4  }
0x283: {  	v4 =	vld [tilespmem:$0xABE0];
	_ =	sdelay $0x3  }
0x284: {  	v7 =	vpop (erf)  }
0x285: {  	v5 =	vsub.f32 $0.0e+00, v5;
	v4 =	vmul.f32 v7, v4  }
0x286: {  	v7 =	vor.u32 $0x1, v3  }
0x287: {  	v5 =	vmul.f32 v4, v5  }
0x288: {  	v6 =	vmul.f32 v4, v6  }
0x289: {  	[tilespmem:v3+s29+$0x0] =	vst.idx.msk $0xffff, v5  }
0x28a: {  	[tilespmem:v3+s30+$0x0] =	vst.idx.msk $0xffff, v6  }
0x28b: {  	v6 =	vld.idx.msk [tilespmem:v7+s10+$0x0], $0xffff;
	_ =	sdelay $0x1  }
0x28c: {  	v8 =	vld.idx.msk [tilespmem:v7+s12+$0x0], $0xffff;
	_ =	sdelay $0x3  }
0x28d: {  	v5 =	vadd.f32 v6, v2;
	_ =	sdelay $0x1  }
0x28e: {  	v5 =	vadd.f32 v8, v5;
	_ =	sdelay $0x1  }
0x28f: {  	(erf) = vrcp.f32 v5;
	_ =	sdelay $0x4  }
0x290: {  	v5 =	vld [tilespmem:$0xABF0];
	_ =	sdelay $0x3  }
0x291: {  	v9 =	vpop (erf)  }
0x292: {  	v6 =	vsub.f32 $0.0e+00, v6;
	v5 =	vmul.f32 v9, v5  }
0x293: {  	v9 =	vor.u32 $0x2, v3  }
0x294: {  	v6 =	vmul.f32 v5, v6  }
0x295: {  	v8 =	vmul.f32 v5, v8  }
0x296: {  	[tilespmem:v7+s29+$0x0] =	vst.idx.msk $0xffff, v6  }
0x297: {  	[tilespmem:v7+s30+$0x0] =	vst.idx.msk $0xffff, v8  }
0x298: {  	v6 =	vld.idx.msk [tilespmem:v9+s10+$0x0], $0xffff;
	_ =	sdelay $0x1  }
0x299: {  	v7 =	vld.idx.msk [tilespmem:v9+s12+$0x0], $0xffff;
	_ =	sdelay $0x3  }
0x29a: {  	v8 =	vadd.f32 v6, v2;
	_ =	sdelay $0x1  }
0x29b: {  	v8 =	vadd.f32 v7, v8;
	_ =	sdelay $0x1  }
0x29c: {  	(erf) = vrcp.f32 v8;
	_ =	sdelay $0x4  }
0x29d: {  	v8 =	vld [tilespmem:$0xAC00];
	_ =	sdelay $0x3  }
0x29e: {  	v10 =	vpop (erf)  }
0x29f: {  	v6 =	vsub.f32 $0.0e+00, v6;
	v8 =	vmul.f32 v10, v8  }
0x2a0: {  	v10 =	vor.u32 $0x3, v3  }
0x2a1: {  	v6 =	vmul.f32 v8, v6  }
0x2a2: {  	v7 =	vmul.f32 v8, v7  }
0x2a3: {  	[tilespmem:v9+s29+$0x0] =	vst.idx.msk $0xffff, v6  }
0x2a4: {  	[tilespmem:v9+s30+$0x0] =	vst.idx.msk $0xffff, v7  }
0x2a5: {  	v6 =	vld.idx.msk [tilespmem:v10+s10+$0x0], $0xffff;
	_ =	sdelay $0x1  }
0x2a6: {  	v7 =	vld.idx.msk [tilespmem:v10+s12+$0x0], $0xffff;
	_ =	sdelay $0x3  }
0x2a7: {  	v9 =	vadd.f32 v6, v2;
	_ =	sdelay $0x1  }
0x2a8: {  	v9 =	vadd.f32 v7, v9;
	_ =	sdelay $0x1  }
0x2a9: {  	(erf) = vrcp.f32 v9;
	_ =	sdelay $0x4  }
0x2aa: {  	v9 =	vld [tilespmem:$0xAC10];
	_ =	sdelay $0x3  }
0x2ab: {  	v11 =	vpop (erf)  }
0x2ac: {  	v6 =	vsub.f32 $0.0e+00, v6;
	v9 =	vmul.f32 v11, v9  }
0x2ad: {  	v11 =	vor.u32 $0x4, v3  }
0x2ae: {  	v6 =	vmul.f32 v9, v6  }
0x2af: {  	v7 =	vmul.f32 v9, v7  }
0x2b0: {  	[tilespmem:v10+s29+$0x0] =	vst.idx.msk $0xffff, v6  }
0x2b1: {  	[tilespmem:v10+s30+$0x0] =	vst.idx.msk $0xffff, v7  }
0x2b2: {  	v6 =	vld.idx.msk [tilespmem:v11+s10+$0x0], $0xffff  }
0x2b3: {  	v7 =	vld.idx.msk [tilespmem:v11+s12+$0x0], $0xffff  }
0x2b4: {  	v10 =	vld [tilespmem:$0xAC20];
	_ =	sdelay $0x3  }
0x2b5: {  	v12 =	vadd.f32 v6, v2;
	_ =	sdelay $0x1  }
0x2b6: {  	v12 =	vadd.f32 v7, v12;
	_ =	sdelay $0x1  }
0x2b7: {  	(erf) = vrcp.f32 v12;
	_ =	sdelay $0x8  }
0x2b8: {  	v12 =	vpop (erf)  }
0x2b9: {  	v6 =	vsub.f32 $0.0e+00, v6;
	v10 =	vmul.f32 v12, v10  }
0x2ba: {  	v3 =	vor.u32 $0x5, v3  }
0x2bb: {  	v6 =	vmul.f32 v10, v6  }
0x2bc: {  	v7 =	vmul.f32 v10, v7  }
0x2bd: {  	[tilespmem:v11+s29+$0x0] =	vst.idx.msk $0xffff, v6  }
0x2be: {  	[tilespmem:v11+s30+$0x0] =	vst.idx.msk $0xffff, v7  }
0x2bf: {  	v6 =	vld.idx.msk [tilespmem:v3+s10+$0x0], $0xffff  }
0x2c0: {  	v7 =	vld.idx.msk [tilespmem:v3+s12+$0x0], $0xffff  }
0x2c1: {  	v11 =	vld [tilespmem:$0xAC30];
	_ =	sdelay $0x3  }
0x2c2: {  	v12 =	vadd.f32 v6, v2;
	_ =	sdelay $0x1  }
0x2c3: {  	v12 =	vadd.f32 v7, v12;
	_ =	sdelay $0x1  }
0x2c4: {  	(erf) = vrcp.f32 v12;
	_ =	sdelay $0x1  }
0x2c5: {  	v4 =	vadd.f32 $0.0e+00, v4;
	_ =	sdelay $0x1  }
0x2c6: {  	v4 =	vadd.f32 v5, v4;
	_ =	sdelay $0x1  }
0x2c7: {  	v4 =	vadd.f32 v8, v4;
	_ =	sdelay $0x1  }
0x2c8: {  	v4 =	vadd.f32 v9, v4  }
0x2c9: {  	v5 =	vpop (erf)  }
0x2ca: {  	v4 =	vadd.f32 v10, v4;
	v6 =	vsub.f32 $0.0e+00, v6;
	v5 =	vmul.f32 v5, v11;
	_ =	sdelay $0x1  }
.Ltmp2:
0x2cb: {  	v6 =	vmul.f32 v5, v6;
	v7 =	vmul.f32 v5, v7;
	v4 =	vadd.f32 v5, v4;
	(pc) =	sbr.rel @p0 .LBB2_7-.Ltmp2, $4  }
0x2cc: {  	_ = 	snop  }
0x2cd: {  	[tilespmem:v3+s29+$0x0] =	vst.idx.msk $0xffff, v6;
	v2 =	vmul.f32 v4, v2  }
0x2ce: {  	[tilespmem:v3+s30+$0x0] =	vst.idx.msk $0xffff, v7  }
0x2cf: {  	v1 =	vsub.f32 v1, v2  }
0x2d0: {  	_ = 	snop  }
0x2d1: {  	[tilespmem:s21+$0x0] =	vst v1  }
0x2d2: {  	[spmem:s6] =	stream.indirect.scatter.add.f32 [tilespmem:s29], [sflag:$0x6], $0x8, s7, s31, $0xb8;
	[tilespmem:$0x16FE0] =	vst v63  }
0x2d3: {  	_ =	swait.ge [sflag:s28], $0x1900  }
0x2d4: {  	[sflag:s28] =	ssyncset.done $0x0  }
0x2d5: {  	[sflag:s28] =	ssyncadd.s32 $0xFFFFE700  }
0x2d6: {  	[spmem:s6] =	stream.indirect.scatter.add.f32 [tilespmem:s30], [sflag:$0x6], $0x8, s1, s31, $0xb8;
	[tilespmem:$0x16FE0] =	vst v63  }
0x2d7: {  	s14 =	sadd.s32 $0x1, s14;
	_ =	swait.ge [sflag:s28], $0x1900  }
0x2d8: {  	s2 =	sadd.s32 s26, s16;
	p0 =	sne.s32 s14, $0x3E;
	[sflag:s28] =	ssyncset.done $0x0  }
.Ltmp3:
0x2d9: {  	s3 =	simm.s32 $0xA8C0;
	[sflag:s28] =	ssyncadd.s32 $0xFFFFE700;
	(pc) =	sbr.rel @p0 .LBB2_4-.Ltmp3, $4  }
0x2da: {  	[hbm4b:s2+s7] =	stream.linear.scatter [tilespmem:s3], [sflag:$0x6], $0x320, $0x38;
	[tilespmem:$0x16FE0] =	vst v63  }
0x2db: {  	_ =	swait.ge [sflag:s28], $0x320  }
0x2dc: {  	[sflag:s28] =	ssyncset.done $0x0  }
0x2dd: {  	[sflag:s28] =	ssyncadd.s32 $0xFFFFFCE0  }
0x2de: {  	_ =	swait.ge [sflag:s23], $0x1900  }
0x2df: {  	[sflag:s23] =	ssyncset.done $0x0  }
0x2e0: {  	[sflag:s23] =	ssyncadd.s32 $0xFFFFE700  }
0x2e1: {  	_ =	swait.ge [sflag:s24], $0x1900  }
0x2e2: {  	[sflag:s24] =	ssyncset.done $0x0  }
0x2e3: {  	[sflag:s24] =	ssyncadd.s32 $0xFFFFE700  }
0x2e4: {  	[bflag:$0x0] =	sbarrier.arrive $0xFFFF  }
0x2e5: {  	s14 =	rddreg [dreg:$0xc]  }
0x2e6: {  	s2 =	rddreg [dreg:$0x12]  }
0x2e7: {  	s3 =	rddreg [dreg:$0x1a]  }
0x2e8: {  	[hbm:s2], [sflag:s14] =	dma.local [spmem:s3], $0x1870  }
0x2e9: {  	_ =	swait.ge [sflag:s28], $0x1870  }
0x2ea: {  	s21 =	rddreg [dreg:$0x19]  }
0x2eb: {  	s22 =	rddreg [dreg:$0x16];
	s3 =	sadd.s32 $0x1, s21  }
0x2ec: {  	p0 =	sne.s32 s3, s22  }
.Ltmp4:
0x2ed: {  	_ = 	snop;
	(pc) =	sbr.rel @p0 .LBB2_1-.Ltmp4, $3  }
0x2ee: {  	_ =	sdelay $0x1  }
0x2ef: {  	[sflag:s28] =	ssyncset.done $0x0  }
0x2f0: {  	[sflag:s28] =	ssyncadd.s32 $0xFFFFE790  }
0x2f1: {  	_ =	sfence.sel $0x180000  }
0x2f2: {  	[bflag:$0x0] =	sbarrier.arrive $0xFFFF  }
0x2f3: {  	_ =	strace $0x90000047  }
0x2f4: {  	s0 =	stileid.u32;
	[bflag:$0x2] =	sbarrier.arrive $0xFFFF  }
0x2f5: {  	p0 =	sne.s32 s0, $0x0;
	s0 =	rddreg [dreg:$0x7]  }
0x2f6: {  	s0 =	sadd.s32 @!p0 $0x100000, s0  }
0x2f7: {  	[sflag:s0] =	ssyncadd.tile.s32 @!p0 $0x1;
	_ =	shalt  }
.Lfunc_end2:
_tile_overlayer_lowered:
.L_overlay_start_2:
0x2f8: {  	(tag) =	ssettag $0x2  }
0x2f9: {  	s0 =	rddreg [dreg:$0x0];
	s2 =	stileid.u32  }
0x2fa: {  	s1 =	rddreg [dreg:$0x1];
	p0 =	sne.s32 s2, $0x0  }
0x2fb: {  	s3 =	rddreg [dreg:$0x2];
	[bflag:$0x3] =	sbarrier.arrive $0xFFFF;
	s2 =	simm.s32 @!p0 $0x1C06  }
0x2fc: {  	[timem:s3], [sflag:s2] =	dma.local @!p0 [hbm:s0], s1  }
0x2fd: {  	s0 =	simm.s32 @!p0 $0x6  }
0x2fe: {  	_ =	swait.ge @!p0 [sflag:s0], s1  }
0x2ff: {  	s1 =	ssub.s32 @!p0 $0x0, s1;
	[sflag:s0] =	ssyncset.done @!p0 $0x0  }
0x300: {  	[sflag:s0] =	ssyncadd.s32 @!p0 s1  }
0x301: {  	[bflag:$0x3] =	sbarrier.arrive $0xFFFF  }
0x302: {  	_ =	shalt  }

</sc_bundles>
